<compile_context>
chip_gen: v7x
topology: tpu7x:2x2x1
jax: 0.10.2.dev20260603
libtpu: 0.0.44.dev20260713+nightly
codegen_flags: <defaults>
</compile_context>

<pallas_src>
import jax
import jax.numpy as jnp
from jax import lax
from jax.experimental import pallas as pl
from jax.experimental.pallas import tpu as pltpu
from jax.experimental.pallas import tpu_sc as plsc

N_NODES = 10000
N_EDGES = 320000
D = 128

NC = 2
NS = 16
NW = NC * NS
E_PT = N_EDGES // NW
CHUNK = 80
NCHUNK = E_PT // CHUNK
NB = 4
NGROUP = 31
ROWS_A = 632
ROWS_LAST = N_NODES - ROWS_A * (NS - 1)
DEG_W = 128

_mesh = plsc.VectorSubcoreMesh(core_axis_name="c", subcore_axis_name="s",
                               num_cores=NC, num_subcores=NS)


def _zero_acc(sid, zeros_hbm, acc):
    row0 = sid * ROWS_A

    @pl.when(sid < NS - 1)
    def _():
        pltpu.sync_copy(zeros_hbm.at[pl.ds(0, ROWS_A)], acc.at[pl.ds(row0, ROWS_A)])

    @pl.when(sid == NS - 1)
    def _():
        pltpu.sync_copy(zeros_hbm.at[pl.ds(0, ROWS_LAST)],
                        acc.at[pl.ds(row0, ROWS_LAST)])


def _copy_out(sid, cid, acc, out_hbm):
    row0 = sid * ROWS_A

    @pl.when(sid < NS - 1)
    def _():
        pltpu.sync_copy(acc.at[pl.ds(row0, ROWS_A)],
                        out_hbm.at[cid, pl.ds(row0, ROWS_A)])

    @pl.when(sid == NS - 1)
    def _():
        pltpu.sync_copy(acc.at[pl.ds(row0, ROWS_LAST)],
                        out_hbm.at[cid, pl.ds(row0, ROWS_LAST)])


DCHUNK = 128
DNCHUNK = 80
D_E_PT = DCHUNK * DNCHUNK
DNGROUP = DNCHUNK // NB
PAD_ROW = N_NODES
NPD = N_NODES + 8


def _deg_body(dst_hbm, ones_hbm, zeros_hbm, out_hbm,
              didx2, ones_v, acc, s0, s1, s2, s3):
    cid = lax.axis_index("c")
    sid = lax.axis_index("s")
    wid = cid * NS + sid
    sems = [s0, s1, s2, s3]
    row0 = sid * ROWS_A
    last = NPD - ROWS_A * (NS - 1)

    pltpu.sync_copy(ones_hbm, ones_v)

    @pl.when(sid < NS - 1)
    def _():
        pltpu.sync_copy(zeros_hbm.at[pl.ds(0, ROWS_A)], acc.at[pl.ds(row0, ROWS_A)])

    @pl.when(sid == NS - 1)
    def _():
        pltpu.sync_copy(zeros_hbm.at[pl.ds(0, last)], acc.at[pl.ds(row0, last)])

    plsc.subcore_barrier()
    pltpu.sync_copy(dst_hbm.at[wid], didx2)

    for b in range(NB):
        pltpu.async_copy(ones_v, acc.at[didx2.at[b]], sems[b], add=True)

    def group(g, carry):
        for b in range(NB):
            pltpu.make_async_copy(ones_v, acc.at[didx2.at[0]], sems[b]).wait()
            jn = (g + 1) * NB + b

            @pl.when(jn < DNCHUNK)
            def _():
                pltpu.async_copy(ones_v, acc.at[didx2.at[jn]], sems[b], add=True)

        return carry

    lax.fori_loop(0, DNGROUP, group, None)

    plsc.subcore_barrier()

    @pl.when(sid < NS - 1)
    def _():
        pltpu.sync_copy(acc.at[pl.ds(row0, ROWS_A)],
                        out_hbm.at[cid, pl.ds(row0, ROWS_A)])

    @pl.when(sid == NS - 1)
    def _():
        pltpu.sync_copy(acc.at[pl.ds(row0, last)],
                        out_hbm.at[cid, pl.ds(row0, last)])


_deg_kernel = pl.kernel(
    _deg_body,
    out_type=jax.ShapeDtypeStruct((NC, NPD, DEG_W), jnp.float32),
    mesh=_mesh,
    scratch_types=[
        pltpu.VMEM((DNCHUNK, DCHUNK), jnp.int32),
        pltpu.VMEM((DCHUNK, DEG_W), jnp.float32),
        pltpu.VMEM_SHARED((NPD, DEG_W), jnp.float32),
        pltpu.SemaphoreType.DMA,
        pltpu.SemaphoreType.DMA,
        pltpu.SemaphoreType.DMA,
        pltpu.SemaphoreType.DMA,
    ],
)



def _agg_body(hp_hbm, src_hbm, dst_hbm, zeros_hbm, out_hbm,
              si0, si1, si2, si3, di0, di1, di2, di3,
              r0, r1, r2, r3, acc,
              ia, ib, ic, id_, ga, gb, gc, gd, sa, sb, sc, sd):
    cid = lax.axis_index("c")
    sid = lax.axis_index("s")
    wid = cid * NS + sid
    sidx = [si0, si1, si2, si3]
    didx = [di0, di1, di2, di3]
    rows = [r0, r1, r2, r3]
    semi = [ia, ib, ic, id_]
    semg = [ga, gb, gc, gd]
    sems = [sa, sb, sc, sd]
    LAST = NGROUP * NB

    base = wid * E_PT

    _zero_acc(sid, zeros_hbm, acc)
    plsc.subcore_barrier()

    for b in range(NB):
        pltpu.async_copy(src_hbm.at[pl.ds(base + b * CHUNK, CHUNK)], sidx[b], semi[b])
        pltpu.async_copy(dst_hbm.at[pl.ds(base + b * CHUNK, CHUNK)], didx[b], semi[b])
    for b in range(NB):
        pltpu.make_async_copy(src_hbm.at[pl.ds(0, CHUNK)], sidx[b], semi[b]).wait()
        pltpu.make_async_copy(dst_hbm.at[pl.ds(0, CHUNK)], didx[b], semi[b]).wait()
        pltpu.async_copy(hp_hbm.at[sidx[b]], rows[b], semg[b])

    def group(g, carry):
        for b in range(NB):
            pltpu.make_async_copy(hp_hbm.at[sidx[0]], rows[b], semg[b]).wait()
            pltpu.async_copy(rows[b], acc.at[didx[b]], sems[b], add=True)
        for b in range(NB):
            jn = (g + 1) * NB + b
            pltpu.make_async_copy(rows[b], acc.at[didx[0]], sems[b]).wait()

            @pl.when(jn < LAST)
            def _():
                off = base + jn * CHUNK
                pltpu.async_copy(src_hbm.at[pl.ds(off, CHUNK)], sidx[b], semi[b])
                pltpu.async_copy(dst_hbm.at[pl.ds(off, CHUNK)], didx[b], semi[b])
                pltpu.make_async_copy(src_hbm.at[pl.ds(0, CHUNK)], sidx[b], semi[b]).wait()
                pltpu.make_async_copy(dst_hbm.at[pl.ds(0, CHUNK)], didx[b], semi[b]).wait()
                pltpu.async_copy(hp_hbm.at[sidx[b]], rows[b], semg[b])

        return carry

    lax.fori_loop(0, NGROUP, group, None)

    off = base + LAST * CHUNK
    pltpu.sync_copy(src_hbm.at[pl.ds(off, CHUNK)], si0)
    pltpu.sync_copy(dst_hbm.at[pl.ds(off, CHUNK)], di0)
    pltpu.async_copy(hp_hbm.at[si0], r0, ga).wait()
    pltpu.sync_copy(r0, acc.at[di0], add=True)

    plsc.subcore_barrier()
    _copy_out(sid, cid, acc, out_hbm)


_agg_kernel = pl.kernel(
    _agg_body,
    out_type=jax.ShapeDtypeStruct((NC, N_NODES, D), jnp.float32),
    mesh=_mesh,
    scratch_types=(
        [pltpu.VMEM((CHUNK,), jnp.int32)] * 8
        + [pltpu.VMEM((CHUNK, D), jnp.float32)] * 4
        + [pltpu.VMEM_SHARED((N_NODES, D), jnp.float32)]
        + [pltpu.SemaphoreType.DMA] * 12
    ),
)



def _tc1_body(degp_ref, x_ref, w_ref, dis_ref, hp_ref):
    deg = degp_ref[0, 0:N_NODES, 0:1] + degp_ref[1, 0:N_NODES, 0:1] + 1.0
    dis = lax.rsqrt(deg)
    dis_ref[...] = dis
    h = jnp.dot(x_ref[...], w_ref[...], preferred_element_type=jnp.float32)
    hp_ref[...] = h * dis


def _tc2_body(yp_ref, hp_ref, dis_ref, b_ref, w_ref, out_ref):
    dis = dis_ref[...]
    s = (yp_ref[0] + yp_ref[1] + hp_ref[...]) * dis + b_ref[...]
    h = jnp.maximum(s, 0.0)
    out_ref[...] = jnp.dot(h, w_ref[...], preferred_element_type=jnp.float32) * dis


def _tc3_body(yp_ref, hp_ref, dis_ref, b_ref, wf_ref, bf_ref, out_ref):
    s = (yp_ref[0] + yp_ref[1] + hp_ref[...]) * dis_ref[...] + b_ref[...]
    h = jnp.maximum(s, 0.0)
    out_ref[...] = jnp.dot(h, wf_ref[...], preferred_element_type=jnp.float32) + bf_ref[...]


_tc1 = pl.pallas_call(
    _tc1_body,
    out_shape=(jax.ShapeDtypeStruct((N_NODES, 1), jnp.float32),
               jax.ShapeDtypeStruct((N_NODES, D), jnp.float32)),
)

_tc2 = pl.pallas_call(
    _tc2_body,
    out_shape=jax.ShapeDtypeStruct((N_NODES, D), jnp.float32),
)

_tc3 = pl.pallas_call(
    _tc3_body,
    out_shape=jax.ShapeDtypeStruct((N_NODES, 8), jnp.float32),
)



@jax.jit
def kernel(x, edge_index, W1, b1, W2, b2, Wf, bf):
    src = edge_index[0].astype(jnp.int32)
    dst = edge_index[1].astype(jnp.int32)
    x = x.astype(jnp.float32)

    dpad = PAD_ROW + (jnp.arange(D_E_PT - E_PT, dtype=jnp.int32) % 8)
    dpad = jnp.broadcast_to(dpad, (NW, D_E_PT - E_PT))
    dstp_d = jnp.concatenate([dst.reshape(NW, E_PT), dpad], axis=1).reshape(
        NW, DNCHUNK, DCHUNK)

    ones_rows = jnp.ones((DCHUNK, DEG_W), jnp.float32)
    zeros_rows = jnp.zeros((ROWS_A, D), jnp.float32)

    degp = _deg_kernel(dstp_d, ones_rows, zeros_rows)
    dis, hp1 = _tc1(degp, x, W1)

    yp1 = _agg_kernel(hp1, src, dst, zeros_rows)
    hp2 = _tc2(yp1, hp1, dis, b1.reshape(1, D), W2)

    yp2 = _agg_kernel(hp2, src, dst, zeros_rows)
    wf_pad = jnp.zeros((D, 8), jnp.float32).at[:, :2].set(Wf)
    bf_pad = jnp.zeros((1, 8), jnp.float32).at[0, :2].set(bf)
    out = _tc3(yp2, hp2, dis, b2.reshape(1, D), wf_pad, bf_pad)
    return out[:, :2]

# --- scband reference (transcript-rebuilt; emitter-appended) ---
"""Pipeline reference for scband-attraction-gcn-37082747634265 (READ-ONLY COPY).

The authoritative reference and input builder live on the scoring server;
editing this copy changes nothing except your own understanding.
"""

import jax, jax.numpy as jnp
import numpy as np

N_NODES = 10000
N_EDGES = 320000
IN_DIM = 128
HID_DIM = 128


def gcn_conv(x, edge_index, W, b):
    n = x.shape[0]
    src = edge_index[0]
    dst = edge_index[1]
    # add self-loops (PyG GCNConv default)
    loop = jnp.arange(n, dtype=src.dtype)
    src = jnp.concatenate([src, loop])
    dst = jnp.concatenate([dst, loop])
    # symmetric normalization: deg computed on dst with unit edge weights
    deg = jnp.zeros((n,), dtype=x.dtype).at[dst].add(1.0)
    deg_inv_sqrt = jnp.where(deg > 0, deg ** -0.5, 0.0)
    norm = deg_inv_sqrt[src] * deg_inv_sqrt[dst]
    h = x @ W
    msg = h[src] * norm[:, None]
    out = jnp.zeros((n, W.shape[1]), dtype=x.dtype).at[dst].add(msg)
    return out + b


def setup_inputs(seed: int = 0) -> dict:
    key = jax.random.key(seed)
    ks = jax.random.split(key, 8)
    x = jax.random.normal(ks[0], (N_NODES, IN_DIM), dtype=jnp.float32)
    edge_index = jax.random.randint(ks[1], (2, N_EDGES), 0, N_NODES, dtype=jnp.int64)
    s1 = (1.0 / IN_DIM) ** 0.5
    s2 = (1.0 / HID_DIM) ** 0.5
    W1 = jax.random.uniform(ks[2], (IN_DIM, HID_DIM), jnp.float32, -s1, s1)
    b1 = jnp.zeros((HID_DIM,), jnp.float32)
    W2 = jax.random.uniform(ks[3], (HID_DIM, HID_DIM), jnp.float32, -s2, s2)
    b2 = jnp.zeros((HID_DIM,), jnp.float32)
    Wf = jax.random.uniform(ks[4], (HID_DIM, 2), jnp.float32, -s2, s2)
    bf = jax.random.uniform(ks[5], (2,), jnp.float32, -s2, s2)
    return {"x": x, "edge_index": edge_index, "W1": W1, "b1": b1, "W2": W2, "b2": b2, "Wf": Wf, "bf": bf}


def reference(x, edge_index, W1, b1, W2, b2, Wf, bf):
    h = x.astype(jnp.float32)
    h = gcn_conv(h, edge_index, W1, b1)
    h = jax.nn.relu(h)
    # dropout is identity in eval mode
    h = gcn_conv(h, edge_index, W2, b2)
    h = jax.nn.relu(h)
    attraction_force = h @ Wf + bf
    return attraction_force

if __name__ == "__main__":
    import jax
    _d = setup_inputs()
    print(jax.jit(kernel)(*tuple(_d.values())))

</pallas_src>

<mosaic_0001>
#map = affine_map<(d0, d1) -> (0, 0)>
#map1 = affine_map<(d0, d1) -> (0)>
#map2 = affine_map<(d0, d1) -> (0, 0, 0)>
module attributes {stable_mosaic.version = 14 : i64} {
  func.func @_agg_body(%arg0: i32, %arg1: i32, %arg2: memref<10000x128xf32, #tpu.memory_space<hbm>>, %arg3: memref<320000xi32, #tpu.memory_space<hbm>>, %arg4: memref<320000xi32, #tpu.memory_space<hbm>>, %arg5: memref<632x128xf32, #tpu.memory_space<hbm>>, %arg6: memref<2x10000x128xf32, #tpu.memory_space<hbm>>, %arg7: memref<80xi32, #tpu.memory_space<vmem>>, %arg8: memref<80xi32, #tpu.memory_space<vmem>>, %arg9: memref<80xi32, #tpu.memory_space<vmem>>, %arg10: memref<80xi32, #tpu.memory_space<vmem>>, %arg11: memref<80xi32, #tpu.memory_space<vmem>>, %arg12: memref<80xi32, #tpu.memory_space<vmem>>, %arg13: memref<80xi32, #tpu.memory_space<vmem>>, %arg14: memref<80xi32, #tpu.memory_space<vmem>>, %arg15: memref<80x128xf32, #tpu.memory_space<vmem>>, %arg16: memref<80x128xf32, #tpu.memory_space<vmem>>, %arg17: memref<80x128xf32, #tpu.memory_space<vmem>>, %arg18: memref<80x128xf32, #tpu.memory_space<vmem>>, %arg19: memref<10000x128xf32, #tpu.memory_space<vmem_shared>>, %arg20: memref<!tpu.dma_semaphore, #tpu.memory_space<semaphore_mem>>, %arg21: memref<!tpu.dma_semaphore, #tpu.memory_space<semaphore_mem>>, %arg22: memref<!tpu.dma_semaphore, #tpu.memory_space<semaphore_mem>>, %arg23: memref<!tpu.dma_semaphore, #tpu.memory_space<semaphore_mem>>, %arg24: memref<!tpu.dma_semaphore, #tpu.memory_space<semaphore_mem>>, %arg25: memref<!tpu.dma_semaphore, #tpu.memory_space<semaphore_mem>>, %arg26: memref<!tpu.dma_semaphore, #tpu.memory_space<semaphore_mem>>, %arg27: memref<!tpu.dma_semaphore, #tpu.memory_space<semaphore_mem>>, %arg28: memref<!tpu.dma_semaphore, #tpu.memory_space<semaphore_mem>>, %arg29: memref<!tpu.dma_semaphore, #tpu.memory_space<semaphore_mem>>, %arg30: memref<!tpu.dma_semaphore, #tpu.memory_space<semaphore_mem>>, %arg31: memref<!tpu.dma_semaphore, #tpu.memory_space<semaphore_mem>>) attributes {dimension_semantics = [#tpu.dimension_semantics<core_parallel>, #tpu.dimension_semantics<subcore_parallel>], iteration_bounds = array<i64: 2, 16>, scalar_prefetch = 0 : i64, scratch_operands = 25 : i64, tpu.core_type = #tpu.core_type<sc_vector_subcore>, window_params = [{transform_indices = #map}, {transform_indices = #map1}, {transform_indices = #map1}, {transform_indices = #map}, {transform_indices = #map2}]} {
    %mul3A = arith.constant 16 : i32
    %mul3A_0 = arith.muli %arg0, %mul3A : i32
    %add3A = arith.addi %mul3A_0, %arg1 : i32
    %mul3A_1 = arith.constant 10000 : i32
    %mul3A_2 = arith.muli %add3A, %mul3A_1 : i32
    %mul3A_3 = arith.constant 632 : i32
    %mul3A_4 = arith.muli %arg1, %mul3A_3 : i32
    %lt3A = arith.constant 15 : i32
    %lt3A_5 = arith.cmpi slt, %arg1, %lt3A : i32
    %convert_element_type3A = arith.extui %lt3A_5 : i1 to i32
    %cond3A = arith.constant 0 : i32
    %cond3A_6 = arith.cmpi ne, %convert_element_type3A, %cond3A : i32
    scf.if %cond3A_6 {
      "tpu.region"() ({
        %run_scoped3A = tpu.sem_alloc : memref<!tpu.dma_semaphore, #tpu.memory_space<semaphore_mem>>
        %dma_start3A_110 = arith.constant 0 : i32
        %dma_start3A_111 = tpu.memref_slice %arg19[%mul3A_4, %dma_start3A_110] : memref<10000x128xf32, #tpu.memory_space<vmem_shared>> -> memref<632x128xf32, #tpu.memory_space<vmem_shared>>
        %dma_start3A_112 = arith.constant 0 : i32
        %dma_start3A_113 = arith.constant 0 : i32
        %dma_start3A_114 = tpu.memref_slice %arg5[%dma_start3A_112, %dma_start3A_113] : memref<632x128xf32, #tpu.memory_space<hbm>> -> memref<632x128xf32, #tpu.memory_space<hbm>>
        tpu.enqueue_dma source(%dma_start3A_114 : memref<632x128xf32, #tpu.memory_space<hbm>>) target(%dma_start3A_111 : memref<632x128xf32, #tpu.memory_space<vmem_shared>>) target_semaphore(%run_scoped3A : memref<!tpu.dma_semaphore, #tpu.memory_space<semaphore_mem>>)
        %dma_wait3A_115 = arith.constant 0 : i32
        %dma_wait3A_116 = tpu.memref_slice %arg19[%mul3A_4, %dma_wait3A_115] : memref<10000x128xf32, #tpu.memory_space<vmem_shared>> -> memref<632x128xf32, #tpu.memory_space<vmem_shared>>
        %dma_wait3A_117 = arith.constant 0 : i32
        %dma_wait3A_118 = arith.constant 0 : i32
        %dma_wait3A_119 = tpu.memref_slice %arg5[%dma_wait3A_117, %dma_wait3A_118] : memref<632x128xf32, #tpu.memory_space<hbm>> -> memref<632x128xf32, #tpu.memory_space<hbm>>
        tpu.wait_dma2 semaphore(%run_scoped3A : memref<!tpu.dma_semaphore, #tpu.memory_space<semaphore_mem>>) src(%dma_wait3A_119 : memref<632x128xf32, #tpu.memory_space<hbm>>) dst(%dma_wait3A_116 : memref<632x128xf32, #tpu.memory_space<vmem_shared>>)
        tpu.yield
      }) : () -> ()
    } else {
    }
    %eq3A = arith.constant 15 : i32
    %eq3A_7 = arith.cmpi eq, %arg1, %eq3A : i32
    %convert_element_type3A_8 = arith.extui %eq3A_7 : i1 to i32
    %cond3A_9 = arith.constant 0 : i32
    %cond3A_10 = arith.cmpi ne, %convert_element_type3A_8, %cond3A_9 : i32
    scf.if %cond3A_10 {
      "tpu.region"() ({
        %run_scoped3A = tpu.sem_alloc : memref<!tpu.dma_semaphore, #tpu.memory_space<semaphore_mem>>
        %dma_start3A_110 = arith.constant 0 : i32
        %dma_start3A_111 = tpu.memref_slice %arg19[%mul3A_4, %dma_start3A_110] : memref<10000x128xf32, #tpu.memory_space<vmem_shared>> -> memref<520x128xf32, #tpu.memory_space<vmem_shared>>
        %dma_start3A_112 = arith.constant 0 : i32
        %dma_start3A_113 = arith.constant 0 : i32
        %dma_start3A_114 = tpu.memref_slice %arg5[%dma_start3A_112, %dma_start3A_113] : memref<632x128xf32, #tpu.memory_space<hbm>> -> memref<520x128xf32, #tpu.memory_space<hbm>>
        tpu.enqueue_dma source(%dma_start3A_114 : memref<520x128xf32, #tpu.memory_space<hbm>>) target(%dma_start3A_111 : memref<520x128xf32, #tpu.memory_space<vmem_shared>>) target_semaphore(%run_scoped3A : memref<!tpu.dma_semaphore, #tpu.memory_space<semaphore_mem>>)
        %dma_wait3A_115 = arith.constant 0 : i32
        %dma_wait3A_116 = tpu.memref_slice %arg19[%mul3A_4, %dma_wait3A_115] : memref<10000x128xf32, #tpu.memory_space<vmem_shared>> -> memref<520x128xf32, #tpu.memory_space<vmem_shared>>
        %dma_wait3A_117 = arith.constant 0 : i32
        %dma_wait3A_118 = arith.constant 0 : i32
        %dma_wait3A_119 = tpu.memref_slice %arg5[%dma_wait3A_117, %dma_wait3A_118] : memref<632x128xf32, #tpu.memory_space<hbm>> -> memref<520x128xf32, #tpu.memory_space<hbm>>
        tpu.wait_dma2 semaphore(%run_scoped3A : memref<!tpu.dma_semaphore, #tpu.memory_space<semaphore_mem>>) src(%dma_wait3A_119 : memref<520x128xf32, #tpu.memory_space<hbm>>) dst(%dma_wait3A_116 : memref<520x128xf32, #tpu.memory_space<vmem_shared>>)
        tpu.yield
      }) : () -> ()
    } else {
    }
    %barrier3A = arith.constant 0 : index
    tpu.barrier barrier_id(%barrier3A)
    %add3A_11 = arith.constant 0 : i32
    %add3A_12 = arith.addi %mul3A_2, %add3A_11 : i32
    %dma_start3A = tpu.memref_slice %arg3[%add3A_12] : memref<320000xi32, #tpu.memory_space<hbm>> -> memref<80xi32, #tpu.memory_space<hbm>>
    %dma_start3A_13 = tpu.memref_slice %arg3[%add3A_12] : memref<320000xi32, #tpu.memory_space<hbm>> -> memref<80xi32, #tpu.memory_space<hbm>>
    tpu.enqueue_dma source(%dma_start3A_13 : memref<80xi32, #tpu.memory_space<hbm>>) target(%arg7 : memref<80xi32, #tpu.memory_space<vmem>>) target_semaphore(%arg20 : memref<!tpu.dma_semaphore, #tpu.memory_space<semaphore_mem>>)
    %add3A_14 = arith.constant 0 : i32
    %add3A_15 = arith.addi %mul3A_2, %add3A_14 : i32
    %dma_start3A_16 = tpu.memref_slice %arg4[%add3A_15] : memref<320000xi32, #tpu.memory_space<hbm>> -> memref<80xi32, #tpu.memory_space<hbm>>
    %dma_start3A_17 = tpu.memref_slice %arg4[%add3A_15] : memref<320000xi32, #tpu.memory_space<hbm>> -> memref<80xi32, #tpu.memory_space<hbm>>
    tpu.enqueue_dma source(%dma_start3A_17 : memref<80xi32, #tpu.memory_space<hbm>>) target(%arg11 : memref<80xi32, #tpu.memory_space<vmem>>) target_semaphore(%arg20 : memref<!tpu.dma_semaphore, #tpu.memory_space<semaphore_mem>>)
    %add3A_18 = arith.constant 80 : i32
    %add3A_19 = arith.addi %mul3A_2, %add3A_18 : i32
    %dma_start3A_20 = tpu.memref_slice %arg3[%add3A_19] : memref<320000xi32, #tpu.memory_space<hbm>> -> memref<80xi32, #tpu.memory_space<hbm>>
    %dma_start3A_21 = tpu.memref_slice %arg3[%add3A_19] : memref<320000xi32, #tpu.memory_space<hbm>> -> memref<80xi32, #tpu.memory_space<hbm>>
    tpu.enqueue_dma source(%dma_start3A_21 : memref<80xi32, #tpu.memory_space<hbm>>) target(%arg8 : memref<80xi32, #tpu.memory_space<vmem>>) target_semaphore(%arg21 : memref<!tpu.dma_semaphore, #tpu.memory_space<semaphore_mem>>)
    %add3A_22 = arith.constant 80 : i32
    %add3A_23 = arith.addi %mul3A_2, %add3A_22 : i32
    %dma_start3A_24 = tpu.memref_slice %arg4[%add3A_23] : memref<320000xi32, #tpu.memory_space<hbm>> -> memref<80xi32, #tpu.memory_space<hbm>>
    %dma_start3A_25 = tpu.memref_slice %arg4[%add3A_23] : memref<320000xi32, #tpu.memory_space<hbm>> -> memref<80xi32, #tpu.memory_space<hbm>>
    tpu.enqueue_dma source(%dma_start3A_25 : memref<80xi32, #tpu.memory_space<hbm>>) target(%arg12 : memref<80xi32, #tpu.memory_space<vmem>>) target_semaphore(%arg21 : memref<!tpu.dma_semaphore, #tpu.memory_space<semaphore_mem>>)
    %add3A_26 = arith.constant 160 : i32
    %add3A_27 = arith.addi %mul3A_2, %add3A_26 : i32
    %dma_start3A_28 = tpu.memref_slice %arg3[%add3A_27] : memref<320000xi32, #tpu.memory_space<hbm>> -> memref<80xi32, #tpu.memory_space<hbm>>
    %dma_start3A_29 = tpu.memref_slice %arg3[%add3A_27] : memref<320000xi32, #tpu.memory_space<hbm>> -> memref<80xi32, #tpu.memory_space<hbm>>
    tpu.enqueue_dma source(%dma_start3A_29 : memref<80xi32, #tpu.memory_space<hbm>>) target(%arg9 : memref<80xi32, #tpu.memory_space<vmem>>) target_semaphore(%arg22 : memref<!tpu.dma_semaphore, #tpu.memory_space<semaphore_mem>>)
    %add3A_30 = arith.constant 160 : i32
    %add3A_31 = arith.addi %mul3A_2, %add3A_30 : i32
    %dma_start3A_32 = tpu.memref_slice %arg4[%add3A_31] : memref<320000xi32, #tpu.memory_space<hbm>> -> memref<80xi32, #tpu.memory_space<hbm>>
    %dma_start3A_33 = tpu.memref_slice %arg4[%add3A_31] : memref<320000xi32, #tpu.memory_space<hbm>> -> memref<80xi32, #tpu.memory_space<hbm>>
    tpu.enqueue_dma source(%dma_start3A_33 : memref<80xi32, #tpu.memory_space<hbm>>) target(%arg13 : memref<80xi32, #tpu.memory_space<vmem>>) target_semaphore(%arg22 : memref<!tpu.dma_semaphore, #tpu.memory_space<semaphore_mem>>)
    %add3A_34 = arith.constant 240 : i32
    %add3A_35 = arith.addi %mul3A_2, %add3A_34 : i32
    %dma_start3A_36 = tpu.memref_slice %arg3[%add3A_35] : memref<320000xi32, #tpu.memory_space<hbm>> -> memref<80xi32, #tpu.memory_space<hbm>>
    %dma_start3A_37 = tpu.memref_slice %arg3[%add3A_35] : memref<320000xi32, #tpu.memory_space<hbm>> -> memref<80xi32, #tpu.memory_space<hbm>>
    tpu.enqueue_dma source(%dma_start3A_37 : memref<80xi32, #tpu.memory_space<hbm>>) target(%arg10 : memref<80xi32, #tpu.memory_space<vmem>>) target_semaphore(%arg23 : memref<!tpu.dma_semaphore, #tpu.memory_space<semaphore_mem>>)
    %add3A_38 = arith.constant 240 : i32
    %add3A_39 = arith.addi %mul3A_2, %add3A_38 : i32
    %dma_start3A_40 = tpu.memref_slice %arg4[%add3A_39] : memref<320000xi32, #tpu.memory_space<hbm>> -> memref<80xi32, #tpu.memory_space<hbm>>
    %dma_start3A_41 = tpu.memref_slice %arg4[%add3A_39] : memref<320000xi32, #tpu.memory_space<hbm>> -> memref<80xi32, #tpu.memory_space<hbm>>
    tpu.enqueue_dma source(%dma_start3A_41 : memref<80xi32, #tpu.memory_space<hbm>>) target(%arg14 : memref<80xi32, #tpu.memory_space<vmem>>) target_semaphore(%arg23 : memref<!tpu.dma_semaphore, #tpu.memory_space<semaphore_mem>>)
    %dma_wait3A = arith.constant 0 : i32
    %dma_wait3A_42 = tpu.memref_slice %arg3[%dma_wait3A] : memref<320000xi32, #tpu.memory_space<hbm>> -> memref<80xi32, #tpu.memory_space<hbm>>
    %dma_wait3A_43 = arith.constant 0 : i32
    %dma_wait3A_44 = tpu.memref_slice %arg3[%dma_wait3A_43] : memref<320000xi32, #tpu.memory_space<hbm>> -> memref<80xi32, #tpu.memory_space<hbm>>
    tpu.wait_dma2 semaphore(%arg20 : memref<!tpu.dma_semaphore, #tpu.memory_space<semaphore_mem>>) src(%dma_wait3A_44 : memref<80xi32, #tpu.memory_space<hbm>>) dst(%arg7 : memref<80xi32, #tpu.memory_space<vmem>>)
    %dma_wait3A_45 = arith.constant 0 : i32
    %dma_wait3A_46 = tpu.memref_slice %arg4[%dma_wait3A_45] : memref<320000xi32, #tpu.memory_space<hbm>> -> memref<80xi32, #tpu.memory_space<hbm>>
    %dma_wait3A_47 = arith.constant 0 : i32
    %dma_wait3A_48 = tpu.memref_slice %arg4[%dma_wait3A_47] : memref<320000xi32, #tpu.memory_space<hbm>> -> memref<80xi32, #tpu.memory_space<hbm>>
    tpu.wait_dma2 semaphore(%arg20 : memref<!tpu.dma_semaphore, #tpu.memory_space<semaphore_mem>>) src(%dma_wait3A_48 : memref<80xi32, #tpu.memory_space<hbm>>) dst(%arg11 : memref<80xi32, #tpu.memory_space<vmem>>)
    %dma_start3A_49 = arith.constant 0 : i32
    %dma_start3A_50 = arith.constant 0 : i32
    %dma_start3A_51 = tpu.memref_slice %arg2[%dma_start3A_49, %dma_start3A_50] : memref<10000x128xf32, #tpu.memory_space<hbm>> -> memref<10000x128xf32, #tpu.memory_space<hbm>>
    tpu.enqueue_indirect_dma source(%dma_start3A_51 : memref<10000x128xf32, #tpu.memory_space<hbm>>) target(%arg15 : memref<80x128xf32, #tpu.memory_space<vmem>>) offsets(%arg7 : memref<80xi32, #tpu.memory_space<vmem>>) semaphore(%arg24 : memref<!tpu.dma_semaphore, #tpu.memory_space<semaphore_mem>>)
    %dma_wait3A_52 = arith.constant 0 : i32
    %dma_wait3A_53 = tpu.memref_slice %arg3[%dma_wait3A_52] : memref<320000xi32, #tpu.memory_space<hbm>> -> memref<80xi32, #tpu.memory_space<hbm>>
    %dma_wait3A_54 = arith.constant 0 : i32
    %dma_wait3A_55 = tpu.memref_slice %arg3[%dma_wait3A_54] : memref<320000xi32, #tpu.memory_space<hbm>> -> memref<80xi32, #tpu.memory_space<hbm>>
    tpu.wait_dma2 semaphore(%arg21 : memref<!tpu.dma_semaphore, #tpu.memory_space<semaphore_mem>>) src(%dma_wait3A_55 : memref<80xi32, #tpu.memory_space<hbm>>) dst(%arg8 : memref<80xi32, #tpu.memory_space<vmem>>)
    %dma_wait3A_56 = arith.constant 0 : i32
    %dma_wait3A_57 = tpu.memref_slice %arg4[%dma_wait3A_56] : memref<320000xi32, #tpu.memory_space<hbm>> -> memref<80xi32, #tpu.memory_space<hbm>>
    %dma_wait3A_58 = arith.constant 0 : i32
    %dma_wait3A_59 = tpu.memref_slice %arg4[%dma_wait3A_58] : memref<320000xi32, #tpu.memory_space<hbm>> -> memref<80xi32, #tpu.memory_space<hbm>>
    tpu.wait_dma2 semaphore(%arg21 : memref<!tpu.dma_semaphore, #tpu.memory_space<semaphore_mem>>) src(%dma_wait3A_59 : memref<80xi32, #tpu.memory_space<hbm>>) dst(%arg12 : memref<80xi32, #tpu.memory_space<vmem>>)
    %dma_start3A_60 = arith.constant 0 : i32
    %dma_start3A_61 = arith.constant 0 : i32
    %dma_start3A_62 = tpu.memref_slice %arg2[%dma_start3A_60, %dma_start3A_61] : memref<10000x128xf32, #tpu.memory_space<hbm>> -> memref<10000x128xf32, #tpu.memory_space<hbm>>
    tpu.enqueue_indirect_dma source(%dma_start3A_62 : memref<10000x128xf32, #tpu.memory_space<hbm>>) target(%arg16 : memref<80x128xf32, #tpu.memory_space<vmem>>) offsets(%arg8 : memref<80xi32, #tpu.memory_space<vmem>>) semaphore(%arg25 : memref<!tpu.dma_semaphore, #tpu.memory_space<semaphore_mem>>)
    %dma_wait3A_63 = arith.constant 0 : i32
    %dma_wait3A_64 = tpu.memref_slice %arg3[%dma_wait3A_63] : memref<320000xi32, #tpu.memory_space<hbm>> -> memref<80xi32, #tpu.memory_space<hbm>>
    %dma_wait3A_65 = arith.constant 0 : i32
    %dma_wait3A_66 = tpu.memref_slice %arg3[%dma_wait3A_65] : memref<320000xi32, #tpu.memory_space<hbm>> -> memref<80xi32, #tpu.memory_space<hbm>>
    tpu.wait_dma2 semaphore(%arg22 : memref<!tpu.dma_semaphore, #tpu.memory_space<semaphore_mem>>) src(%dma_wait3A_66 : memref<80xi32, #tpu.memory_space<hbm>>) dst(%arg9 : memref<80xi32, #tpu.memory_space<vmem>>)
    %dma_wait3A_67 = arith.constant 0 : i32
    %dma_wait3A_68 = tpu.memref_slice %arg4[%dma_wait3A_67] : memref<320000xi32, #tpu.memory_space<hbm>> -> memref<80xi32, #tpu.memory_space<hbm>>
    %dma_wait3A_69 = arith.constant 0 : i32
    %dma_wait3A_70 = tpu.memref_slice %arg4[%dma_wait3A_69] : memref<320000xi32, #tpu.memory_space<hbm>> -> memref<80xi32, #tpu.memory_space<hbm>>
    tpu.wait_dma2 semaphore(%arg22 : memref<!tpu.dma_semaphore, #tpu.memory_space<semaphore_mem>>) src(%dma_wait3A_70 : memref<80xi32, #tpu.memory_space<hbm>>) dst(%arg13 : memref<80xi32, #tpu.memory_space<vmem>>)
    %dma_start3A_71 = arith.constant 0 : i32
    %dma_start3A_72 = arith.constant 0 : i32
    %dma_start3A_73 = tpu.memref_slice %arg2[%dma_start3A_71, %dma_start3A_72] : memref<10000x128xf32, #tpu.memory_space<hbm>> -> memref<10000x128xf32, #tpu.memory_space<hbm>>
    tpu.enqueue_indirect_dma source(%dma_start3A_73 : memref<10000x128xf32, #tpu.memory_space<hbm>>) target(%arg17 : memref<80x128xf32, #tpu.memory_space<vmem>>) offsets(%arg9 : memref<80xi32, #tpu.memory_space<vmem>>) semaphore(%arg26 : memref<!tpu.dma_semaphore, #tpu.memory_space<semaphore_mem>>)
    %dma_wait3A_74 = arith.constant 0 : i32
    %dma_wait3A_75 = tpu.memref_slice %arg3[%dma_wait3A_74] : memref<320000xi32, #tpu.memory_space<hbm>> -> memref<80xi32, #tpu.memory_space<hbm>>
    %dma_wait3A_76 = arith.constant 0 : i32
    %dma_wait3A_77 = tpu.memref_slice %arg3[%dma_wait3A_76] : memref<320000xi32, #tpu.memory_space<hbm>> -> memref<80xi32, #tpu.memory_space<hbm>>
    tpu.wait_dma2 semaphore(%arg23 : memref<!tpu.dma_semaphore, #tpu.memory_space<semaphore_mem>>) src(%dma_wait3A_77 : memref<80xi32, #tpu.memory_space<hbm>>) dst(%arg10 : memref<80xi32, #tpu.memory_space<vmem>>)
    %dma_wait3A_78 = arith.constant 0 : i32
    %dma_wait3A_79 = tpu.memref_slice %arg4[%dma_wait3A_78] : memref<320000xi32, #tpu.memory_space<hbm>> -> memref<80xi32, #tpu.memory_space<hbm>>
    %dma_wait3A_80 = arith.constant 0 : i32
    %dma_wait3A_81 = tpu.memref_slice %arg4[%dma_wait3A_80] : memref<320000xi32, #tpu.memory_space<hbm>> -> memref<80xi32, #tpu.memory_space<hbm>>
    tpu.wait_dma2 semaphore(%arg23 : memref<!tpu.dma_semaphore, #tpu.memory_space<semaphore_mem>>) src(%dma_wait3A_81 : memref<80xi32, #tpu.memory_space<hbm>>) dst(%arg14 : memref<80xi32, #tpu.memory_space<vmem>>)
    %dma_start3A_82 = arith.constant 0 : i32
    %dma_start3A_83 = arith.constant 0 : i32
    %dma_start3A_84 = tpu.memref_slice %arg2[%dma_start3A_82, %dma_start3A_83] : memref<10000x128xf32, #tpu.memory_space<hbm>> -> memref<10000x128xf32, #tpu.memory_space<hbm>>
    tpu.enqueue_indirect_dma source(%dma_start3A_84 : memref<10000x128xf32, #tpu.memory_space<hbm>>) target(%arg18 : memref<80x128xf32, #tpu.memory_space<vmem>>) offsets(%arg10 : memref<80xi32, #tpu.memory_space<vmem>>) semaphore(%arg27 : memref<!tpu.dma_semaphore, #tpu.memory_space<semaphore_mem>>)
    %scan3A = arith.constant 0 : i32
    %scan3A_85 = arith.constant 31 : i32
    %scan3A_86 = arith.addi %scan3A, %scan3A_85 : i32
    %scan3A_87 = arith.constant 1 : i32
    scf.for %scan3A_110 = %scan3A to %scan3A_86 step %scan3A_87  : i32 {
      %dma_wait3A_111 = arith.constant 0 : i32
      %dma_wait3A_112 = arith.constant 0 : i32
      %dma_wait3A_113 = tpu.memref_slice %arg2[%dma_wait3A_111, %dma_wait3A_112] : memref<10000x128xf32, #tpu.memory_space<hbm>> -> memref<10000x128xf32, #tpu.memory_space<hbm>>
      tpu.wait_indirect_dma semaphore(%arg24 : memref<!tpu.dma_semaphore, #tpu.memory_space<semaphore_mem>>) src(%dma_wait3A_113 : memref<10000x128xf32, #tpu.memory_space<hbm>>) dst(%arg15 : memref<80x128xf32, #tpu.memory_space<vmem>>)
      %dma_start3A_114 = arith.constant 0 : i32
      %dma_start3A_115 = arith.constant 0 : i32
      %dma_start3A_116 = tpu.memref_slice %arg19[%dma_start3A_114, %dma_start3A_115] : memref<10000x128xf32, #tpu.memory_space<vmem_shared>> -> memref<10000x128xf32, #tpu.memory_space<vmem_shared>>
      tpu.enqueue_indirect_dma source(%arg15 : memref<80x128xf32, #tpu.memory_space<vmem>>) target(%dma_start3A_116 : memref<10000x128xf32, #tpu.memory_space<vmem_shared>>) offsets(%arg11 : memref<80xi32, #tpu.memory_space<vmem>>) semaphore(%arg28 : memref<!tpu.dma_semaphore, #tpu.memory_space<semaphore_mem>>) {add = true}
      %dma_wait3A_117 = arith.constant 0 : i32
      %dma_wait3A_118 = arith.constant 0 : i32
      %dma_wait3A_119 = tpu.memref_slice %arg2[%dma_wait3A_117, %dma_wait3A_118] : memref<10000x128xf32, #tpu.memory_space<hbm>> -> memref<10000x128xf32, #tpu.memory_space<hbm>>
      tpu.wait_indirect_dma semaphore(%arg25 : memref<!tpu.dma_semaphore, #tpu.memory_space<semaphore_mem>>) src(%dma_wait3A_119 : memref<10000x128xf32, #tpu.memory_space<hbm>>) dst(%arg16 : memref<80x128xf32, #tpu.memory_space<vmem>>)
      %dma_start3A_120 = arith.constant 0 : i32
      %dma_start3A_121 = arith.constant 0 : i32
      %dma_start3A_122 = tpu.memref_slice %arg19[%dma_start3A_120, %dma_start3A_121] : memref<10000x128xf32, #tpu.memory_space<vmem_shared>> -> memref<10000x128xf32, #tpu.memory_space<vmem_shared>>
      tpu.enqueue_indirect_dma source(%arg16 : memref<80x128xf32, #tpu.memory_space<vmem>>) target(%dma_start3A_122 : memref<10000x128xf32, #tpu.memory_space<vmem_shared>>) offsets(%arg12 : memref<80xi32, #tpu.memory_space<vmem>>) semaphore(%arg29 : memref<!tpu.dma_semaphore, #tpu.memory_space<semaphore_mem>>) {add = true}
      %dma_wait3A_123 = arith.constant 0 : i32
      %dma_wait3A_124 = arith.constant 0 : i32
      %dma_wait3A_125 = tpu.memref_slice %arg2[%dma_wait3A_123, %dma_wait3A_124] : memref<10000x128xf32, #tpu.memory_space<hbm>> -> memref<10000x128xf32, #tpu.memory_space<hbm>>
      tpu.wait_indirect_dma semaphore(%arg26 : memref<!tpu.dma_semaphore, #tpu.memory_space<semaphore_mem>>) src(%dma_wait3A_125 : memref<10000x128xf32, #tpu.memory_space<hbm>>) dst(%arg17 : memref<80x128xf32, #tpu.memory_space<vmem>>)
      %dma_start3A_126 = arith.constant 0 : i32
      %dma_start3A_127 = arith.constant 0 : i32
      %dma_start3A_128 = tpu.memref_slice %arg19[%dma_start3A_126, %dma_start3A_127] : memref<10000x128xf32, #tpu.memory_space<vmem_shared>> -> memref<10000x128xf32, #tpu.memory_space<vmem_shared>>
      tpu.enqueue_indirect_dma source(%arg17 : memref<80x128xf32, #tpu.memory_space<vmem>>) target(%dma_start3A_128 : memref<10000x128xf32, #tpu.memory_space<vmem_shared>>) offsets(%arg13 : memref<80xi32, #tpu.memory_space<vmem>>) semaphore(%arg30 : memref<!tpu.dma_semaphore, #tpu.memory_space<semaphore_mem>>) {add = true}
      %dma_wait3A_129 = arith.constant 0 : i32
      %dma_wait3A_130 = arith.constant 0 : i32
      %dma_wait3A_131 = tpu.memref_slice %arg2[%dma_wait3A_129, %dma_wait3A_130] : memref<10000x128xf32, #tpu.memory_space<hbm>> -> memref<10000x128xf32, #tpu.memory_space<hbm>>
      tpu.wait_indirect_dma semaphore(%arg27 : memref<!tpu.dma_semaphore, #tpu.memory_space<semaphore_mem>>) src(%dma_wait3A_131 : memref<10000x128xf32, #tpu.memory_space<hbm>>) dst(%arg18 : memref<80x128xf32, #tpu.memory_space<vmem>>)
      %dma_start3A_132 = arith.constant 0 : i32
      %dma_start3A_133 = arith.constant 0 : i32
      %dma_start3A_134 = tpu.memref_slice %arg19[%dma_start3A_132, %dma_start3A_133] : memref<10000x128xf32, #tpu.memory_space<vmem_shared>> -> memref<10000x128xf32, #tpu.memory_space<vmem_shared>>
      tpu.enqueue_indirect_dma source(%arg18 : memref<80x128xf32, #tpu.memory_space<vmem>>) target(%dma_start3A_134 : memref<10000x128xf32, #tpu.memory_space<vmem_shared>>) offsets(%arg14 : memref<80xi32, #tpu.memory_space<vmem>>) semaphore(%arg31 : memref<!tpu.dma_semaphore, #tpu.memory_space<semaphore_mem>>) {add = true}
      %add3A_135 = arith.constant 1 : i32
      %add3A_136 = arith.addi %scan3A_110, %add3A_135 : i32
      %mul3A_137 = arith.constant 4 : i32
      %mul3A_138 = arith.muli %add3A_136, %mul3A_137 : i32
      %add3A_139 = arith.constant 0 : i32
      %add3A_140 = arith.addi %mul3A_138, %add3A_139 : i32
      %dma_wait3A_141 = arith.constant 0 : i32
      %dma_wait3A_142 = arith.constant 0 : i32
      %dma_wait3A_143 = tpu.memref_slice %arg19[%dma_wait3A_141, %dma_wait3A_142] : memref<10000x128xf32, #tpu.memory_space<vmem_shared>> -> memref<10000x128xf32, #tpu.memory_space<vmem_shared>>
      tpu.wait_indirect_dma semaphore(%arg28 : memref<!tpu.dma_semaphore, #tpu.memory_space<semaphore_mem>>) src(%arg15 : memref<80x128xf32, #tpu.memory_space<vmem>>) dst(%dma_wait3A_143 : memref<10000x128xf32, #tpu.memory_space<vmem_shared>>)
      %lt3A_144 = arith.constant 124 : i32
      %lt3A_145 = arith.cmpi slt, %add3A_140, %lt3A_144 : i32
      %convert_element_type3A_146 = arith.extui %lt3A_145 : i1 to i32
      %cond3A_147 = arith.constant 0 : i32
      %cond3A_148 = arith.cmpi ne, %convert_element_type3A_146, %cond3A_147 : i32
      scf.if %cond3A_148 {
        %mul3A_191 = arith.constant 80 : i32
        %mul3A_192 = arith.muli %add3A_140, %mul3A_191 : i32
        %add3A_193 = arith.addi %mul3A_2, %mul3A_192 : i32
        %dma_start3A_194 = tpu.memref_slice %arg3[%add3A_193] : memref<320000xi32, #tpu.memory_space<hbm>> -> memref<80xi32, #tpu.memory_space<hbm>>
        %dma_start3A_195 = tpu.memref_slice %arg3[%add3A_193] : memref<320000xi32, #tpu.memory_space<hbm>> -> memref<80xi32, #tpu.memory_space<hbm>>
        tpu.enqueue_dma source(%dma_start3A_195 : memref<80xi32, #tpu.memory_space<hbm>>) target(%arg7 : memref<80xi32, #tpu.memory_space<vmem>>) target_semaphore(%arg20 : memref<!tpu.dma_semaphore, #tpu.memory_space<semaphore_mem>>)
        %dma_start3A_196 = tpu.memref_slice %arg4[%add3A_193] : memref<320000xi32, #tpu.memory_space<hbm>> -> memref<80xi32, #tpu.memory_space<hbm>>
        %dma_start3A_197 = tpu.memref_slice %arg4[%add3A_193] : memref<320000xi32, #tpu.memory_space<hbm>> -> memref<80xi32, #tpu.memory_space<hbm>>
        tpu.enqueue_dma source(%dma_start3A_197 : memref<80xi32, #tpu.memory_space<hbm>>) target(%arg11 : memref<80xi32, #tpu.memory_space<vmem>>) target_semaphore(%arg20 : memref<!tpu.dma_semaphore, #tpu.memory_space<semaphore_mem>>)
        %dma_wait3A_198 = arith.constant 0 : i32
        %dma_wait3A_199 = tpu.memref_slice %arg3[%dma_wait3A_198] : memref<320000xi32, #tpu.memory_space<hbm>> -> memref<80xi32, #tpu.memory_space<hbm>>
        %dma_wait3A_200 = arith.constant 0 : i32
        %dma_wait3A_201 = tpu.memref_slice %arg3[%dma_wait3A_200] : memref<320000xi32, #tpu.memory_space<hbm>> -> memref<80xi32, #tpu.memory_space<hbm>>
        tpu.wait_dma2 semaphore(%arg20 : memref<!tpu.dma_semaphore, #tpu.memory_space<semaphore_mem>>) src(%dma_wait3A_201 : memref<80xi32, #tpu.memory_space<hbm>>) dst(%arg7 : memref<80xi32, #tpu.memory_space<vmem>>)
        %dma_wait3A_202 = arith.constant 0 : i32
        %dma_wait3A_203 = tpu.memref_slice %arg4[%dma_wait3A_202] : memref<320000xi32, #tpu.memory_space<hbm>> -> memref<80xi32, #tpu.memory_space<hbm>>
        %dma_wait3A_204 = arith.constant 0 : i32
        %dma_wait3A_205 = tpu.memref_slice %arg4[%dma_wait3A_204] : memref<320000xi32, #tpu.memory_space<hbm>> -> memref<80xi32, #tpu.memory_space<hbm>>
        tpu.wait_dma2 semaphore(%arg20 : memref<!tpu.dma_semaphore, #tpu.memory_space<semaphore_mem>>) src(%dma_wait3A_205 : memref<80xi32, #tpu.memory_space<hbm>>) dst(%arg11 : memref<80xi32, #tpu.memory_space<vmem>>)
        %dma_start3A_206 = arith.constant 0 : i32
        %dma_start3A_207 = arith.constant 0 : i32
        %dma_start3A_208 = tpu.memref_slice %arg2[%dma_start3A_206, %dma_start3A_207] : memref<10000x128xf32, #tpu.memory_space<hbm>> -> memref<10000x128xf32, #tpu.memory_space<hbm>>
        tpu.enqueue_indirect_dma source(%dma_start3A_208 : memref<10000x128xf32, #tpu.memory_space<hbm>>) target(%arg15 : memref<80x128xf32, #tpu.memory_space<vmem>>) offsets(%arg7 : memref<80xi32, #tpu.memory_space<vmem>>) semaphore(%arg24 : memref<!tpu.dma_semaphore, #tpu.memory_space<semaphore_mem>>)
      } else {
      }
      %add3A_149 = arith.constant 1 : i32
      %add3A_150 = arith.addi %scan3A_110, %add3A_149 : i32
      %mul3A_151 = arith.constant 4 : i32
      %mul3A_152 = arith.muli %add3A_150, %mul3A_151 : i32
      %add3A_153 = arith.constant 1 : i32
      %add3A_154 = arith.addi %mul3A_152, %add3A_153 : i32
      %dma_wait3A_155 = arith.constant 0 : i32
      %dma_wait3A_156 = arith.constant 0 : i32
      %dma_wait3A_157 = tpu.memref_slice %arg19[%dma_wait3A_155, %dma_wait3A_156] : memref<10000x128xf32, #tpu.memory_space<vmem_shared>> -> memref<10000x128xf32, #tpu.memory_space<vmem_shared>>
      tpu.wait_indirect_dma semaphore(%arg29 : memref<!tpu.dma_semaphore, #tpu.memory_space<semaphore_mem>>) src(%arg16 : memref<80x128xf32, #tpu.memory_space<vmem>>) dst(%dma_wait3A_157 : memref<10000x128xf32, #tpu.memory_space<vmem_shared>>)
      %lt3A_158 = arith.constant 124 : i32
      %lt3A_159 = arith.cmpi slt, %add3A_154, %lt3A_158 : i32
      %convert_element_type3A_160 = arith.extui %lt3A_159 : i1 to i32
      %cond3A_161 = arith.constant 0 : i32
      %cond3A_162 = arith.cmpi ne, %convert_element_type3A_160, %cond3A_161 : i32
      scf.if %cond3A_162 {
        %mul3A_191 = arith.constant 80 : i32
        %mul3A_192 = arith.muli %add3A_154, %mul3A_191 : i32
        %add3A_193 = arith.addi %mul3A_2, %mul3A_192 : i32
        %dma_start3A_194 = tpu.memref_slice %arg3[%add3A_193] : memref<320000xi32, #tpu.memory_space<hbm>> -> memref<80xi32, #tpu.memory_space<hbm>>
        %dma_start3A_195 = tpu.memref_slice %arg3[%add3A_193] : memref<320000xi32, #tpu.memory_space<hbm>> -> memref<80xi32, #tpu.memory_space<hbm>>
        tpu.enqueue_dma source(%dma_start3A_195 : memref<80xi32, #tpu.memory_space<hbm>>) target(%arg8 : memref<80xi32, #tpu.memory_space<vmem>>) target_semaphore(%arg21 : memref<!tpu.dma_semaphore, #tpu.memory_space<semaphore_mem>>)
        %dma_start3A_196 = tpu.memref_slice %arg4[%add3A_193] : memref<320000xi32, #tpu.memory_space<hbm>> -> memref<80xi32, #tpu.memory_space<hbm>>
        %dma_start3A_197 = tpu.memref_slice %arg4[%add3A_193] : memref<320000xi32, #tpu.memory_space<hbm>> -> memref<80xi32, #tpu.memory_space<hbm>>
        tpu.enqueue_dma source(%dma_start3A_197 : memref<80xi32, #tpu.memory_space<hbm>>) target(%arg12 : memref<80xi32, #tpu.memory_space<vmem>>) target_semaphore(%arg21 : memref<!tpu.dma_semaphore, #tpu.memory_space<semaphore_mem>>)
        %dma_wait3A_198 = arith.constant 0 : i32
        %dma_wait3A_199 = tpu.memref_slice %arg3[%dma_wait3A_198] : memref<320000xi32, #tpu.memory_space<hbm>> -> memref<80xi32, #tpu.memory_space<hbm>>
        %dma_wait3A_200 = arith.constant 0 : i32
        %dma_wait3A_201 = tpu.memref_slice %arg3[%dma_wait3A_200] : memref<320000xi32, #tpu.memory_space<hbm>> -> memref<80xi32, #tpu.memory_space<hbm>>
        tpu.wait_dma2 semaphore(%arg21 : memref<!tpu.dma_semaphore, #tpu.memory_space<semaphore_mem>>) src(%dma_wait3A_201 : memref<80xi32, #tpu.memory_space<hbm>>) dst(%arg8 : memref<80xi32, #tpu.memory_space<vmem>>)
        %dma_wait3A_202 = arith.constant 0 : i32
        %dma_wait3A_203 = tpu.memref_slice %arg4[%dma_wait3A_202] : memref<320000xi32, #tpu.memory_space<hbm>> -> memref<80xi32, #tpu.memory_space<hbm>>
        %dma_wait3A_204 = arith.constant 0 : i32
        %dma_wait3A_205 = tpu.memref_slice %arg4[%dma_wait3A_204] : memref<320000xi32, #tpu.memory_space<hbm>> -> memref<80xi32, #tpu.memory_space<hbm>>
        tpu.wait_dma2 semaphore(%arg21 : memref<!tpu.dma_semaphore, #tpu.memory_space<semaphore_mem>>) src(%dma_wait3A_205 : memref<80xi32, #tpu.memory_space<hbm>>) dst(%arg12 : memref<80xi32, #tpu.memory_space<vmem>>)
        %dma_start3A_206 = arith.constant 0 : i32
        %dma_start3A_207 = arith.constant 0 : i32
        %dma_start3A_208 = tpu.memref_slice %arg2[%dma_start3A_206, %dma_start3A_207] : memref<10000x128xf32, #tpu.memory_space<hbm>> -> memref<10000x128xf32, #tpu.memory_space<hbm>>
        tpu.enqueue_indirect_dma source(%dma_start3A_208 : memref<10000x128xf32, #tpu.memory_space<hbm>>) target(%arg16 : memref<80x128xf32, #tpu.memory_space<vmem>>) offsets(%arg8 : memref<80xi32, #tpu.memory_space<vmem>>) semaphore(%arg25 : memref<!tpu.dma_semaphore, #tpu.memory_space<semaphore_mem>>)
      } else {
      }
      %add3A_163 = arith.constant 1 : i32
      %add3A_164 = arith.addi %scan3A_110, %add3A_163 : i32
      %mul3A_165 = arith.constant 4 : i32
      %mul3A_166 = arith.muli %add3A_164, %mul3A_165 : i32
      %add3A_167 = arith.constant 2 : i32
      %add3A_168 = arith.addi %mul3A_166, %add3A_167 : i32
      %dma_wait3A_169 = arith.constant 0 : i32
      %dma_wait3A_170 = arith.constant 0 : i32
      %dma_wait3A_171 = tpu.memref_slice %arg19[%dma_wait3A_169, %dma_wait3A_170] : memref<10000x128xf32, #tpu.memory_space<vmem_shared>> -> memref<10000x128xf32, #tpu.memory_space<vmem_shared>>
      tpu.wait_indirect_dma semaphore(%arg30 : memref<!tpu.dma_semaphore, #tpu.memory_space<semaphore_mem>>) src(%arg17 : memref<80x128xf32, #tpu.memory_space<vmem>>) dst(%dma_wait3A_171 : memref<10000x128xf32, #tpu.memory_space<vmem_shared>>)
      %lt3A_172 = arith.constant 124 : i32
      %lt3A_173 = arith.cmpi slt, %add3A_168, %lt3A_172 : i32
      %convert_element_type3A_174 = arith.extui %lt3A_173 : i1 to i32
      %cond3A_175 = arith.constant 0 : i32
      %cond3A_176 = arith.cmpi ne, %convert_element_type3A_174, %cond3A_175 : i32
      scf.if %cond3A_176 {
        %mul3A_191 = arith.constant 80 : i32
        %mul3A_192 = arith.muli %add3A_168, %mul3A_191 : i32
        %add3A_193 = arith.addi %mul3A_2, %mul3A_192 : i32
        %dma_start3A_194 = tpu.memref_slice %arg3[%add3A_193] : memref<320000xi32, #tpu.memory_space<hbm>> -> memref<80xi32, #tpu.memory_space<hbm>>
        %dma_start3A_195 = tpu.memref_slice %arg3[%add3A_193] : memref<320000xi32, #tpu.memory_space<hbm>> -> memref<80xi32, #tpu.memory_space<hbm>>
        tpu.enqueue_dma source(%dma_start3A_195 : memref<80xi32, #tpu.memory_space<hbm>>) target(%arg9 : memref<80xi32, #tpu.memory_space<vmem>>) target_semaphore(%arg22 : memref<!tpu.dma_semaphore, #tpu.memory_space<semaphore_mem>>)
        %dma_start3A_196 = tpu.memref_slice %arg4[%add3A_193] : memref<320000xi32, #tpu.memory_space<hbm>> -> memref<80xi32, #tpu.memory_space<hbm>>
        %dma_start3A_197 = tpu.memref_slice %arg4[%add3A_193] : memref<320000xi32, #tpu.memory_space<hbm>> -> memref<80xi32, #tpu.memory_space<hbm>>
        tpu.enqueue_dma source(%dma_start3A_197 : memref<80xi32, #tpu.memory_space<hbm>>) target(%arg13 : memref<80xi32, #tpu.memory_space<vmem>>) target_semaphore(%arg22 : memref<!tpu.dma_semaphore, #tpu.memory_space<semaphore_mem>>)
        %dma_wait3A_198 = arith.constant 0 : i32
        %dma_wait3A_199 = tpu.memref_slice %arg3[%dma_wait3A_198] : memref<320000xi32, #tpu.memory_space<hbm>> -> memref<80xi32, #tpu.memory_space<hbm>>
        %dma_wait3A_200 = arith.constant 0 : i32
        %dma_wait3A_201 = tpu.memref_slice %arg3[%dma_wait3A_200] : memref<320000xi32, #tpu.memory_space<hbm>> -> memref<80xi32, #tpu.memory_space<hbm>>
        tpu.wait_dma2 semaphore(%arg22 : memref<!tpu.dma_semaphore, #tpu.memory_space<semaphore_mem>>) src(%dma_wait3A_201 : memref<80xi32, #tpu.memory_space<hbm>>) dst(%arg9 : memref<80xi32, #tpu.memory_space<vmem>>)
        %dma_wait3A_202 = arith.constant 0 : i32
        %dma_wait3A_203 = tpu.memref_slice %arg4[%dma_wait3A_202] : memref<320000xi32, #tpu.memory_space<hbm>> -> memref<80xi32, #tpu.memory_space<hbm>>
        %dma_wait3A_204 = arith.constant 0 : i32
        %dma_wait3A_205 = tpu.memref_slice %arg4[%dma_wait3A_204] : memref<320000xi32, #tpu.memory_space<hbm>> -> memref<80xi32, #tpu.memory_space<hbm>>
        tpu.wait_dma2 semaphore(%arg22 : memref<!tpu.dma_semaphore, #tpu.memory_space<semaphore_mem>>) src(%dma_wait3A_205 : memref<80xi32, #tpu.memory_space<hbm>>) dst(%arg13 : memref<80xi32, #tpu.memory_space<vmem>>)
        %dma_start3A_206 = arith.constant 0 : i32
        %dma_start3A_207 = arith.constant 0 : i32
        %dma_start3A_208 = tpu.memref_slice %arg2[%dma_start3A_206, %dma_start3A_207] : memref<10000x128xf32, #tpu.memory_space<hbm>> -> memref<10000x128xf32, #tpu.memory_space<hbm>>
        tpu.enqueue_indirect_dma source(%dma_start3A_208 : memref<10000x128xf32, #tpu.memory_space<hbm>>) target(%arg17 : memref<80x128xf32, #tpu.memory_space<vmem>>) offsets(%arg9 : memref<80xi32, #tpu.memory_space<vmem>>) semaphore(%arg26 : memref<!tpu.dma_semaphore, #tpu.memory_space<semaphore_mem>>)
      } else {
      }
      %add3A_177 = arith.constant 1 : i32
      %add3A_178 = arith.addi %scan3A_110, %add3A_177 : i32
      %mul3A_179 = arith.constant 4 : i32
      %mul3A_180 = arith.muli %add3A_178, %mul3A_179 : i32
      %add3A_181 = arith.constant 3 : i32
      %add3A_182 = arith.addi %mul3A_180, %add3A_181 : i32
      %dma_wait3A_183 = arith.constant 0 : i32
      %dma_wait3A_184 = arith.constant 0 : i32
      %dma_wait3A_185 = tpu.memref_slice %arg19[%dma_wait3A_183, %dma_wait3A_184] : memref<10000x128xf32, #tpu.memory_space<vmem_shared>> -> memref<10000x128xf32, #tpu.memory_space<vmem_shared>>
      tpu.wait_indirect_dma semaphore(%arg31 : memref<!tpu.dma_semaphore, #tpu.memory_space<semaphore_mem>>) src(%arg18 : memref<80x128xf32, #tpu.memory_space<vmem>>) dst(%dma_wait3A_185 : memref<10000x128xf32, #tpu.memory_space<vmem_shared>>)
      %lt3A_186 = arith.constant 124 : i32
      %lt3A_187 = arith.cmpi slt, %add3A_182, %lt3A_186 : i32
      %convert_element_type3A_188 = arith.extui %lt3A_187 : i1 to i32
      %cond3A_189 = arith.constant 0 : i32
      %cond3A_190 = arith.cmpi ne, %convert_element_type3A_188, %cond3A_189 : i32
      scf.if %cond3A_190 {
        %mul3A_191 = arith.constant 80 : i32
        %mul3A_192 = arith.muli %add3A_182, %mul3A_191 : i32
        %add3A_193 = arith.addi %mul3A_2, %mul3A_192 : i32
        %dma_start3A_194 = tpu.memref_slice %arg3[%add3A_193] : memref<320000xi32, #tpu.memory_space<hbm>> -> memref<80xi32, #tpu.memory_space<hbm>>
        %dma_start3A_195 = tpu.memref_slice %arg3[%add3A_193] : memref<320000xi32, #tpu.memory_space<hbm>> -> memref<80xi32, #tpu.memory_space<hbm>>
        tpu.enqueue_dma source(%dma_start3A_195 : memref<80xi32, #tpu.memory_space<hbm>>) target(%arg10 : memref<80xi32, #tpu.memory_space<vmem>>) target_semaphore(%arg23 : memref<!tpu.dma_semaphore, #tpu.memory_space<semaphore_mem>>)
        %dma_start3A_196 = tpu.memref_slice %arg4[%add3A_193] : memref<320000xi32, #tpu.memory_space<hbm>> -> memref<80xi32, #tpu.memory_space<hbm>>
        %dma_start3A_197 = tpu.memref_slice %arg4[%add3A_193] : memref<320000xi32, #tpu.memory_space<hbm>> -> memref<80xi32, #tpu.memory_space<hbm>>
        tpu.enqueue_dma source(%dma_start3A_197 : memref<80xi32, #tpu.memory_space<hbm>>) target(%arg14 : memref<80xi32, #tpu.memory_space<vmem>>) target_semaphore(%arg23 : memref<!tpu.dma_semaphore, #tpu.memory_space<semaphore_mem>>)
        %dma_wait3A_198 = arith.constant 0 : i32
        %dma_wait3A_199 = tpu.memref_slice %arg3[%dma_wait3A_198] : memref<320000xi32, #tpu.memory_space<hbm>> -> memref<80xi32, #tpu.memory_space<hbm>>
        %dma_wait3A_200 = arith.constant 0 : i32
        %dma_wait3A_201 = tpu.memref_slice %arg3[%dma_wait3A_200] : memref<320000xi32, #tpu.memory_space<hbm>> -> memref<80xi32, #tpu.memory_space<hbm>>
        tpu.wait_dma2 semaphore(%arg23 : memref<!tpu.dma_semaphore, #tpu.memory_space<semaphore_mem>>) src(%dma_wait3A_201 : memref<80xi32, #tpu.memory_space<hbm>>) dst(%arg10 : memref<80xi32, #tpu.memory_space<vmem>>)
        %dma_wait3A_202 = arith.constant 0 : i32
        %dma_wait3A_203 = tpu.memref_slice %arg4[%dma_wait3A_202] : memref<320000xi32, #tpu.memory_space<hbm>> -> memref<80xi32, #tpu.memory_space<hbm>>
        %dma_wait3A_204 = arith.constant 0 : i32
        %dma_wait3A_205 = tpu.memref_slice %arg4[%dma_wait3A_204] : memref<320000xi32, #tpu.memory_space<hbm>> -> memref<80xi32, #tpu.memory_space<hbm>>
        tpu.wait_dma2 semaphore(%arg23 : memref<!tpu.dma_semaphore, #tpu.memory_space<semaphore_mem>>) src(%dma_wait3A_205 : memref<80xi32, #tpu.memory_space<hbm>>) dst(%arg14 : memref<80xi32, #tpu.memory_space<vmem>>)
        %dma_start3A_206 = arith.constant 0 : i32
        %dma_start3A_207 = arith.constant 0 : i32
        %dma_start3A_208 = tpu.memref_slice %arg2[%dma_start3A_206, %dma_start3A_207] : memref<10000x128xf32, #tpu.memory_space<hbm>> -> memref<10000x128xf32, #tpu.memory_space<hbm>>
        tpu.enqueue_indirect_dma source(%dma_start3A_208 : memref<10000x128xf32, #tpu.memory_space<hbm>>) target(%arg18 : memref<80x128xf32, #tpu.memory_space<vmem>>) offsets(%arg10 : memref<80xi32, #tpu.memory_space<vmem>>) semaphore(%arg27 : memref<!tpu.dma_semaphore, #tpu.memory_space<semaphore_mem>>)
      } else {
      }
    }
    %scan3A_88 = arith.constant 31 : i32
    %add3A_89 = arith.constant 9920 : i32
    %add3A_90 = arith.addi %mul3A_2, %add3A_89 : i32
    "tpu.region"() ({
      %run_scoped3A = tpu.sem_alloc : memref<!tpu.dma_semaphore, #tpu.memory_space<semaphore_mem>>
      %dma_start3A_110 = tpu.memref_slice %arg3[%add3A_90] : memref<320000xi32, #tpu.memory_space<hbm>> -> memref<80xi32, #tpu.memory_space<hbm>>
      %dma_start3A_111 = tpu.memref_slice %arg3[%add3A_90] : memref<320000xi32, #tpu.memory_space<hbm>> -> memref<80xi32, #tpu.memory_space<hbm>>
      tpu.enqueue_dma source(%dma_start3A_111 : memref<80xi32, #tpu.memory_space<hbm>>) target(%arg7 : memref<80xi32, #tpu.memory_space<vmem>>) target_semaphore(%run_scoped3A : memref<!tpu.dma_semaphore, #tpu.memory_space<semaphore_mem>>)
      %dma_wait3A_112 = tpu.memref_slice %arg3[%add3A_90] : memref<320000xi32, #tpu.memory_space<hbm>> -> memref<80xi32, #tpu.memory_space<hbm>>
      %dma_wait3A_113 = tpu.memref_slice %arg3[%add3A_90] : memref<320000xi32, #tpu.memory_space<hbm>> -> memref<80xi32, #tpu.memory_space<hbm>>
      tpu.wait_dma2 semaphore(%run_scoped3A : memref<!tpu.dma_semaphore, #tpu.memory_space<semaphore_mem>>) src(%dma_wait3A_113 : memref<80xi32, #tpu.memory_space<hbm>>) dst(%arg7 : memref<80xi32, #tpu.memory_space<vmem>>)
      tpu.yield
    }) : () -> ()
    "tpu.region"() ({
      %run_scoped3A = tpu.sem_alloc : memref<!tpu.dma_semaphore, #tpu.memory_space<semaphore_mem>>
      %dma_start3A_110 = tpu.memref_slice %arg4[%add3A_90] : memref<320000xi32, #tpu.memory_space<hbm>> -> memref<80xi32, #tpu.memory_space<hbm>>
      %dma_start3A_111 = tpu.memref_slice %arg4[%add3A_90] : memref<320000xi32, #tpu.memory_space<hbm>> -> memref<80xi32, #tpu.memory_space<hbm>>
      tpu.enqueue_dma source(%dma_start3A_111 : memref<80xi32, #tpu.memory_space<hbm>>) target(%arg11 : memref<80xi32, #tpu.memory_space<vmem>>) target_semaphore(%run_scoped3A : memref<!tpu.dma_semaphore, #tpu.memory_space<semaphore_mem>>)
      %dma_wait3A_112 = tpu.memref_slice %arg4[%add3A_90] : memref<320000xi32, #tpu.memory_space<hbm>> -> memref<80xi32, #tpu.memory_space<hbm>>
      %dma_wait3A_113 = tpu.memref_slice %arg4[%add3A_90] : memref<320000xi32, #tpu.memory_space<hbm>> -> memref<80xi32, #tpu.memory_space<hbm>>
      tpu.wait_dma2 semaphore(%run_scoped3A : memref<!tpu.dma_semaphore, #tpu.memory_space<semaphore_mem>>) src(%dma_wait3A_113 : memref<80xi32, #tpu.memory_space<hbm>>) dst(%arg11 : memref<80xi32, #tpu.memory_space<vmem>>)
      tpu.yield
    }) : () -> ()
    %dma_start3A_91 = arith.constant 0 : i32
    %dma_start3A_92 = arith.constant 0 : i32
    %dma_start3A_93 = tpu.memref_slice %arg2[%dma_start3A_91, %dma_start3A_92] : memref<10000x128xf32, #tpu.memory_space<hbm>> -> memref<10000x128xf32, #tpu.memory_space<hbm>>
    tpu.enqueue_indirect_dma source(%dma_start3A_93 : memref<10000x128xf32, #tpu.memory_space<hbm>>) target(%arg15 : memref<80x128xf32, #tpu.memory_space<vmem>>) offsets(%arg7 : memref<80xi32, #tpu.memory_space<vmem>>) semaphore(%arg24 : memref<!tpu.dma_semaphore, #tpu.memory_space<semaphore_mem>>)
    %dma_wait3A_94 = arith.constant 0 : i32
    %dma_wait3A_95 = arith.constant 0 : i32
    %dma_wait3A_96 = tpu.memref_slice %arg2[%dma_wait3A_94, %dma_wait3A_95] : memref<10000x128xf32, #tpu.memory_space<hbm>> -> memref<10000x128xf32, #tpu.memory_space<hbm>>
    tpu.wait_indirect_dma semaphore(%arg24 : memref<!tpu.dma_semaphore, #tpu.memory_space<semaphore_mem>>) src(%dma_wait3A_96 : memref<10000x128xf32, #tpu.memory_space<hbm>>) dst(%arg15 : memref<80x128xf32, #tpu.memory_space<vmem>>)
    "tpu.region"() ({
      %run_scoped3A = tpu.sem_alloc : memref<!tpu.dma_semaphore, #tpu.memory_space<semaphore_mem>>
      %dma_start3A_110 = arith.constant 0 : i32
      %dma_start3A_111 = arith.constant 0 : i32
      %dma_start3A_112 = tpu.memref_slice %arg19[%dma_start3A_110, %dma_start3A_111] : memref<10000x128xf32, #tpu.memory_space<vmem_shared>> -> memref<10000x128xf32, #tpu.memory_space<vmem_shared>>
      tpu.enqueue_indirect_dma source(%arg15 : memref<80x128xf32, #tpu.memory_space<vmem>>) target(%dma_start3A_112 : memref<10000x128xf32, #tpu.memory_space<vmem_shared>>) offsets(%arg11 : memref<80xi32, #tpu.memory_space<vmem>>) semaphore(%run_scoped3A : memref<!tpu.dma_semaphore, #tpu.memory_space<semaphore_mem>>) {add = true}
      %dma_wait3A_113 = arith.constant 0 : i32
      %dma_wait3A_114 = arith.constant 0 : i32
      %dma_wait3A_115 = tpu.memref_slice %arg19[%dma_wait3A_113, %dma_wait3A_114] : memref<10000x128xf32, #tpu.memory_space<vmem_shared>> -> memref<10000x128xf32, #tpu.memory_space<vmem_shared>>
      tpu.wait_indirect_dma semaphore(%run_scoped3A : memref<!tpu.dma_semaphore, #tpu.memory_space<semaphore_mem>>) src(%arg15 : memref<80x128xf32, #tpu.memory_space<vmem>>) dst(%dma_wait3A_115 : memref<10000x128xf32, #tpu.memory_space<vmem_shared>>)
      tpu.yield
    }) : () -> ()
    %barrier3A_97 = arith.constant 0 : index
    tpu.barrier barrier_id(%barrier3A_97)
    %mul3A_98 = arith.constant 632 : i32
    %mul3A_99 = arith.muli %arg1, %mul3A_98 : i32
    %lt3A_100 = arith.constant 15 : i32
    %lt3A_101 = arith.cmpi slt, %arg1, %lt3A_100 : i32
    %convert_element_type3A_102 = arith.extui %lt3A_101 : i1 to i32
    %cond3A_103 = arith.constant 0 : i32
    %cond3A_104 = arith.cmpi ne, %convert_element_type3A_102, %cond3A_103 : i32
    scf.if %cond3A_104 {
      "tpu.region"() ({
        %run_scoped3A = tpu.sem_alloc : memref<!tpu.dma_semaphore, #tpu.memory_space<semaphore_mem>>
        %dma_start3A_110 = arith.constant 0 : i32
        %dma_start3A_111 = tpu.memref_slice %arg6[%arg0, %mul3A_99, %dma_start3A_110] : memref<2x10000x128xf32, #tpu.memory_space<hbm>> -> memref<1x632x128xf32, #tpu.memory_space<hbm>>
        %dma_start3A_112 = tpu.memref_squeeze %dma_start3A_111 : memref<1x632x128xf32, #tpu.memory_space<hbm>> -> memref<632x128xf32, #tpu.memory_space<hbm>>
        %dma_start3A_113 = arith.constant 0 : i32
        %dma_start3A_114 = tpu.memref_slice %arg19[%mul3A_99, %dma_start3A_113] : memref<10000x128xf32, #tpu.memory_space<vmem_shared>> -> memref<632x128xf32, #tpu.memory_space<vmem_shared>>
        tpu.enqueue_dma source(%dma_start3A_114 : memref<632x128xf32, #tpu.memory_space<vmem_shared>>) target(%dma_start3A_112 : memref<632x128xf32, #tpu.memory_space<hbm>>) target_semaphore(%run_scoped3A : memref<!tpu.dma_semaphore, #tpu.memory_space<semaphore_mem>>)
        %dma_wait3A_115 = arith.constant 0 : i32
        %dma_wait3A_116 = tpu.memref_slice %arg6[%arg0, %mul3A_99, %dma_wait3A_115] : memref<2x10000x128xf32, #tpu.memory_space<hbm>> -> memref<1x632x128xf32, #tpu.memory_space<hbm>>
        %dma_wait3A_117 = tpu.memref_squeeze %dma_wait3A_116 : memref<1x632x128xf32, #tpu.memory_space<hbm>> -> memref<632x128xf32, #tpu.memory_space<hbm>>
        %dma_wait3A_118 = arith.constant 0 : i32
        %dma_wait3A_119 = tpu.memref_slice %arg19[%mul3A_99, %dma_wait3A_118] : memref<10000x128xf32, #tpu.memory_space<vmem_shared>> -> memref<632x128xf32, #tpu.memory_space<vmem_shared>>
        tpu.wait_dma2 semaphore(%run_scoped3A : memref<!tpu.dma_semaphore, #tpu.memory_space<semaphore_mem>>) src(%dma_wait3A_119 : memref<632x128xf32, #tpu.memory_space<vmem_shared>>) dst(%dma_wait3A_117 : memref<632x128xf32, #tpu.memory_space<hbm>>)
        tpu.yield
      }) : () -> ()
    } else {
    }
    %eq3A_105 = arith.constant 15 : i32
    %eq3A_106 = arith.cmpi eq, %arg1, %eq3A_105 : i32
    %convert_element_type3A_107 = arith.extui %eq3A_106 : i1 to i32
    %cond3A_108 = arith.constant 0 : i32
    %cond3A_109 = arith.cmpi ne, %convert_element_type3A_107, %cond3A_108 : i32
    scf.if %cond3A_109 {
      "tpu.region"() ({
        %run_scoped3A = tpu.sem_alloc : memref<!tpu.dma_semaphore, #tpu.memory_space<semaphore_mem>>
        %dma_start3A_110 = arith.constant 0 : i32
        %dma_start3A_111 = tpu.memref_slice %arg6[%arg0, %mul3A_99, %dma_start3A_110] : memref<2x10000x128xf32, #tpu.memory_space<hbm>> -> memref<1x520x128xf32, #tpu.memory_space<hbm>>
        %dma_start3A_112 = tpu.memref_squeeze %dma_start3A_111 : memref<1x520x128xf32, #tpu.memory_space<hbm>> -> memref<520x128xf32, #tpu.memory_space<hbm>>
        %dma_start3A_113 = arith.constant 0 : i32
        %dma_start3A_114 = tpu.memref_slice %arg19[%mul3A_99, %dma_start3A_113] : memref<10000x128xf32, #tpu.memory_space<vmem_shared>> -> memref<520x128xf32, #tpu.memory_space<vmem_shared>>
        tpu.enqueue_dma source(%dma_start3A_114 : memref<520x128xf32, #tpu.memory_space<vmem_shared>>) target(%dma_start3A_112 : memref<520x128xf32, #tpu.memory_space<hbm>>) target_semaphore(%run_scoped3A : memref<!tpu.dma_semaphore, #tpu.memory_space<semaphore_mem>>)
        %dma_wait3A_115 = arith.constant 0 : i32
        %dma_wait3A_116 = tpu.memref_slice %arg6[%arg0, %mul3A_99, %dma_wait3A_115] : memref<2x10000x128xf32, #tpu.memory_space<hbm>> -> memref<1x520x128xf32, #tpu.memory_space<hbm>>
        %dma_wait3A_117 = tpu.memref_squeeze %dma_wait3A_116 : memref<1x520x128xf32, #tpu.memory_space<hbm>> -> memref<520x128xf32, #tpu.memory_space<hbm>>
        %dma_wait3A_118 = arith.constant 0 : i32
        %dma_wait3A_119 = tpu.memref_slice %arg19[%mul3A_99, %dma_wait3A_118] : memref<10000x128xf32, #tpu.memory_space<vmem_shared>> -> memref<520x128xf32, #tpu.memory_space<vmem_shared>>
        tpu.wait_dma2 semaphore(%run_scoped3A : memref<!tpu.dma_semaphore, #tpu.memory_space<semaphore_mem>>) src(%dma_wait3A_119 : memref<520x128xf32, #tpu.memory_space<vmem_shared>>) dst(%dma_wait3A_117 : memref<520x128xf32, #tpu.memory_space<hbm>>)
        tpu.yield
      }) : () -> ()
    } else {
    }
    return
  }
}

#map = affine_map<(d0, d1) -> (0, 0, 0)>
#map1 = affine_map<(d0, d1) -> (0, 0)>
module attributes {stable_mosaic.version = 14 : i64} {
  func.func @_deg_body(%arg0: i32, %arg1: i32, %arg2: memref<32x80x128xi32, #tpu.memory_space<hbm>>, %arg3: memref<128x128xf32, #tpu.memory_space<hbm>>, %arg4: memref<632x128xf32, #tpu.memory_space<hbm>>, %arg5: memref<2x10008x128xf32, #tpu.memory_space<hbm>>, %arg6: memref<80x128xi32, #tpu.memory_space<vmem>>, %arg7: memref<128x128xf32, #tpu.memory_space<vmem>>, %arg8: memref<10008x128xf32, #tpu.memory_space<vmem_shared>>, %arg9: memref<!tpu.dma_semaphore, #tpu.memory_space<semaphore_mem>>, %arg10: memref<!tpu.dma_semaphore, #tpu.memory_space<semaphore_mem>>, %arg11: memref<!tpu.dma_semaphore, #tpu.memory_space<semaphore_mem>>, %arg12: memref<!tpu.dma_semaphore, #tpu.memory_space<semaphore_mem>>) attributes {dimension_semantics = [#tpu.dimension_semantics<core_parallel>, #tpu.dimension_semantics<subcore_parallel>], iteration_bounds = array<i64: 2, 16>, scalar_prefetch = 0 : i64, scratch_operands = 7 : i64, tpu.core_type = #tpu.core_type<sc_vector_subcore>, window_params = [{transform_indices = #map}, {transform_indices = #map1}, {transform_indices = #map1}, {transform_indices = #map}]} {
    %mul3A = arith.constant 16 : i32
    %mul3A_0 = arith.muli %arg0, %mul3A : i32
    %add3A = arith.addi %mul3A_0, %arg1 : i32
    %mul3A_1 = arith.constant 632 : i32
    %mul3A_2 = arith.muli %arg1, %mul3A_1 : i32
    "tpu.region"() ({
      %run_scoped3A = tpu.sem_alloc : memref<!tpu.dma_semaphore, #tpu.memory_space<semaphore_mem>>
      tpu.enqueue_dma source(%arg3 : memref<128x128xf32, #tpu.memory_space<hbm>>) target(%arg7 : memref<128x128xf32, #tpu.memory_space<vmem>>) target_semaphore(%run_scoped3A : memref<!tpu.dma_semaphore, #tpu.memory_space<semaphore_mem>>)
      tpu.wait_dma2 semaphore(%run_scoped3A : memref<!tpu.dma_semaphore, #tpu.memory_space<semaphore_mem>>) src(%arg3 : memref<128x128xf32, #tpu.memory_space<hbm>>) dst(%arg7 : memref<128x128xf32, #tpu.memory_space<vmem>>)
      tpu.yield
    }) : () -> ()
    %lt3A = arith.constant 15 : i32
    %lt3A_3 = arith.cmpi slt, %arg1, %lt3A : i32
    %convert_element_type3A = arith.extui %lt3A_3 : i1 to i32
    %cond3A = arith.constant 0 : i32
    %cond3A_4 = arith.cmpi ne, %convert_element_type3A, %cond3A : i32
    scf.if %cond3A_4 {
      "tpu.region"() ({
        %run_scoped3A = tpu.sem_alloc : memref<!tpu.dma_semaphore, #tpu.memory_space<semaphore_mem>>
        %dma_start3A_51 = arith.constant 0 : i32
        %dma_start3A_52 = tpu.memref_slice %arg8[%mul3A_2, %dma_start3A_51] : memref<10008x128xf32, #tpu.memory_space<vmem_shared>> -> memref<632x128xf32, #tpu.memory_space<vmem_shared>>
        %dma_start3A_53 = arith.constant 0 : i32
        %dma_start3A_54 = arith.constant 0 : i32
        %dma_start3A_55 = tpu.memref_slice %arg4[%dma_start3A_53, %dma_start3A_54] : memref<632x128xf32, #tpu.memory_space<hbm>> -> memref<632x128xf32, #tpu.memory_space<hbm>>
        tpu.enqueue_dma source(%dma_start3A_55 : memref<632x128xf32, #tpu.memory_space<hbm>>) target(%dma_start3A_52 : memref<632x128xf32, #tpu.memory_space<vmem_shared>>) target_semaphore(%run_scoped3A : memref<!tpu.dma_semaphore, #tpu.memory_space<semaphore_mem>>)
        %dma_wait3A = arith.constant 0 : i32
        %dma_wait3A_56 = tpu.memref_slice %arg8[%mul3A_2, %dma_wait3A] : memref<10008x128xf32, #tpu.memory_space<vmem_shared>> -> memref<632x128xf32, #tpu.memory_space<vmem_shared>>
        %dma_wait3A_57 = arith.constant 0 : i32
        %dma_wait3A_58 = arith.constant 0 : i32
        %dma_wait3A_59 = tpu.memref_slice %arg4[%dma_wait3A_57, %dma_wait3A_58] : memref<632x128xf32, #tpu.memory_space<hbm>> -> memref<632x128xf32, #tpu.memory_space<hbm>>
        tpu.wait_dma2 semaphore(%run_scoped3A : memref<!tpu.dma_semaphore, #tpu.memory_space<semaphore_mem>>) src(%dma_wait3A_59 : memref<632x128xf32, #tpu.memory_space<hbm>>) dst(%dma_wait3A_56 : memref<632x128xf32, #tpu.memory_space<vmem_shared>>)
        tpu.yield
      }) : () -> ()
    } else {
    }
    %eq3A = arith.constant 15 : i32
    %eq3A_5 = arith.cmpi eq, %arg1, %eq3A : i32
    %convert_element_type3A_6 = arith.extui %eq3A_5 : i1 to i32
    %cond3A_7 = arith.constant 0 : i32
    %cond3A_8 = arith.cmpi ne, %convert_element_type3A_6, %cond3A_7 : i32
    scf.if %cond3A_8 {
      "tpu.region"() ({
        %run_scoped3A = tpu.sem_alloc : memref<!tpu.dma_semaphore, #tpu.memory_space<semaphore_mem>>
        %dma_start3A_51 = arith.constant 0 : i32
        %dma_start3A_52 = tpu.memref_slice %arg8[%mul3A_2, %dma_start3A_51] : memref<10008x128xf32, #tpu.memory_space<vmem_shared>> -> memref<528x128xf32, #tpu.memory_space<vmem_shared>>
        %dma_start3A_53 = arith.constant 0 : i32
        %dma_start3A_54 = arith.constant 0 : i32
        %dma_start3A_55 = tpu.memref_slice %arg4[%dma_start3A_53, %dma_start3A_54] : memref<632x128xf32, #tpu.memory_space<hbm>> -> memref<528x128xf32, #tpu.memory_space<hbm>>
        tpu.enqueue_dma source(%dma_start3A_55 : memref<528x128xf32, #tpu.memory_space<hbm>>) target(%dma_start3A_52 : memref<528x128xf32, #tpu.memory_space<vmem_shared>>) target_semaphore(%run_scoped3A : memref<!tpu.dma_semaphore, #tpu.memory_space<semaphore_mem>>)
        %dma_wait3A = arith.constant 0 : i32
        %dma_wait3A_56 = tpu.memref_slice %arg8[%mul3A_2, %dma_wait3A] : memref<10008x128xf32, #tpu.memory_space<vmem_shared>> -> memref<528x128xf32, #tpu.memory_space<vmem_shared>>
        %dma_wait3A_57 = arith.constant 0 : i32
        %dma_wait3A_58 = arith.constant 0 : i32
        %dma_wait3A_59 = tpu.memref_slice %arg4[%dma_wait3A_57, %dma_wait3A_58] : memref<632x128xf32, #tpu.memory_space<hbm>> -> memref<528x128xf32, #tpu.memory_space<hbm>>
        tpu.wait_dma2 semaphore(%run_scoped3A : memref<!tpu.dma_semaphore, #tpu.memory_space<semaphore_mem>>) src(%dma_wait3A_59 : memref<528x128xf32, #tpu.memory_space<hbm>>) dst(%dma_wait3A_56 : memref<528x128xf32, #tpu.memory_space<vmem_shared>>)
        tpu.yield
      }) : () -> ()
    } else {
    }
    %barrier3A = arith.constant 0 : index
    tpu.barrier barrier_id(%barrier3A)
    "tpu.region"() ({
      %run_scoped3A = tpu.sem_alloc : memref<!tpu.dma_semaphore, #tpu.memory_space<semaphore_mem>>
      %dma_start3A_51 = arith.constant 0 : i32
      %dma_start3A_52 = arith.constant 0 : i32
      %dma_start3A_53 = tpu.memref_slice %arg2[%add3A, %dma_start3A_51, %dma_start3A_52] : memref<32x80x128xi32, #tpu.memory_space<hbm>> -> memref<1x80x128xi32, #tpu.memory_space<hbm>>
      %dma_start3A_54 = tpu.memref_squeeze %dma_start3A_53 : memref<1x80x128xi32, #tpu.memory_space<hbm>> -> memref<80x128xi32, #tpu.memory_space<hbm>>
      %dma_start3A_55 = arith.constant 0 : i32
      %dma_start3A_56 = arith.constant 0 : i32
      %dma_start3A_57 = tpu.memref_slice %arg2[%add3A, %dma_start3A_55, %dma_start3A_56] : memref<32x80x128xi32, #tpu.memory_space<hbm>> -> memref<1x80x128xi32, #tpu.memory_space<hbm>>
      %dma_start3A_58 = tpu.memref_squeeze %dma_start3A_57 : memref<1x80x128xi32, #tpu.memory_space<hbm>> -> memref<80x128xi32, #tpu.memory_space<hbm>>
      tpu.enqueue_dma source(%dma_start3A_58 : memref<80x128xi32, #tpu.memory_space<hbm>>) target(%arg6 : memref<80x128xi32, #tpu.memory_space<vmem>>) target_semaphore(%run_scoped3A : memref<!tpu.dma_semaphore, #tpu.memory_space<semaphore_mem>>)
      %dma_wait3A = arith.constant 0 : i32
      %dma_wait3A_59 = arith.constant 0 : i32
      %dma_wait3A_60 = tpu.memref_slice %arg2[%add3A, %dma_wait3A, %dma_wait3A_59] : memref<32x80x128xi32, #tpu.memory_space<hbm>> -> memref<1x80x128xi32, #tpu.memory_space<hbm>>
      %dma_wait3A_61 = tpu.memref_squeeze %dma_wait3A_60 : memref<1x80x128xi32, #tpu.memory_space<hbm>> -> memref<80x128xi32, #tpu.memory_space<hbm>>
      %dma_wait3A_62 = arith.constant 0 : i32
      %dma_wait3A_63 = arith.constant 0 : i32
      %dma_wait3A_64 = tpu.memref_slice %arg2[%add3A, %dma_wait3A_62, %dma_wait3A_63] : memref<32x80x128xi32, #tpu.memory_space<hbm>> -> memref<1x80x128xi32, #tpu.memory_space<hbm>>
      %dma_wait3A_65 = tpu.memref_squeeze %dma_wait3A_64 : memref<1x80x128xi32, #tpu.memory_space<hbm>> -> memref<80x128xi32, #tpu.memory_space<hbm>>
      tpu.wait_dma2 semaphore(%run_scoped3A : memref<!tpu.dma_semaphore, #tpu.memory_space<semaphore_mem>>) src(%dma_wait3A_65 : memref<80x128xi32, #tpu.memory_space<hbm>>) dst(%arg6 : memref<80x128xi32, #tpu.memory_space<vmem>>)
      tpu.yield
    }) : () -> ()
    %dma_start3A = arith.constant 0 : i32
    %dma_start3A_9 = arith.constant 0 : i32
    %dma_start3A_10 = tpu.memref_slice %arg6[%dma_start3A, %dma_start3A_9] : memref<80x128xi32, #tpu.memory_space<vmem>> -> memref<1x128xi32, #tpu.memory_space<vmem>>
    %dma_start3A_11 = tpu.memref_squeeze %dma_start3A_10 : memref<1x128xi32, #tpu.memory_space<vmem>> -> memref<128xi32, #tpu.memory_space<vmem>>
    %dma_start3A_12 = arith.constant 0 : i32
    %dma_start3A_13 = arith.constant 0 : i32
    %dma_start3A_14 = tpu.memref_slice %arg8[%dma_start3A_12, %dma_start3A_13] : memref<10008x128xf32, #tpu.memory_space<vmem_shared>> -> memref<10008x128xf32, #tpu.memory_space<vmem_shared>>
    tpu.enqueue_indirect_dma source(%arg7 : memref<128x128xf32, #tpu.memory_space<vmem>>) target(%dma_start3A_14 : memref<10008x128xf32, #tpu.memory_space<vmem_shared>>) offsets(%dma_start3A_11 : memref<128xi32, #tpu.memory_space<vmem>>) semaphore(%arg9 : memref<!tpu.dma_semaphore, #tpu.memory_space<semaphore_mem>>) {add = true}
    %dma_start3A_15 = arith.constant 1 : i32
    %dma_start3A_16 = arith.constant 0 : i32
    %dma_start3A_17 = tpu.memref_slice %arg6[%dma_start3A_15, %dma_start3A_16] : memref<80x128xi32, #tpu.memory_space<vmem>> -> memref<1x128xi32, #tpu.memory_space<vmem>>
    %dma_start3A_18 = tpu.memref_squeeze %dma_start3A_17 : memref<1x128xi32, #tpu.memory_space<vmem>> -> memref<128xi32, #tpu.memory_space<vmem>>
    %dma_start3A_19 = arith.constant 0 : i32
    %dma_start3A_20 = arith.constant 0 : i32
    %dma_start3A_21 = tpu.memref_slice %arg8[%dma_start3A_19, %dma_start3A_20] : memref<10008x128xf32, #tpu.memory_space<vmem_shared>> -> memref<10008x128xf32, #tpu.memory_space<vmem_shared>>
    tpu.enqueue_indirect_dma source(%arg7 : memref<128x128xf32, #tpu.memory_space<vmem>>) target(%dma_start3A_21 : memref<10008x128xf32, #tpu.memory_space<vmem_shared>>) offsets(%dma_start3A_18 : memref<128xi32, #tpu.memory_space<vmem>>) semaphore(%arg10 : memref<!tpu.dma_semaphore, #tpu.memory_space<semaphore_mem>>) {add = true}
    %dma_start3A_22 = arith.constant 2 : i32
    %dma_start3A_23 = arith.constant 0 : i32
    %dma_start3A_24 = tpu.memref_slice %arg6[%dma_start3A_22, %dma_start3A_23] : memref<80x128xi32, #tpu.memory_space<vmem>> -> memref<1x128xi32, #tpu.memory_space<vmem>>
    %dma_start3A_25 = tpu.memref_squeeze %dma_start3A_24 : memref<1x128xi32, #tpu.memory_space<vmem>> -> memref<128xi32, #tpu.memory_space<vmem>>
    %dma_start3A_26 = arith.constant 0 : i32
    %dma_start3A_27 = arith.constant 0 : i32
    %dma_start3A_28 = tpu.memref_slice %arg8[%dma_start3A_26, %dma_start3A_27] : memref<10008x128xf32, #tpu.memory_space<vmem_shared>> -> memref<10008x128xf32, #tpu.memory_space<vmem_shared>>
    tpu.enqueue_indirect_dma source(%arg7 : memref<128x128xf32, #tpu.memory_space<vmem>>) target(%dma_start3A_28 : memref<10008x128xf32, #tpu.memory_space<vmem_shared>>) offsets(%dma_start3A_25 : memref<128xi32, #tpu.memory_space<vmem>>) semaphore(%arg11 : memref<!tpu.dma_semaphore, #tpu.memory_space<semaphore_mem>>) {add = true}
    %dma_start3A_29 = arith.constant 3 : i32
    %dma_start3A_30 = arith.constant 0 : i32
    %dma_start3A_31 = tpu.memref_slice %arg6[%dma_start3A_29, %dma_start3A_30] : memref<80x128xi32, #tpu.memory_space<vmem>> -> memref<1x128xi32, #tpu.memory_space<vmem>>
    %dma_start3A_32 = tpu.memref_squeeze %dma_start3A_31 : memref<1x128xi32, #tpu.memory_space<vmem>> -> memref<128xi32, #tpu.memory_space<vmem>>
    %dma_start3A_33 = arith.constant 0 : i32
    %dma_start3A_34 = arith.constant 0 : i32
    %dma_start3A_35 = tpu.memref_slice %arg8[%dma_start3A_33, %dma_start3A_34] : memref<10008x128xf32, #tpu.memory_space<vmem_shared>> -> memref<10008x128xf32, #tpu.memory_space<vmem_shared>>
    tpu.enqueue_indirect_dma source(%arg7 : memref<128x128xf32, #tpu.memory_space<vmem>>) target(%dma_start3A_35 : memref<10008x128xf32, #tpu.memory_space<vmem_shared>>) offsets(%dma_start3A_32 : memref<128xi32, #tpu.memory_space<vmem>>) semaphore(%arg12 : memref<!tpu.dma_semaphore, #tpu.memory_space<semaphore_mem>>) {add = true}
    %scan3A = arith.constant 0 : i32
    %scan3A_36 = arith.constant 20 : i32
    %scan3A_37 = arith.addi %scan3A, %scan3A_36 : i32
    %scan3A_38 = arith.constant 1 : i32
    scf.for %scan3A_51 = %scan3A to %scan3A_37 step %scan3A_38  : i32 {
      %dma_wait3A = arith.constant 0 : i32
      %dma_wait3A_52 = arith.constant 0 : i32
      %dma_wait3A_53 = tpu.memref_slice %arg6[%dma_wait3A, %dma_wait3A_52] : memref<80x128xi32, #tpu.memory_space<vmem>> -> memref<1x128xi32, #tpu.memory_space<vmem>>
      %dma_wait3A_54 = tpu.memref_squeeze %dma_wait3A_53 : memref<1x128xi32, #tpu.memory_space<vmem>> -> memref<128xi32, #tpu.memory_space<vmem>>
      %dma_wait3A_55 = arith.constant 0 : i32
      %dma_wait3A_56 = arith.constant 0 : i32
      %dma_wait3A_57 = tpu.memref_slice %arg8[%dma_wait3A_55, %dma_wait3A_56] : memref<10008x128xf32, #tpu.memory_space<vmem_shared>> -> memref<10008x128xf32, #tpu.memory_space<vmem_shared>>
      tpu.wait_indirect_dma semaphore(%arg9 : memref<!tpu.dma_semaphore, #tpu.memory_space<semaphore_mem>>) src(%arg7 : memref<128x128xf32, #tpu.memory_space<vmem>>) dst(%dma_wait3A_57 : memref<10008x128xf32, #tpu.memory_space<vmem_shared>>)
      %add3A_58 = arith.constant 1 : i32
      %add3A_59 = arith.addi %scan3A_51, %add3A_58 : i32
      %mul3A_60 = arith.constant 4 : i32
      %mul3A_61 = arith.muli %add3A_59, %mul3A_60 : i32
      %add3A_62 = arith.constant 0 : i32
      %add3A_63 = arith.addi %mul3A_61, %add3A_62 : i32
      %lt3A_64 = arith.constant 80 : i32
      %lt3A_65 = arith.cmpi slt, %add3A_63, %lt3A_64 : i32
      %convert_element_type3A_66 = arith.extui %lt3A_65 : i1 to i32
      %cond3A_67 = arith.constant 0 : i32
      %cond3A_68 = arith.cmpi ne, %convert_element_type3A_66, %cond3A_67 : i32
      scf.if %cond3A_68 {
        %dma_start3A_123 = arith.constant 0 : i32
        %dma_start3A_124 = tpu.memref_slice %arg6[%add3A_63, %dma_start3A_123] : memref<80x128xi32, #tpu.memory_space<vmem>> -> memref<1x128xi32, #tpu.memory_space<vmem>>
        %dma_start3A_125 = tpu.memref_squeeze %dma_start3A_124 : memref<1x128xi32, #tpu.memory_space<vmem>> -> memref<128xi32, #tpu.memory_space<vmem>>
        %dma_start3A_126 = arith.constant 0 : i32
        %dma_start3A_127 = arith.constant 0 : i32
        %dma_start3A_128 = tpu.memref_slice %arg8[%dma_start3A_126, %dma_start3A_127] : memref<10008x128xf32, #tpu.memory_space<vmem_shared>> -> memref<10008x128xf32, #tpu.memory_space<vmem_shared>>
        tpu.enqueue_indirect_dma source(%arg7 : memref<128x128xf32, #tpu.memory_space<vmem>>) target(%dma_start3A_128 : memref<10008x128xf32, #tpu.memory_space<vmem_shared>>) offsets(%dma_start3A_125 : memref<128xi32, #tpu.memory_space<vmem>>) semaphore(%arg9 : memref<!tpu.dma_semaphore, #tpu.memory_space<semaphore_mem>>) {add = true}
      } else {
      }
      %dma_wait3A_69 = arith.constant 0 : i32
      %dma_wait3A_70 = arith.constant 0 : i32
      %dma_wait3A_71 = tpu.memref_slice %arg6[%dma_wait3A_69, %dma_wait3A_70] : memref<80x128xi32, #tpu.memory_space<vmem>> -> memref<1x128xi32, #tpu.memory_space<vmem>>
      %dma_wait3A_72 = tpu.memref_squeeze %dma_wait3A_71 : memref<1x128xi32, #tpu.memory_space<vmem>> -> memref<128xi32, #tpu.memory_space<vmem>>
      %dma_wait3A_73 = arith.constant 0 : i32
      %dma_wait3A_74 = arith.constant 0 : i32
      %dma_wait3A_75 = tpu.memref_slice %arg8[%dma_wait3A_73, %dma_wait3A_74] : memref<10008x128xf32, #tpu.memory_space<vmem_shared>> -> memref<10008x128xf32, #tpu.memory_space<vmem_shared>>
      tpu.wait_indirect_dma semaphore(%arg10 : memref<!tpu.dma_semaphore, #tpu.memory_space<semaphore_mem>>) src(%arg7 : memref<128x128xf32, #tpu.memory_space<vmem>>) dst(%dma_wait3A_75 : memref<10008x128xf32, #tpu.memory_space<vmem_shared>>)
      %add3A_76 = arith.constant 1 : i32
      %add3A_77 = arith.addi %scan3A_51, %add3A_76 : i32
      %mul3A_78 = arith.constant 4 : i32
      %mul3A_79 = arith.muli %add3A_77, %mul3A_78 : i32
      %add3A_80 = arith.constant 1 : i32
      %add3A_81 = arith.addi %mul3A_79, %add3A_80 : i32
      %lt3A_82 = arith.constant 80 : i32
      %lt3A_83 = arith.cmpi slt, %add3A_81, %lt3A_82 : i32
      %convert_element_type3A_84 = arith.extui %lt3A_83 : i1 to i32
      %cond3A_85 = arith.constant 0 : i32
      %cond3A_86 = arith.cmpi ne, %convert_element_type3A_84, %cond3A_85 : i32
      scf.if %cond3A_86 {
        %dma_start3A_123 = arith.constant 0 : i32
        %dma_start3A_124 = tpu.memref_slice %arg6[%add3A_81, %dma_start3A_123] : memref<80x128xi32, #tpu.memory_space<vmem>> -> memref<1x128xi32, #tpu.memory_space<vmem>>
        %dma_start3A_125 = tpu.memref_squeeze %dma_start3A_124 : memref<1x128xi32, #tpu.memory_space<vmem>> -> memref<128xi32, #tpu.memory_space<vmem>>
        %dma_start3A_126 = arith.constant 0 : i32
        %dma_start3A_127 = arith.constant 0 : i32
        %dma_start3A_128 = tpu.memref_slice %arg8[%dma_start3A_126, %dma_start3A_127] : memref<10008x128xf32, #tpu.memory_space<vmem_shared>> -> memref<10008x128xf32, #tpu.memory_space<vmem_shared>>
        tpu.enqueue_indirect_dma source(%arg7 : memref<128x128xf32, #tpu.memory_space<vmem>>) target(%dma_start3A_128 : memref<10008x128xf32, #tpu.memory_space<vmem_shared>>) offsets(%dma_start3A_125 : memref<128xi32, #tpu.memory_space<vmem>>) semaphore(%arg10 : memref<!tpu.dma_semaphore, #tpu.memory_space<semaphore_mem>>) {add = true}
      } else {
      }
      %dma_wait3A_87 = arith.constant 0 : i32
      %dma_wait3A_88 = arith.constant 0 : i32
      %dma_wait3A_89 = tpu.memref_slice %arg6[%dma_wait3A_87, %dma_wait3A_88] : memref<80x128xi32, #tpu.memory_space<vmem>> -> memref<1x128xi32, #tpu.memory_space<vmem>>
      %dma_wait3A_90 = tpu.memref_squeeze %dma_wait3A_89 : memref<1x128xi32, #tpu.memory_space<vmem>> -> memref<128xi32, #tpu.memory_space<vmem>>
      %dma_wait3A_91 = arith.constant 0 : i32
      %dma_wait3A_92 = arith.constant 0 : i32
      %dma_wait3A_93 = tpu.memref_slice %arg8[%dma_wait3A_91, %dma_wait3A_92] : memref<10008x128xf32, #tpu.memory_space<vmem_shared>> -> memref<10008x128xf32, #tpu.memory_space<vmem_shared>>
      tpu.wait_indirect_dma semaphore(%arg11 : memref<!tpu.dma_semaphore, #tpu.memory_space<semaphore_mem>>) src(%arg7 : memref<128x128xf32, #tpu.memory_space<vmem>>) dst(%dma_wait3A_93 : memref<10008x128xf32, #tpu.memory_space<vmem_shared>>)
      %add3A_94 = arith.constant 1 : i32
      %add3A_95 = arith.addi %scan3A_51, %add3A_94 : i32
      %mul3A_96 = arith.constant 4 : i32
      %mul3A_97 = arith.muli %add3A_95, %mul3A_96 : i32
      %add3A_98 = arith.constant 2 : i32
      %add3A_99 = arith.addi %mul3A_97, %add3A_98 : i32
      %lt3A_100 = arith.constant 80 : i32
      %lt3A_101 = arith.cmpi slt, %add3A_99, %lt3A_100 : i32
      %convert_element_type3A_102 = arith.extui %lt3A_101 : i1 to i32
      %cond3A_103 = arith.constant 0 : i32
      %cond3A_104 = arith.cmpi ne, %convert_element_type3A_102, %cond3A_103 : i32
      scf.if %cond3A_104 {
        %dma_start3A_123 = arith.constant 0 : i32
        %dma_start3A_124 = tpu.memref_slice %arg6[%add3A_99, %dma_start3A_123] : memref<80x128xi32, #tpu.memory_space<vmem>> -> memref<1x128xi32, #tpu.memory_space<vmem>>
        %dma_start3A_125 = tpu.memref_squeeze %dma_start3A_124 : memref<1x128xi32, #tpu.memory_space<vmem>> -> memref<128xi32, #tpu.memory_space<vmem>>
        %dma_start3A_126 = arith.constant 0 : i32
        %dma_start3A_127 = arith.constant 0 : i32
        %dma_start3A_128 = tpu.memref_slice %arg8[%dma_start3A_126, %dma_start3A_127] : memref<10008x128xf32, #tpu.memory_space<vmem_shared>> -> memref<10008x128xf32, #tpu.memory_space<vmem_shared>>
        tpu.enqueue_indirect_dma source(%arg7 : memref<128x128xf32, #tpu.memory_space<vmem>>) target(%dma_start3A_128 : memref<10008x128xf32, #tpu.memory_space<vmem_shared>>) offsets(%dma_start3A_125 : memref<128xi32, #tpu.memory_space<vmem>>) semaphore(%arg11 : memref<!tpu.dma_semaphore, #tpu.memory_space<semaphore_mem>>) {add = true}
      } else {
      }
      %dma_wait3A_105 = arith.constant 0 : i32
      %dma_wait3A_106 = arith.constant 0 : i32
      %dma_wait3A_107 = tpu.memref_slice %arg6[%dma_wait3A_105, %dma_wait3A_106] : memref<80x128xi32, #tpu.memory_space<vmem>> -> memref<1x128xi32, #tpu.memory_space<vmem>>
      %dma_wait3A_108 = tpu.memref_squeeze %dma_wait3A_107 : memref<1x128xi32, #tpu.memory_space<vmem>> -> memref<128xi32, #tpu.memory_space<vmem>>
      %dma_wait3A_109 = arith.constant 0 : i32
      %dma_wait3A_110 = arith.constant 0 : i32
      %dma_wait3A_111 = tpu.memref_slice %arg8[%dma_wait3A_109, %dma_wait3A_110] : memref<10008x128xf32, #tpu.memory_space<vmem_shared>> -> memref<10008x128xf32, #tpu.memory_space<vmem_shared>>
      tpu.wait_indirect_dma semaphore(%arg12 : memref<!tpu.dma_semaphore, #tpu.memory_space<semaphore_mem>>) src(%arg7 : memref<128x128xf32, #tpu.memory_space<vmem>>) dst(%dma_wait3A_111 : memref<10008x128xf32, #tpu.memory_space<vmem_shared>>)
      %add3A_112 = arith.constant 1 : i32
      %add3A_113 = arith.addi %scan3A_51, %add3A_112 : i32
      %mul3A_114 = arith.constant 4 : i32
      %mul3A_115 = arith.muli %add3A_113, %mul3A_114 : i32
      %add3A_116 = arith.constant 3 : i32
      %add3A_117 = arith.addi %mul3A_115, %add3A_116 : i32
      %lt3A_118 = arith.constant 80 : i32
      %lt3A_119 = arith.cmpi slt, %add3A_117, %lt3A_118 : i32
      %convert_element_type3A_120 = arith.extui %lt3A_119 : i1 to i32
      %cond3A_121 = arith.constant 0 : i32
      %cond3A_122 = arith.cmpi ne, %convert_element_type3A_120, %cond3A_121 : i32
      scf.if %cond3A_122 {
        %dma_start3A_123 = arith.constant 0 : i32
        %dma_start3A_124 = tpu.memref_slice %arg6[%add3A_117, %dma_start3A_123] : memref<80x128xi32, #tpu.memory_space<vmem>> -> memref<1x128xi32, #tpu.memory_space<vmem>>
        %dma_start3A_125 = tpu.memref_squeeze %dma_start3A_124 : memref<1x128xi32, #tpu.memory_space<vmem>> -> memref<128xi32, #tpu.memory_space<vmem>>
        %dma_start3A_126 = arith.constant 0 : i32
        %dma_start3A_127 = arith.constant 0 : i32
        %dma_start3A_128 = tpu.memref_slice %arg8[%dma_start3A_126, %dma_start3A_127] : memref<10008x128xf32, #tpu.memory_space<vmem_shared>> -> memref<10008x128xf32, #tpu.memory_space<vmem_shared>>
        tpu.enqueue_indirect_dma source(%arg7 : memref<128x128xf32, #tpu.memory_space<vmem>>) target(%dma_start3A_128 : memref<10008x128xf32, #tpu.memory_space<vmem_shared>>) offsets(%dma_start3A_125 : memref<128xi32, #tpu.memory_space<vmem>>) semaphore(%arg12 : memref<!tpu.dma_semaphore, #tpu.memory_space<semaphore_mem>>) {add = true}
      } else {
      }
    }
    %scan3A_39 = arith.constant 20 : i32
    %barrier3A_40 = arith.constant 0 : index
    tpu.barrier barrier_id(%barrier3A_40)
    %lt3A_41 = arith.constant 15 : i32
    %lt3A_42 = arith.cmpi slt, %arg1, %lt3A_41 : i32
    %convert_element_type3A_43 = arith.extui %lt3A_42 : i1 to i32
    %cond3A_44 = arith.constant 0 : i32
    %cond3A_45 = arith.cmpi ne, %convert_element_type3A_43, %cond3A_44 : i32
    scf.if %cond3A_45 {
      "tpu.region"() ({
        %run_scoped3A = tpu.sem_alloc : memref<!tpu.dma_semaphore, #tpu.memory_space<semaphore_mem>>
        %dma_start3A_51 = arith.constant 0 : i32
        %dma_start3A_52 = tpu.memref_slice %arg5[%arg0, %mul3A_2, %dma_start3A_51] : memref<2x10008x128xf32, #tpu.memory_space<hbm>> -> memref<1x632x128xf32, #tpu.memory_space<hbm>>
        %dma_start3A_53 = tpu.memref_squeeze %dma_start3A_52 : memref<1x632x128xf32, #tpu.memory_space<hbm>> -> memref<632x128xf32, #tpu.memory_space<hbm>>
        %dma_start3A_54 = arith.constant 0 : i32
        %dma_start3A_55 = tpu.memref_slice %arg8[%mul3A_2, %dma_start3A_54] : memref<10008x128xf32, #tpu.memory_space<vmem_shared>> -> memref<632x128xf32, #tpu.memory_space<vmem_shared>>
        tpu.enqueue_dma source(%dma_start3A_55 : memref<632x128xf32, #tpu.memory_space<vmem_shared>>) target(%dma_start3A_53 : memref<632x128xf32, #tpu.memory_space<hbm>>) target_semaphore(%run_scoped3A : memref<!tpu.dma_semaphore, #tpu.memory_space<semaphore_mem>>)
        %dma_wait3A = arith.constant 0 : i32
        %dma_wait3A_56 = tpu.memref_slice %arg5[%arg0, %mul3A_2, %dma_wait3A] : memref<2x10008x128xf32, #tpu.memory_space<hbm>> -> memref<1x632x128xf32, #tpu.memory_space<hbm>>
        %dma_wait3A_57 = tpu.memref_squeeze %dma_wait3A_56 : memref<1x632x128xf32, #tpu.memory_space<hbm>> -> memref<632x128xf32, #tpu.memory_space<hbm>>
        %dma_wait3A_58 = arith.constant 0 : i32
        %dma_wait3A_59 = tpu.memref_slice %arg8[%mul3A_2, %dma_wait3A_58] : memref<10008x128xf32, #tpu.memory_space<vmem_shared>> -> memref<632x128xf32, #tpu.memory_space<vmem_shared>>
        tpu.wait_dma2 semaphore(%run_scoped3A : memref<!tpu.dma_semaphore, #tpu.memory_space<semaphore_mem>>) src(%dma_wait3A_59 : memref<632x128xf32, #tpu.memory_space<vmem_shared>>) dst(%dma_wait3A_57 : memref<632x128xf32, #tpu.memory_space<hbm>>)
        tpu.yield
      }) : () -> ()
    } else {
    }
    %eq3A_46 = arith.constant 15 : i32
    %eq3A_47 = arith.cmpi eq, %arg1, %eq3A_46 : i32
    %convert_element_type3A_48 = arith.extui %eq3A_47 : i1 to i32
    %cond3A_49 = arith.constant 0 : i32
    %cond3A_50 = arith.cmpi ne, %convert_element_type3A_48, %cond3A_49 : i32
    scf.if %cond3A_50 {
      "tpu.region"() ({
        %run_scoped3A = tpu.sem_alloc : memref<!tpu.dma_semaphore, #tpu.memory_space<semaphore_mem>>
        %dma_start3A_51 = arith.constant 0 : i32
        %dma_start3A_52 = tpu.memref_slice %arg5[%arg0, %mul3A_2, %dma_start3A_51] : memref<2x10008x128xf32, #tpu.memory_space<hbm>> -> memref<1x528x128xf32, #tpu.memory_space<hbm>>
        %dma_start3A_53 = tpu.memref_squeeze %dma_start3A_52 : memref<1x528x128xf32, #tpu.memory_space<hbm>> -> memref<528x128xf32, #tpu.memory_space<hbm>>
        %dma_start3A_54 = arith.constant 0 : i32
        %dma_start3A_55 = tpu.memref_slice %arg8[%mul3A_2, %dma_start3A_54] : memref<10008x128xf32, #tpu.memory_space<vmem_shared>> -> memref<528x128xf32, #tpu.memory_space<vmem_shared>>
        tpu.enqueue_dma source(%dma_start3A_55 : memref<528x128xf32, #tpu.memory_space<vmem_shared>>) target(%dma_start3A_53 : memref<528x128xf32, #tpu.memory_space<hbm>>) target_semaphore(%run_scoped3A : memref<!tpu.dma_semaphore, #tpu.memory_space<semaphore_mem>>)
        %dma_wait3A = arith.constant 0 : i32
        %dma_wait3A_56 = tpu.memref_slice %arg5[%arg0, %mul3A_2, %dma_wait3A] : memref<2x10008x128xf32, #tpu.memory_space<hbm>> -> memref<1x528x128xf32, #tpu.memory_space<hbm>>
        %dma_wait3A_57 = tpu.memref_squeeze %dma_wait3A_56 : memref<1x528x128xf32, #tpu.memory_space<hbm>> -> memref<528x128xf32, #tpu.memory_space<hbm>>
        %dma_wait3A_58 = arith.constant 0 : i32
        %dma_wait3A_59 = tpu.memref_slice %arg8[%mul3A_2, %dma_wait3A_58] : memref<10008x128xf32, #tpu.memory_space<vmem_shared>> -> memref<528x128xf32, #tpu.memory_space<vmem_shared>>
        tpu.wait_dma2 semaphore(%run_scoped3A : memref<!tpu.dma_semaphore, #tpu.memory_space<semaphore_mem>>) src(%dma_wait3A_59 : memref<528x128xf32, #tpu.memory_space<vmem_shared>>) dst(%dma_wait3A_57 : memref<528x128xf32, #tpu.memory_space<hbm>>)
        tpu.yield
      }) : () -> ()
    } else {
    }
    return
  }
}

#map = affine_map<(d0, d1) -> (0, 0)>
#map1 = affine_map<(d0, d1) -> (0)>
#map2 = affine_map<(d0, d1) -> (0, 0, 0)>
module attributes {stable_mosaic.version = 14 : i64} {
  func.func @_agg_body(%arg0: i32, %arg1: i32, %arg2: memref<10000x128xf32, #tpu.memory_space<hbm>>, %arg3: memref<320000xi32, #tpu.memory_space<hbm>>, %arg4: memref<320000xi32, #tpu.memory_space<hbm>>, %arg5: memref<632x128xf32, #tpu.memory_space<hbm>>, %arg6: memref<2x10000x128xf32, #tpu.memory_space<hbm>>, %arg7: memref<80xi32, #tpu.memory_space<vmem>>, %arg8: memref<80xi32, #tpu.memory_space<vmem>>, %arg9: memref<80xi32, #tpu.memory_space<vmem>>, %arg10: memref<80xi32, #tpu.memory_space<vmem>>, %arg11: memref<80xi32, #tpu.memory_space<vmem>>, %arg12: memref<80xi32, #tpu.memory_space<vmem>>, %arg13: memref<80xi32, #tpu.memory_space<vmem>>, %arg14: memref<80xi32, #tpu.memory_space<vmem>>, %arg15: memref<80x128xf32, #tpu.memory_space<vmem>>, %arg16: memref<80x128xf32, #tpu.memory_space<vmem>>, %arg17: memref<80x128xf32, #tpu.memory_space<vmem>>, %arg18: memref<80x128xf32, #tpu.memory_space<vmem>>, %arg19: memref<10000x128xf32, #tpu.memory_space<vmem_shared>>, %arg20: memref<!tpu.dma_semaphore, #tpu.memory_space<semaphore_mem>>, %arg21: memref<!tpu.dma_semaphore, #tpu.memory_space<semaphore_mem>>, %arg22: memref<!tpu.dma_semaphore, #tpu.memory_space<semaphore_mem>>, %arg23: memref<!tpu.dma_semaphore, #tpu.memory_space<semaphore_mem>>, %arg24: memref<!tpu.dma_semaphore, #tpu.memory_space<semaphore_mem>>, %arg25: memref<!tpu.dma_semaphore, #tpu.memory_space<semaphore_mem>>, %arg26: memref<!tpu.dma_semaphore, #tpu.memory_space<semaphore_mem>>, %arg27: memref<!tpu.dma_semaphore, #tpu.memory_space<semaphore_mem>>, %arg28: memref<!tpu.dma_semaphore, #tpu.memory_space<semaphore_mem>>, %arg29: memref<!tpu.dma_semaphore, #tpu.memory_space<semaphore_mem>>, %arg30: memref<!tpu.dma_semaphore, #tpu.memory_space<semaphore_mem>>, %arg31: memref<!tpu.dma_semaphore, #tpu.memory_space<semaphore_mem>>) attributes {dimension_semantics = [#tpu.dimension_semantics<core_parallel>, #tpu.dimension_semantics<subcore_parallel>], iteration_bounds = array<i64: 2, 16>, scalar_prefetch = 0 : i64, scratch_operands = 25 : i64, tpu.core_type = #tpu.core_type<sc_vector_subcore>, window_params = [{transform_indices = #map}, {transform_indices = #map1}, {transform_indices = #map1}, {transform_indices = #map}, {transform_indices = #map2}]} {
    %mul3A = arith.constant 16 : i32
    %mul3A_0 = arith.muli %arg0, %mul3A : i32
    %add3A = arith.addi %mul3A_0, %arg1 : i32
    %mul3A_1 = arith.constant 10000 : i32
    %mul3A_2 = arith.muli %add3A, %mul3A_1 : i32
    %mul3A_3 = arith.constant 632 : i32
    %mul3A_4 = arith.muli %arg1, %mul3A_3 : i32
    %lt3A = arith.constant 15 : i32
    %lt3A_5 = arith.cmpi slt, %arg1, %lt3A : i32
    %convert_element_type3A = arith.extui %lt3A_5 : i1 to i32
    %cond3A = arith.constant 0 : i32
    %cond3A_6 = arith.cmpi ne, %convert_element_type3A, %cond3A : i32
    scf.if %cond3A_6 {
      "tpu.region"() ({
        %run_scoped3A = tpu.sem_alloc : memref<!tpu.dma_semaphore, #tpu.memory_space<semaphore_mem>>
        %dma_start3A_110 = arith.constant 0 : i32
        %dma_start3A_111 = tpu.memref_slice %arg19[%mul3A_4, %dma_start3A_110] : memref<10000x128xf32, #tpu.memory_space<vmem_shared>> -> memref<632x128xf32, #tpu.memory_space<vmem_shared>>
        %dma_start3A_112 = arith.constant 0 : i32
        %dma_start3A_113 = arith.constant 0 : i32
        %dma_start3A_114 = tpu.memref_slice %arg5[%dma_start3A_112, %dma_start3A_113] : memref<632x128xf32, #tpu.memory_space<hbm>> -> memref<632x128xf32, #tpu.memory_space<hbm>>
        tpu.enqueue_dma source(%dma_start3A_114 : memref<632x128xf32, #tpu.memory_space<hbm>>) target(%dma_start3A_111 : memref<632x128xf32, #tpu.memory_space<vmem_shared>>) target_semaphore(%run_scoped3A : memref<!tpu.dma_semaphore, #tpu.memory_space<semaphore_mem>>)
        %dma_wait3A_115 = arith.constant 0 : i32
        %dma_wait3A_116 = tpu.memref_slice %arg19[%mul3A_4, %dma_wait3A_115] : memref<10000x128xf32, #tpu.memory_space<vmem_shared>> -> memref<632x128xf32, #tpu.memory_space<vmem_shared>>
        %dma_wait3A_117 = arith.constant 0 : i32
        %dma_wait3A_118 = arith.constant 0 : i32
        %dma_wait3A_119 = tpu.memref_slice %arg5[%dma_wait3A_117, %dma_wait3A_118] : memref<632x128xf32, #tpu.memory_space<hbm>> -> memref<632x128xf32, #tpu.memory_space<hbm>>
        tpu.wait_dma2 semaphore(%run_scoped3A : memref<!tpu.dma_semaphore, #tpu.memory_space<semaphore_mem>>) src(%dma_wait3A_119 : memref<632x128xf32, #tpu.memory_space<hbm>>) dst(%dma_wait3A_116 : memref<632x128xf32, #tpu.memory_space<vmem_shared>>)
        tpu.yield
      }) : () -> ()
    } else {
    }
    %eq3A = arith.constant 15 : i32
    %eq3A_7 = arith.cmpi eq, %arg1, %eq3A : i32
    %convert_element_type3A_8 = arith.extui %eq3A_7 : i1 to i32
    %cond3A_9 = arith.constant 0 : i32
    %cond3A_10 = arith.cmpi ne, %convert_element_type3A_8, %cond3A_9 : i32
    scf.if %cond3A_10 {
      "tpu.region"() ({
        %run_scoped3A = tpu.sem_alloc : memref<!tpu.dma_semaphore, #tpu.memory_space<semaphore_mem>>
        %dma_start3A_110 = arith.constant 0 : i32
        %dma_start3A_111 = tpu.memref_slice %arg19[%mul3A_4, %dma_start3A_110] : memref<10000x128xf32, #tpu.memory_space<vmem_shared>> -> memref<520x128xf32, #tpu.memory_space<vmem_shared>>
        %dma_start3A_112 = arith.constant 0 : i32
        %dma_start3A_113 = arith.constant 0 : i32
        %dma_start3A_114 = tpu.memref_slice %arg5[%dma_start3A_112, %dma_start3A_113] : memref<632x128xf32, #tpu.memory_space<hbm>> -> memref<520x128xf32, #tpu.memory_space<hbm>>
        tpu.enqueue_dma source(%dma_start3A_114 : memref<520x128xf32, #tpu.memory_space<hbm>>) target(%dma_start3A_111 : memref<520x128xf32, #tpu.memory_space<vmem_shared>>) target_semaphore(%run_scoped3A : memref<!tpu.dma_semaphore, #tpu.memory_space<semaphore_mem>>)
        %dma_wait3A_115 = arith.constant 0 : i32
        %dma_wait3A_116 = tpu.memref_slice %arg19[%mul3A_4, %dma_wait3A_115] : memref<10000x128xf32, #tpu.memory_space<vmem_shared>> -> memref<520x128xf32, #tpu.memory_space<vmem_shared>>
        %dma_wait3A_117 = arith.constant 0 : i32
        %dma_wait3A_118 = arith.constant 0 : i32
        %dma_wait3A_119 = tpu.memref_slice %arg5[%dma_wait3A_117, %dma_wait3A_118] : memref<632x128xf32, #tpu.memory_space<hbm>> -> memref<520x128xf32, #tpu.memory_space<hbm>>
        tpu.wait_dma2 semaphore(%run_scoped3A : memref<!tpu.dma_semaphore, #tpu.memory_space<semaphore_mem>>) src(%dma_wait3A_119 : memref<520x128xf32, #tpu.memory_space<hbm>>) dst(%dma_wait3A_116 : memref<520x128xf32, #tpu.memory_space<vmem_shared>>)
        tpu.yield
      }) : () -> ()
    } else {
    }
    %barrier3A = arith.constant 0 : index
    tpu.barrier barrier_id(%barrier3A)
    %add3A_11 = arith.constant 0 : i32
    %add3A_12 = arith.addi %mul3A_2, %add3A_11 : i32
    %dma_start3A = tpu.memref_slice %arg3[%add3A_12] : memref<320000xi32, #tpu.memory_space<hbm>> -> memref<80xi32, #tpu.memory_space<hbm>>
    %dma_start3A_13 = tpu.memref_slice %arg3[%add3A_12] : memref<320000xi32, #tpu.memory_space<hbm>> -> memref<80xi32, #tpu.memory_space<hbm>>
    tpu.enqueue_dma source(%dma_start3A_13 : memref<80xi32, #tpu.memory_space<hbm>>) target(%arg7 : memref<80xi32, #tpu.memory_space<vmem>>) target_semaphore(%arg20 : memref<!tpu.dma_semaphore, #tpu.memory_space<semaphore_mem>>)
    %add3A_14 = arith.constant 0 : i32
    %add3A_15 = arith.addi %mul3A_2, %add3A_14 : i32
    %dma_start3A_16 = tpu.memref_slice %arg4[%add3A_15] : memref<320000xi32, #tpu.memory_space<hbm>> -> memref<80xi32, #tpu.memory_space<hbm>>
    %dma_start3A_17 = tpu.memref_slice %arg4[%add3A_15] : memref<320000xi32, #tpu.memory_space<hbm>> -> memref<80xi32, #tpu.memory_space<hbm>>
    tpu.enqueue_dma source(%dma_start3A_17 : memref<80xi32, #tpu.memory_space<hbm>>) target(%arg11 : memref<80xi32, #tpu.memory_space<vmem>>) target_semaphore(%arg20 : memref<!tpu.dma_semaphore, #tpu.memory_space<semaphore_mem>>)
    %add3A_18 = arith.constant 80 : i32
    %add3A_19 = arith.addi %mul3A_2, %add3A_18 : i32
    %dma_start3A_20 = tpu.memref_slice %arg3[%add3A_19] : memref<320000xi32, #tpu.memory_space<hbm>> -> memref<80xi32, #tpu.memory_space<hbm>>
    %dma_start3A_21 = tpu.memref_slice %arg3[%add3A_19] : memref<320000xi32, #tpu.memory_space<hbm>> -> memref<80xi32, #tpu.memory_space<hbm>>
    tpu.enqueue_dma source(%dma_start3A_21 : memref<80xi32, #tpu.memory_space<hbm>>) target(%arg8 : memref<80xi32, #tpu.memory_space<vmem>>) target_semaphore(%arg21 : memref<!tpu.dma_semaphore, #tpu.memory_space<semaphore_mem>>)
    %add3A_22 = arith.constant 80 : i32
    %add3A_23 = arith.addi %mul3A_2, %add3A_22 : i32
    %dma_start3A_24 = tpu.memref_slice %arg4[%add3A_23] : memref<320000xi32, #tpu.memory_space<hbm>> -> memref<80xi32, #tpu.memory_space<hbm>>
    %dma_start3A_25 = tpu.memref_slice %arg4[%add3A_23] : memref<320000xi32, #tpu.memory_space<hbm>> -> memref<80xi32, #tpu.memory_space<hbm>>
    tpu.enqueue_dma source(%dma_start3A_25 : memref<80xi32, #tpu.memory_space<hbm>>) target(%arg12 : memref<80xi32, #tpu.memory_space<vmem>>) target_semaphore(%arg21 : memref<!tpu.dma_semaphore, #tpu.memory_space<semaphore_mem>>)
    %add3A_26 = arith.constant 160 : i32
    %add3A_27 = arith.addi %mul3A_2, %add3A_26 : i32
    %dma_start3A_28 = tpu.memref_slice %arg3[%add3A_27] : memref<320000xi32, #tpu.memory_space<hbm>> -> memref<80xi32, #tpu.memory_space<hbm>>
    %dma_start3A_29 = tpu.memref_slice %arg3[%add3A_27] : memref<320000xi32, #tpu.memory_space<hbm>> -> memref<80xi32, #tpu.memory_space<hbm>>
    tpu.enqueue_dma source(%dma_start3A_29 : memref<80xi32, #tpu.memory_space<hbm>>) target(%arg9 : memref<80xi32, #tpu.memory_space<vmem>>) target_semaphore(%arg22 : memref<!tpu.dma_semaphore, #tpu.memory_space<semaphore_mem>>)
    %add3A_30 = arith.constant 160 : i32
    %add3A_31 = arith.addi %mul3A_2, %add3A_30 : i32
    %dma_start3A_32 = tpu.memref_slice %arg4[%add3A_31] : memref<320000xi32, #tpu.memory_space<hbm>> -> memref<80xi32, #tpu.memory_space<hbm>>
    %dma_start3A_33 = tpu.memref_slice %arg4[%add3A_31] : memref<320000xi32, #tpu.memory_space<hbm>> -> memref<80xi32, #tpu.memory_space<hbm>>
    tpu.enqueue_dma source(%dma_start3A_33 : memref<80xi32, #tpu.memory_space<hbm>>) target(%arg13 : memref<80xi32, #tpu.memory_space<vmem>>) target_semaphore(%arg22 : memref<!tpu.dma_semaphore, #tpu.memory_space<semaphore_mem>>)
    %add3A_34 = arith.constant 240 : i32
    %add3A_35 = arith.addi %mul3A_2, %add3A_34 : i32
    %dma_start3A_36 = tpu.memref_slice %arg3[%add3A_35] : memref<320000xi32, #tpu.memory_space<hbm>> -> memref<80xi32, #tpu.memory_space<hbm>>
    %dma_start3A_37 = tpu.memref_slice %arg3[%add3A_35] : memref<320000xi32, #tpu.memory_space<hbm>> -> memref<80xi32, #tpu.memory_space<hbm>>
    tpu.enqueue_dma source(%dma_start3A_37 : memref<80xi32, #tpu.memory_space<hbm>>) target(%arg10 : memref<80xi32, #tpu.memory_space<vmem>>) target_semaphore(%arg23 : memref<!tpu.dma_semaphore, #tpu.memory_space<semaphore_mem>>)
    %add3A_38 = arith.constant 240 : i32
    %add3A_39 = arith.addi %mul3A_2, %add3A_38 : i32
    %dma_start3A_40 = tpu.memref_slice %arg4[%add3A_39] : memref<320000xi32, #tpu.memory_space<hbm>> -> memref<80xi32, #tpu.memory_space<hbm>>
    %dma_start3A_41 = tpu.memref_slice %arg4[%add3A_39] : memref<320000xi32, #tpu.memory_space<hbm>> -> memref<80xi32, #tpu.memory_space<hbm>>
    tpu.enqueue_dma source(%dma_start3A_41 : memref<80xi32, #tpu.memory_space<hbm>>) target(%arg14 : memref<80xi32, #tpu.memory_space<vmem>>) target_semaphore(%arg23 : memref<!tpu.dma_semaphore, #tpu.memory_space<semaphore_mem>>)
    %dma_wait3A = arith.constant 0 : i32
    %dma_wait3A_42 = tpu.memref_slice %arg3[%dma_wait3A] : memref<320000xi32, #tpu.memory_space<hbm>> -> memref<80xi32, #tpu.memory_space<hbm>>
    %dma_wait3A_43 = arith.constant 0 : i32
    %dma_wait3A_44 = tpu.memref_slice %arg3[%dma_wait3A_43] : memref<320000xi32, #tpu.memory_space<hbm>> -> memref<80xi32, #tpu.memory_space<hbm>>
    tpu.wait_dma2 semaphore(%arg20 : memref<!tpu.dma_semaphore, #tpu.memory_space<semaphore_mem>>) src(%dma_wait3A_44 : memref<80xi32, #tpu.memory_space<hbm>>) dst(%arg7 : memref<80xi32, #tpu.memory_space<vmem>>)
    %dma_wait3A_45 = arith.constant 0 : i32
    %dma_wait3A_46 = tpu.memref_slice %arg4[%dma_wait3A_45] : memref<320000xi32, #tpu.memory_space<hbm>> -> memref<80xi32, #tpu.memory_space<hbm>>
    %dma_wait3A_47 = arith.constant 0 : i32
    %dma_wait3A_48 = tpu.memref_slice %arg4[%dma_wait3A_47] : memref<320000xi32, #tpu.memory_space<hbm>> -> memref<80xi32, #tpu.memory_space<hbm>>
    tpu.wait_dma2 semaphore(%arg20 : memref<!tpu.dma_semaphore, #tpu.memory_space<semaphore_mem>>) src(%dma_wait3A_48 : memref<80xi32, #tpu.memory_space<hbm>>) dst(%arg11 : memref<80xi32, #tpu.memory_space<vmem>>)
    %dma_start3A_49 = arith.constant 0 : i32
    %dma_start3A_50 = arith.constant 0 : i32
    %dma_start3A_51 = tpu.memref_slice %arg2[%dma_start3A_49, %dma_start3A_50] : memref<10000x128xf32, #tpu.memory_space<hbm>> -> memref<10000x128xf32, #tpu.memory_space<hbm>>
    tpu.enqueue_indirect_dma source(%dma_start3A_51 : memref<10000x128xf32, #tpu.memory_space<hbm>>) target(%arg15 : memref<80x128xf32, #tpu.memory_space<vmem>>) offsets(%arg7 : memref<80xi32, #tpu.memory_space<vmem>>) semaphore(%arg24 : memref<!tpu.dma_semaphore, #tpu.memory_space<semaphore_mem>>)
    %dma_wait3A_52 = arith.constant 0 : i32
    %dma_wait3A_53 = tpu.memref_slice %arg3[%dma_wait3A_52] : memref<320000xi32, #tpu.memory_space<hbm>> -> memref<80xi32, #tpu.memory_space<hbm>>
    %dma_wait3A_54 = arith.constant 0 : i32
    %dma_wait3A_55 = tpu.memref_slice %arg3[%dma_wait3A_54] : memref<320000xi32, #tpu.memory_space<hbm>> -> memref<80xi32, #tpu.memory_space<hbm>>
    tpu.wait_dma2 semaphore(%arg21 : memref<!tpu.dma_semaphore, #tpu.memory_space<semaphore_mem>>) src(%dma_wait3A_55 : memref<80xi32, #tpu.memory_space<hbm>>) dst(%arg8 : memref<80xi32, #tpu.memory_space<vmem>>)
    %dma_wait3A_56 = arith.constant 0 : i32
    %dma_wait3A_57 = tpu.memref_slice %arg4[%dma_wait3A_56] : memref<320000xi32, #tpu.memory_space<hbm>> -> memref<80xi32, #tpu.memory_space<hbm>>
    %dma_wait3A_58 = arith.constant 0 : i32
    %dma_wait3A_59 = tpu.memref_slice %arg4[%dma_wait3A_58] : memref<320000xi32, #tpu.memory_space<hbm>> -> memref<80xi32, #tpu.memory_space<hbm>>
    tpu.wait_dma2 semaphore(%arg21 : memref<!tpu.dma_semaphore, #tpu.memory_space<semaphore_mem>>) src(%dma_wait3A_59 : memref<80xi32, #tpu.memory_space<hbm>>) dst(%arg12 : memref<80xi32, #tpu.memory_space<vmem>>)
    %dma_start3A_60 = arith.constant 0 : i32
    %dma_start3A_61 = arith.constant 0 : i32
    %dma_start3A_62 = tpu.memref_slice %arg2[%dma_start3A_60, %dma_start3A_61] : memref<10000x128xf32, #tpu.memory_space<hbm>> -> memref<10000x128xf32, #tpu.memory_space<hbm>>
    tpu.enqueue_indirect_dma source(%dma_start3A_62 : memref<10000x128xf32, #tpu.memory_space<hbm>>) target(%arg16 : memref<80x128xf32, #tpu.memory_space<vmem>>) offsets(%arg8 : memref<80xi32, #tpu.memory_space<vmem>>) semaphore(%arg25 : memref<!tpu.dma_semaphore, #tpu.memory_space<semaphore_mem>>)
    %dma_wait3A_63 = arith.constant 0 : i32
    %dma_wait3A_64 = tpu.memref_slice %arg3[%dma_wait3A_63] : memref<320000xi32, #tpu.memory_space<hbm>> -> memref<80xi32, #tpu.memory_space<hbm>>
    %dma_wait3A_65 = arith.constant 0 : i32
    %dma_wait3A_66 = tpu.memref_slice %arg3[%dma_wait3A_65] : memref<320000xi32, #tpu.memory_space<hbm>> -> memref<80xi32, #tpu.memory_space<hbm>>
    tpu.wait_dma2 semaphore(%arg22 : memref<!tpu.dma_semaphore, #tpu.memory_space<semaphore_mem>>) src(%dma_wait3A_66 : memref<80xi32, #tpu.memory_space<hbm>>) dst(%arg9 : memref<80xi32, #tpu.memory_space<vmem>>)
    %dma_wait3A_67 = arith.constant 0 : i32
    %dma_wait3A_68 = tpu.memref_slice %arg4[%dma_wait3A_67] : memref<320000xi32, #tpu.memory_space<hbm>> -> memref<80xi32, #tpu.memory_space<hbm>>
    %dma_wait3A_69 = arith.constant 0 : i32
    %dma_wait3A_70 = tpu.memref_slice %arg4[%dma_wait3A_69] : memref<320000xi32, #tpu.memory_space<hbm>> -> memref<80xi32, #tpu.memory_space<hbm>>
    tpu.wait_dma2 semaphore(%arg22 : memref<!tpu.dma_semaphore, #tpu.memory_space<semaphore_mem>>) src(%dma_wait3A_70 : memref<80xi32, #tpu.memory_space<hbm>>) dst(%arg13 : memref<80xi32, #tpu.memory_space<vmem>>)
    %dma_start3A_71 = arith.constant 0 : i32
    %dma_start3A_72 = arith.constant 0 : i32
    %dma_start3A_73 = tpu.memref_slice %arg2[%dma_start3A_71, %dma_start3A_72] : memref<10000x128xf32, #tpu.memory_space<hbm>> -> memref<10000x128xf32, #tpu.memory_space<hbm>>
    tpu.enqueue_indirect_dma source(%dma_start3A_73 : memref<10000x128xf32, #tpu.memory_space<hbm>>) target(%arg17 : memref<80x128xf32, #tpu.memory_space<vmem>>) offsets(%arg9 : memref<80xi32, #tpu.memory_space<vmem>>) semaphore(%arg26 : memref<!tpu.dma_semaphore, #tpu.memory_space<semaphore_mem>>)
    %dma_wait3A_74 = arith.constant 0 : i32
    %dma_wait3A_75 = tpu.memref_slice %arg3[%dma_wait3A_74] : memref<320000xi32, #tpu.memory_space<hbm>> -> memref<80xi32, #tpu.memory_space<hbm>>
    %dma_wait3A_76 = arith.constant 0 : i32
    %dma_wait3A_77 = tpu.memref_slice %arg3[%dma_wait3A_76] : memref<320000xi32, #tpu.memory_space<hbm>> -> memref<80xi32, #tpu.memory_space<hbm>>
    tpu.wait_dma2 semaphore(%arg23 : memref<!tpu.dma_semaphore, #tpu.memory_space<semaphore_mem>>) src(%dma_wait3A_77 : memref<80xi32, #tpu.memory_space<hbm>>) dst(%arg10 : memref<80xi32, #tpu.memory_space<vmem>>)
    %dma_wait3A_78 = arith.constant 0 : i32
    %dma_wait3A_79 = tpu.memref_slice %arg4[%dma_wait3A_78] : memref<320000xi32, #tpu.memory_space<hbm>> -> memref<80xi32, #tpu.memory_space<hbm>>
    %dma_wait3A_80 = arith.constant 0 : i32
    %dma_wait3A_81 = tpu.memref_slice %arg4[%dma_wait3A_80] : memref<320000xi32, #tpu.memory_space<hbm>> -> memref<80xi32, #tpu.memory_space<hbm>>
    tpu.wait_dma2 semaphore(%arg23 : memref<!tpu.dma_semaphore, #tpu.memory_space<semaphore_mem>>) src(%dma_wait3A_81 : memref<80xi32, #tpu.memory_space<hbm>>) dst(%arg14 : memref<80xi32, #tpu.memory_space<vmem>>)
    %dma_start3A_82 = arith.constant 0 : i32
    %dma_start3A_83 = arith.constant 0 : i32
    %dma_start3A_84 = tpu.memref_slice %arg2[%dma_start3A_82, %dma_start3A_83] : memref<10000x128xf32, #tpu.memory_space<hbm>> -> memref<10000x128xf32, #tpu.memory_space<hbm>>
    tpu.enqueue_indirect_dma source(%dma_start3A_84 : memref<10000x128xf32, #tpu.memory_space<hbm>>) target(%arg18 : memref<80x128xf32, #tpu.memory_space<vmem>>) offsets(%arg10 : memref<80xi32, #tpu.memory_space<vmem>>) semaphore(%arg27 : memref<!tpu.dma_semaphore, #tpu.memory_space<semaphore_mem>>)
    %scan3A = arith.constant 0 : i32
    %scan3A_85 = arith.constant 31 : i32
    %scan3A_86 = arith.addi %scan3A, %scan3A_85 : i32
    %scan3A_87 = arith.constant 1 : i32
    scf.for %scan3A_110 = %scan3A to %scan3A_86 step %scan3A_87  : i32 {
      %dma_wait3A_111 = arith.constant 0 : i32
      %dma_wait3A_112 = arith.constant 0 : i32
      %dma_wait3A_113 = tpu.memref_slice %arg2[%dma_wait3A_111, %dma_wait3A_112] : memref<10000x128xf32, #tpu.memory_space<hbm>> -> memref<10000x128xf32, #tpu.memory_space<hbm>>
      tpu.wait_indirect_dma semaphore(%arg24 : memref<!tpu.dma_semaphore, #tpu.memory_space<semaphore_mem>>) src(%dma_wait3A_113 : memref<10000x128xf32, #tpu.memory_space<hbm>>) dst(%arg15 : memref<80x128xf32, #tpu.memory_space<vmem>>)
      %dma_start3A_114 = arith.constant 0 : i32
      %dma_start3A_115 = arith.constant 0 : i32
      %dma_start3A_116 = tpu.memref_slice %arg19[%dma_start3A_114, %dma_start3A_115] : memref<10000x128xf32, #tpu.memory_space<vmem_shared>> -> memref<10000x128xf32, #tpu.memory_space<vmem_shared>>
      tpu.enqueue_indirect_dma source(%arg15 : memref<80x128xf32, #tpu.memory_space<vmem>>) target(%dma_start3A_116 : memref<10000x128xf32, #tpu.memory_space<vmem_shared>>) offsets(%arg11 : memref<80xi32, #tpu.memory_space<vmem>>) semaphore(%arg28 : memref<!tpu.dma_semaphore, #tpu.memory_space<semaphore_mem>>) {add = true}
      %dma_wait3A_117 = arith.constant 0 : i32
      %dma_wait3A_118 = arith.constant 0 : i32
      %dma_wait3A_119 = tpu.memref_slice %arg2[%dma_wait3A_117, %dma_wait3A_118] : memref<10000x128xf32, #tpu.memory_space<hbm>> -> memref<10000x128xf32, #tpu.memory_space<hbm>>
      tpu.wait_indirect_dma semaphore(%arg25 : memref<!tpu.dma_semaphore, #tpu.memory_space<semaphore_mem>>) src(%dma_wait3A_119 : memref<10000x128xf32, #tpu.memory_space<hbm>>) dst(%arg16 : memref<80x128xf32, #tpu.memory_space<vmem>>)
      %dma_start3A_120 = arith.constant 0 : i32
      %dma_start3A_121 = arith.constant 0 : i32
      %dma_start3A_122 = tpu.memref_slice %arg19[%dma_start3A_120, %dma_start3A_121] : memref<10000x128xf32, #tpu.memory_space<vmem_shared>> -> memref<10000x128xf32, #tpu.memory_space<vmem_shared>>
      tpu.enqueue_indirect_dma source(%arg16 : memref<80x128xf32, #tpu.memory_space<vmem>>) target(%dma_start3A_122 : memref<10000x128xf32, #tpu.memory_space<vmem_shared>>) offsets(%arg12 : memref<80xi32, #tpu.memory_space<vmem>>) semaphore(%arg29 : memref<!tpu.dma_semaphore, #tpu.memory_space<semaphore_mem>>) {add = true}
      %dma_wait3A_123 = arith.constant 0 : i32
      %dma_wait3A_124 = arith.constant 0 : i32
      %dma_wait3A_125 = tpu.memref_slice %arg2[%dma_wait3A_123, %dma_wait3A_124] : memref<10000x128xf32, #tpu.memory_space<hbm>> -> memref<10000x128xf32, #tpu.memory_space<hbm>>
      tpu.wait_indirect_dma semaphore(%arg26 : memref<!tpu.dma_semaphore, #tpu.memory_space<semaphore_mem>>) src(%dma_wait3A_125 : memref<10000x128xf32, #tpu.memory_space<hbm>>) dst(%arg17 : memref<80x128xf32, #tpu.memory_space<vmem>>)
      %dma_start3A_126 = arith.constant 0 : i32
      %dma_start3A_127 = arith.constant 0 : i32
      %dma_start3A_128 = tpu.memref_slice %arg19[%dma_start3A_126, %dma_start3A_127] : memref<10000x128xf32, #tpu.memory_space<vmem_shared>> -> memref<10000x128xf32, #tpu.memory_space<vmem_shared>>
      tpu.enqueue_indirect_dma source(%arg17 : memref<80x128xf32, #tpu.memory_space<vmem>>) target(%dma_start3A_128 : memref<10000x128xf32, #tpu.memory_space<vmem_shared>>) offsets(%arg13 : memref<80xi32, #tpu.memory_space<vmem>>) semaphore(%arg30 : memref<!tpu.dma_semaphore, #tpu.memory_space<semaphore_mem>>) {add = true}
      %dma_wait3A_129 = arith.constant 0 : i32
      %dma_wait3A_130 = arith.constant 0 : i32
      %dma_wait3A_131 = tpu.memref_slice %arg2[%dma_wait3A_129, %dma_wait3A_130] : memref<10000x128xf32, #tpu.memory_space<hbm>> -> memref<10000x128xf32, #tpu.memory_space<hbm>>
      tpu.wait_indirect_dma semaphore(%arg27 : memref<!tpu.dma_semaphore, #tpu.memory_space<semaphore_mem>>) src(%dma_wait3A_131 : memref<10000x128xf32, #tpu.memory_space<hbm>>) dst(%arg18 : memref<80x128xf32, #tpu.memory_space<vmem>>)
      %dma_start3A_132 = arith.constant 0 : i32
      %dma_start3A_133 = arith.constant 0 : i32
      %dma_start3A_134 = tpu.memref_slice %arg19[%dma_start3A_132, %dma_start3A_133] : memref<10000x128xf32, #tpu.memory_space<vmem_shared>> -> memref<10000x128xf32, #tpu.memory_space<vmem_shared>>
      tpu.enqueue_indirect_dma source(%arg18 : memref<80x128xf32, #tpu.memory_space<vmem>>) target(%dma_start3A_134 : memref<10000x128xf32, #tpu.memory_space<vmem_shared>>) offsets(%arg14 : memref<80xi32, #tpu.memory_space<vmem>>) semaphore(%arg31 : memref<!tpu.dma_semaphore, #tpu.memory_space<semaphore_mem>>) {add = true}
      %add3A_135 = arith.constant 1 : i32
      %add3A_136 = arith.addi %scan3A_110, %add3A_135 : i32
      %mul3A_137 = arith.constant 4 : i32
      %mul3A_138 = arith.muli %add3A_136, %mul3A_137 : i32
      %add3A_139 = arith.constant 0 : i32
      %add3A_140 = arith.addi %mul3A_138, %add3A_139 : i32
      %dma_wait3A_141 = arith.constant 0 : i32
      %dma_wait3A_142 = arith.constant 0 : i32
      %dma_wait3A_143 = tpu.memref_slice %arg19[%dma_wait3A_141, %dma_wait3A_142] : memref<10000x128xf32, #tpu.memory_space<vmem_shared>> -> memref<10000x128xf32, #tpu.memory_space<vmem_shared>>
      tpu.wait_indirect_dma semaphore(%arg28 : memref<!tpu.dma_semaphore, #tpu.memory_space<semaphore_mem>>) src(%arg15 : memref<80x128xf32, #tpu.memory_space<vmem>>) dst(%dma_wait3A_143 : memref<10000x128xf32, #tpu.memory_space<vmem_shared>>)
      %lt3A_144 = arith.constant 124 : i32
      %lt3A_145 = arith.cmpi slt, %add3A_140, %lt3A_144 : i32
      %convert_element_type3A_146 = arith.extui %lt3A_145 : i1 to i32
      %cond3A_147 = arith.constant 0 : i32
      %cond3A_148 = arith.cmpi ne, %convert_element_type3A_146, %cond3A_147 : i32
      scf.if %cond3A_148 {
        %mul3A_191 = arith.constant 80 : i32
        %mul3A_192 = arith.muli %add3A_140, %mul3A_191 : i32
        %add3A_193 = arith.addi %mul3A_2, %mul3A_192 : i32
        %dma_start3A_194 = tpu.memref_slice %arg3[%add3A_193] : memref<320000xi32, #tpu.memory_space<hbm>> -> memref<80xi32, #tpu.memory_space<hbm>>
        %dma_start3A_195 = tpu.memref_slice %arg3[%add3A_193] : memref<320000xi32, #tpu.memory_space<hbm>> -> memref<80xi32, #tpu.memory_space<hbm>>
        tpu.enqueue_dma source(%dma_start3A_195 : memref<80xi32, #tpu.memory_space<hbm>>) target(%arg7 : memref<80xi32, #tpu.memory_space<vmem>>) target_semaphore(%arg20 : memref<!tpu.dma_semaphore, #tpu.memory_space<semaphore_mem>>)
        %dma_start3A_196 = tpu.memref_slice %arg4[%add3A_193] : memref<320000xi32, #tpu.memory_space<hbm>> -> memref<80xi32, #tpu.memory_space<hbm>>
        %dma_start3A_197 = tpu.memref_slice %arg4[%add3A_193] : memref<320000xi32, #tpu.memory_space<hbm>> -> memref<80xi32, #tpu.memory_space<hbm>>
        tpu.enqueue_dma source(%dma_start3A_197 : memref<80xi32, #tpu.memory_space<hbm>>) target(%arg11 : memref<80xi32, #tpu.memory_space<vmem>>) target_semaphore(%arg20 : memref<!tpu.dma_semaphore, #tpu.memory_space<semaphore_mem>>)
        %dma_wait3A_198 = arith.constant 0 : i32
        %dma_wait3A_199 = tpu.memref_slice %arg3[%dma_wait3A_198] : memref<320000xi32, #tpu.memory_space<hbm>> -> memref<80xi32, #tpu.memory_space<hbm>>
        %dma_wait3A_200 = arith.constant 0 : i32
        %dma_wait3A_201 = tpu.memref_slice %arg3[%dma_wait3A_200] : memref<320000xi32, #tpu.memory_space<hbm>> -> memref<80xi32, #tpu.memory_space<hbm>>
        tpu.wait_dma2 semaphore(%arg20 : memref<!tpu.dma_semaphore, #tpu.memory_space<semaphore_mem>>) src(%dma_wait3A_201 : memref<80xi32, #tpu.memory_space<hbm>>) dst(%arg7 : memref<80xi32, #tpu.memory_space<vmem>>)
        %dma_wait3A_202 = arith.constant 0 : i32
        %dma_wait3A_203 = tpu.memref_slice %arg4[%dma_wait3A_202] : memref<320000xi32, #tpu.memory_space<hbm>> -> memref<80xi32, #tpu.memory_space<hbm>>
        %dma_wait3A_204 = arith.constant 0 : i32
        %dma_wait3A_205 = tpu.memref_slice %arg4[%dma_wait3A_204] : memref<320000xi32, #tpu.memory_space<hbm>> -> memref<80xi32, #tpu.memory_space<hbm>>
        tpu.wait_dma2 semaphore(%arg20 : memref<!tpu.dma_semaphore, #tpu.memory_space<semaphore_mem>>) src(%dma_wait3A_205 : memref<80xi32, #tpu.memory_space<hbm>>) dst(%arg11 : memref<80xi32, #tpu.memory_space<vmem>>)
        %dma_start3A_206 = arith.constant 0 : i32
        %dma_start3A_207 = arith.constant 0 : i32
        %dma_start3A_208 = tpu.memref_slice %arg2[%dma_start3A_206, %dma_start3A_207] : memref<10000x128xf32, #tpu.memory_space<hbm>> -> memref<10000x128xf32, #tpu.memory_space<hbm>>
        tpu.enqueue_indirect_dma source(%dma_start3A_208 : memref<10000x128xf32, #tpu.memory_space<hbm>>) target(%arg15 : memref<80x128xf32, #tpu.memory_space<vmem>>) offsets(%arg7 : memref<80xi32, #tpu.memory_space<vmem>>) semaphore(%arg24 : memref<!tpu.dma_semaphore, #tpu.memory_space<semaphore_mem>>)
      } else {
      }
      %add3A_149 = arith.constant 1 : i32
      %add3A_150 = arith.addi %scan3A_110, %add3A_149 : i32
      %mul3A_151 = arith.constant 4 : i32
      %mul3A_152 = arith.muli %add3A_150, %mul3A_151 : i32
      %add3A_153 = arith.constant 1 : i32
      %add3A_154 = arith.addi %mul3A_152, %add3A_153 : i32
      %dma_wait3A_155 = arith.constant 0 : i32
      %dma_wait3A_156 = arith.constant 0 : i32
      %dma_wait3A_157 = tpu.memref_slice %arg19[%dma_wait3A_155, %dma_wait3A_156] : memref<10000x128xf32, #tpu.memory_space<vmem_shared>> -> memref<10000x128xf32, #tpu.memory_space<vmem_shared>>
      tpu.wait_indirect_dma semaphore(%arg29 : memref<!tpu.dma_semaphore, #tpu.memory_space<semaphore_mem>>) src(%arg16 : memref<80x128xf32, #tpu.memory_space<vmem>>) dst(%dma_wait3A_157 : memref<10000x128xf32, #tpu.memory_space<vmem_shared>>)
      %lt3A_158 = arith.constant 124 : i32
      %lt3A_159 = arith.cmpi slt, %add3A_154, %lt3A_158 : i32
      %convert_element_type3A_160 = arith.extui %lt3A_159 : i1 to i32
      %cond3A_161 = arith.constant 0 : i32
      %cond3A_162 = arith.cmpi ne, %convert_element_type3A_160, %cond3A_161 : i32
      scf.if %cond3A_162 {
        %mul3A_191 = arith.constant 80 : i32
        %mul3A_192 = arith.muli %add3A_154, %mul3A_191 : i32
        %add3A_193 = arith.addi %mul3A_2, %mul3A_192 : i32
        %dma_start3A_194 = tpu.memref_slice %arg3[%add3A_193] : memref<320000xi32, #tpu.memory_space<hbm>> -> memref<80xi32, #tpu.memory_space<hbm>>
        %dma_start3A_195 = tpu.memref_slice %arg3[%add3A_193] : memref<320000xi32, #tpu.memory_space<hbm>> -> memref<80xi32, #tpu.memory_space<hbm>>
        tpu.enqueue_dma source(%dma_start3A_195 : memref<80xi32, #tpu.memory_space<hbm>>) target(%arg8 : memref<80xi32, #tpu.memory_space<vmem>>) target_semaphore(%arg21 : memref<!tpu.dma_semaphore, #tpu.memory_space<semaphore_mem>>)
        %dma_start3A_196 = tpu.memref_slice %arg4[%add3A_193] : memref<320000xi32, #tpu.memory_space<hbm>> -> memref<80xi32, #tpu.memory_space<hbm>>
        %dma_start3A_197 = tpu.memref_slice %arg4[%add3A_193] : memref<320000xi32, #tpu.memory_space<hbm>> -> memref<80xi32, #tpu.memory_space<hbm>>
        tpu.enqueue_dma source(%dma_start3A_197 : memref<80xi32, #tpu.memory_space<hbm>>) target(%arg12 : memref<80xi32, #tpu.memory_space<vmem>>) target_semaphore(%arg21 : memref<!tpu.dma_semaphore, #tpu.memory_space<semaphore_mem>>)
        %dma_wait3A_198 = arith.constant 0 : i32
        %dma_wait3A_199 = tpu.memref_slice %arg3[%dma_wait3A_198] : memref<320000xi32, #tpu.memory_space<hbm>> -> memref<80xi32, #tpu.memory_space<hbm>>
        %dma_wait3A_200 = arith.constant 0 : i32
        %dma_wait3A_201 = tpu.memref_slice %arg3[%dma_wait3A_200] : memref<320000xi32, #tpu.memory_space<hbm>> -> memref<80xi32, #tpu.memory_space<hbm>>
        tpu.wait_dma2 semaphore(%arg21 : memref<!tpu.dma_semaphore, #tpu.memory_space<semaphore_mem>>) src(%dma_wait3A_201 : memref<80xi32, #tpu.memory_space<hbm>>) dst(%arg8 : memref<80xi32, #tpu.memory_space<vmem>>)
        %dma_wait3A_202 = arith.constant 0 : i32
        %dma_wait3A_203 = tpu.memref_slice %arg4[%dma_wait3A_202] : memref<320000xi32, #tpu.memory_space<hbm>> -> memref<80xi32, #tpu.memory_space<hbm>>
        %dma_wait3A_204 = arith.constant 0 : i32
        %dma_wait3A_205 = tpu.memref_slice %arg4[%dma_wait3A_204] : memref<320000xi32, #tpu.memory_space<hbm>> -> memref<80xi32, #tpu.memory_space<hbm>>
        tpu.wait_dma2 semaphore(%arg21 : memref<!tpu.dma_semaphore, #tpu.memory_space<semaphore_mem>>) src(%dma_wait3A_205 : memref<80xi32, #tpu.memory_space<hbm>>) dst(%arg12 : memref<80xi32, #tpu.memory_space<vmem>>)
        %dma_start3A_206 = arith.constant 0 : i32
        %dma_start3A_207 = arith.constant 0 : i32
        %dma_start3A_208 = tpu.memref_slice %arg2[%dma_start3A_206, %dma_start3A_207] : memref<10000x128xf32, #tpu.memory_space<hbm>> -> memref<10000x128xf32, #tpu.memory_space<hbm>>
        tpu.enqueue_indirect_dma source(%dma_start3A_208 : memref<10000x128xf32, #tpu.memory_space<hbm>>) target(%arg16 : memref<80x128xf32, #tpu.memory_space<vmem>>) offsets(%arg8 : memref<80xi32, #tpu.memory_space<vmem>>) semaphore(%arg25 : memref<!tpu.dma_semaphore, #tpu.memory_space<semaphore_mem>>)
      } else {
      }
      %add3A_163 = arith.constant 1 : i32
      %add3A_164 = arith.addi %scan3A_110, %add3A_163 : i32
      %mul3A_165 = arith.constant 4 : i32
      %mul3A_166 = arith.muli %add3A_164, %mul3A_165 : i32
      %add3A_167 = arith.constant 2 : i32
      %add3A_168 = arith.addi %mul3A_166, %add3A_167 : i32
      %dma_wait3A_169 = arith.constant 0 : i32
      %dma_wait3A_170 = arith.constant 0 : i32
      %dma_wait3A_171 = tpu.memref_slice %arg19[%dma_wait3A_169, %dma_wait3A_170] : memref<10000x128xf32, #tpu.memory_space<vmem_shared>> -> memref<10000x128xf32, #tpu.memory_space<vmem_shared>>
      tpu.wait_indirect_dma semaphore(%arg30 : memref<!tpu.dma_semaphore, #tpu.memory_space<semaphore_mem>>) src(%arg17 : memref<80x128xf32, #tpu.memory_space<vmem>>) dst(%dma_wait3A_171 : memref<10000x128xf32, #tpu.memory_space<vmem_shared>>)
      %lt3A_172 = arith.constant 124 : i32
      %lt3A_173 = arith.cmpi slt, %add3A_168, %lt3A_172 : i32
      %convert_element_type3A_174 = arith.extui %lt3A_173 : i1 to i32
      %cond3A_175 = arith.constant 0 : i32
      %cond3A_176 = arith.cmpi ne, %convert_element_type3A_174, %cond3A_175 : i32
      scf.if %cond3A_176 {
        %mul3A_191 = arith.constant 80 : i32
        %mul3A_192 = arith.muli %add3A_168, %mul3A_191 : i32
        %add3A_193 = arith.addi %mul3A_2, %mul3A_192 : i32
        %dma_start3A_194 = tpu.memref_slice %arg3[%add3A_193] : memref<320000xi32, #tpu.memory_space<hbm>> -> memref<80xi32, #tpu.memory_space<hbm>>
        %dma_start3A_195 = tpu.memref_slice %arg3[%add3A_193] : memref<320000xi32, #tpu.memory_space<hbm>> -> memref<80xi32, #tpu.memory_space<hbm>>
        tpu.enqueue_dma source(%dma_start3A_195 : memref<80xi32, #tpu.memory_space<hbm>>) target(%arg9 : memref<80xi32, #tpu.memory_space<vmem>>) target_semaphore(%arg22 : memref<!tpu.dma_semaphore, #tpu.memory_space<semaphore_mem>>)
        %dma_start3A_196 = tpu.memref_slice %arg4[%add3A_193] : memref<320000xi32, #tpu.memory_space<hbm>> -> memref<80xi32, #tpu.memory_space<hbm>>
        %dma_start3A_197 = tpu.memref_slice %arg4[%add3A_193] : memref<320000xi32, #tpu.memory_space<hbm>> -> memref<80xi32, #tpu.memory_space<hbm>>
        tpu.enqueue_dma source(%dma_start3A_197 : memref<80xi32, #tpu.memory_space<hbm>>) target(%arg13 : memref<80xi32, #tpu.memory_space<vmem>>) target_semaphore(%arg22 : memref<!tpu.dma_semaphore, #tpu.memory_space<semaphore_mem>>)
        %dma_wait3A_198 = arith.constant 0 : i32
        %dma_wait3A_199 = tpu.memref_slice %arg3[%dma_wait3A_198] : memref<320000xi32, #tpu.memory_space<hbm>> -> memref<80xi32, #tpu.memory_space<hbm>>
        %dma_wait3A_200 = arith.constant 0 : i32
        %dma_wait3A_201 = tpu.memref_slice %arg3[%dma_wait3A_200] : memref<320000xi32, #tpu.memory_space<hbm>> -> memref<80xi32, #tpu.memory_space<hbm>>
        tpu.wait_dma2 semaphore(%arg22 : memref<!tpu.dma_semaphore, #tpu.memory_space<semaphore_mem>>) src(%dma_wait3A_201 : memref<80xi32, #tpu.memory_space<hbm>>) dst(%arg9 : memref<80xi32, #tpu.memory_space<vmem>>)
        %dma_wait3A_202 = arith.constant 0 : i32
        %dma_wait3A_203 = tpu.memref_slice %arg4[%dma_wait3A_202] : memref<320000xi32, #tpu.memory_space<hbm>> -> memref<80xi32, #tpu.memory_space<hbm>>
        %dma_wait3A_204 = arith.constant 0 : i32
        %dma_wait3A_205 = tpu.memref_slice %arg4[%dma_wait3A_204] : memref<320000xi32, #tpu.memory_space<hbm>> -> memref<80xi32, #tpu.memory_space<hbm>>
        tpu.wait_dma2 semaphore(%arg22 : memref<!tpu.dma_semaphore, #tpu.memory_space<semaphore_mem>>) src(%dma_wait3A_205 : memref<80xi32, #tpu.memory_space<hbm>>) dst(%arg13 : memref<80xi32, #tpu.memory_space<vmem>>)
        %dma_start3A_206 = arith.constant 0 : i32
        %dma_start3A_207 = arith.constant 0 : i32
        %dma_start3A_208 = tpu.memref_slice %arg2[%dma_start3A_206, %dma_start3A_207] : memref<10000x128xf32, #tpu.memory_space<hbm>> -> memref<10000x128xf32, #tpu.memory_space<hbm>>
        tpu.enqueue_indirect_dma source(%dma_start3A_208 : memref<10000x128xf32, #tpu.memory_space<hbm>>) target(%arg17 : memref<80x128xf32, #tpu.memory_space<vmem>>) offsets(%arg9 : memref<80xi32, #tpu.memory_space<vmem>>) semaphore(%arg26 : memref<!tpu.dma_semaphore, #tpu.memory_space<semaphore_mem>>)
      } else {
      }
      %add3A_177 = arith.constant 1 : i32
      %add3A_178 = arith.addi %scan3A_110, %add3A_177 : i32
      %mul3A_179 = arith.constant 4 : i32
      %mul3A_180 = arith.muli %add3A_178, %mul3A_179 : i32
      %add3A_181 = arith.constant 3 : i32
      %add3A_182 = arith.addi %mul3A_180, %add3A_181 : i32
      %dma_wait3A_183 = arith.constant 0 : i32
      %dma_wait3A_184 = arith.constant 0 : i32
      %dma_wait3A_185 = tpu.memref_slice %arg19[%dma_wait3A_183, %dma_wait3A_184] : memref<10000x128xf32, #tpu.memory_space<vmem_shared>> -> memref<10000x128xf32, #tpu.memory_space<vmem_shared>>
      tpu.wait_indirect_dma semaphore(%arg31 : memref<!tpu.dma_semaphore, #tpu.memory_space<semaphore_mem>>) src(%arg18 : memref<80x128xf32, #tpu.memory_space<vmem>>) dst(%dma_wait3A_185 : memref<10000x128xf32, #tpu.memory_space<vmem_shared>>)
      %lt3A_186 = arith.constant 124 : i32
      %lt3A_187 = arith.cmpi slt, %add3A_182, %lt3A_186 : i32
      %convert_element_type3A_188 = arith.extui %lt3A_187 : i1 to i32
      %cond3A_189 = arith.constant 0 : i32
      %cond3A_190 = arith.cmpi ne, %convert_element_type3A_188, %cond3A_189 : i32
      scf.if %cond3A_190 {
        %mul3A_191 = arith.constant 80 : i32
        %mul3A_192 = arith.muli %add3A_182, %mul3A_191 : i32
        %add3A_193 = arith.addi %mul3A_2, %mul3A_192 : i32
        %dma_start3A_194 = tpu.memref_slice %arg3[%add3A_193] : memref<320000xi32, #tpu.memory_space<hbm>> -> memref<80xi32, #tpu.memory_space<hbm>>
        %dma_start3A_195 = tpu.memref_slice %arg3[%add3A_193] : memref<320000xi32, #tpu.memory_space<hbm>> -> memref<80xi32, #tpu.memory_space<hbm>>
        tpu.enqueue_dma source(%dma_start3A_195 : memref<80xi32, #tpu.memory_space<hbm>>) target(%arg10 : memref<80xi32, #tpu.memory_space<vmem>>) target_semaphore(%arg23 : memref<!tpu.dma_semaphore, #tpu.memory_space<semaphore_mem>>)
        %dma_start3A_196 = tpu.memref_slice %arg4[%add3A_193] : memref<320000xi32, #tpu.memory_space<hbm>> -> memref<80xi32, #tpu.memory_space<hbm>>
        %dma_start3A_197 = tpu.memref_slice %arg4[%add3A_193] : memref<320000xi32, #tpu.memory_space<hbm>> -> memref<80xi32, #tpu.memory_space<hbm>>
        tpu.enqueue_dma source(%dma_start3A_197 : memref<80xi32, #tpu.memory_space<hbm>>) target(%arg14 : memref<80xi32, #tpu.memory_space<vmem>>) target_semaphore(%arg23 : memref<!tpu.dma_semaphore, #tpu.memory_space<semaphore_mem>>)
        %dma_wait3A_198 = arith.constant 0 : i32
        %dma_wait3A_199 = tpu.memref_slice %arg3[%dma_wait3A_198] : memref<320000xi32, #tpu.memory_space<hbm>> -> memref<80xi32, #tpu.memory_space<hbm>>
        %dma_wait3A_200 = arith.constant 0 : i32
        %dma_wait3A_201 = tpu.memref_slice %arg3[%dma_wait3A_200] : memref<320000xi32, #tpu.memory_space<hbm>> -> memref<80xi32, #tpu.memory_space<hbm>>
        tpu.wait_dma2 semaphore(%arg23 : memref<!tpu.dma_semaphore, #tpu.memory_space<semaphore_mem>>) src(%dma_wait3A_201 : memref<80xi32, #tpu.memory_space<hbm>>) dst(%arg10 : memref<80xi32, #tpu.memory_space<vmem>>)
        %dma_wait3A_202 = arith.constant 0 : i32
        %dma_wait3A_203 = tpu.memref_slice %arg4[%dma_wait3A_202] : memref<320000xi32, #tpu.memory_space<hbm>> -> memref<80xi32, #tpu.memory_space<hbm>>
        %dma_wait3A_204 = arith.constant 0 : i32
        %dma_wait3A_205 = tpu.memref_slice %arg4[%dma_wait3A_204] : memref<320000xi32, #tpu.memory_space<hbm>> -> memref<80xi32, #tpu.memory_space<hbm>>
        tpu.wait_dma2 semaphore(%arg23 : memref<!tpu.dma_semaphore, #tpu.memory_space<semaphore_mem>>) src(%dma_wait3A_205 : memref<80xi32, #tpu.memory_space<hbm>>) dst(%arg14 : memref<80xi32, #tpu.memory_space<vmem>>)
        %dma_start3A_206 = arith.constant 0 : i32
        %dma_start3A_207 = arith.constant 0 : i32
        %dma_start3A_208 = tpu.memref_slice %arg2[%dma_start3A_206, %dma_start3A_207] : memref<10000x128xf32, #tpu.memory_space<hbm>> -> memref<10000x128xf32, #tpu.memory_space<hbm>>
        tpu.enqueue_indirect_dma source(%dma_start3A_208 : memref<10000x128xf32, #tpu.memory_space<hbm>>) target(%arg18 : memref<80x128xf32, #tpu.memory_space<vmem>>) offsets(%arg10 : memref<80xi32, #tpu.memory_space<vmem>>) semaphore(%arg27 : memref<!tpu.dma_semaphore, #tpu.memory_space<semaphore_mem>>)
      } else {
      }
    }
    %scan3A_88 = arith.constant 31 : i32
    %add3A_89 = arith.constant 9920 : i32
    %add3A_90 = arith.addi %mul3A_2, %add3A_89 : i32
    "tpu.region"() ({
      %run_scoped3A = tpu.sem_alloc : memref<!tpu.dma_semaphore, #tpu.memory_space<semaphore_mem>>
      %dma_start3A_110 = tpu.memref_slice %arg3[%add3A_90] : memref<320000xi32, #tpu.memory_space<hbm>> -> memref<80xi32, #tpu.memory_space<hbm>>
      %dma_start3A_111 = tpu.memref_slice %arg3[%add3A_90] : memref<320000xi32, #tpu.memory_space<hbm>> -> memref<80xi32, #tpu.memory_space<hbm>>
      tpu.enqueue_dma source(%dma_start3A_111 : memref<80xi32, #tpu.memory_space<hbm>>) target(%arg7 : memref<80xi32, #tpu.memory_space<vmem>>) target_semaphore(%run_scoped3A : memref<!tpu.dma_semaphore, #tpu.memory_space<semaphore_mem>>)
      %dma_wait3A_112 = tpu.memref_slice %arg3[%add3A_90] : memref<320000xi32, #tpu.memory_space<hbm>> -> memref<80xi32, #tpu.memory_space<hbm>>
      %dma_wait3A_113 = tpu.memref_slice %arg3[%add3A_90] : memref<320000xi32, #tpu.memory_space<hbm>> -> memref<80xi32, #tpu.memory_space<hbm>>
      tpu.wait_dma2 semaphore(%run_scoped3A : memref<!tpu.dma_semaphore, #tpu.memory_space<semaphore_mem>>) src(%dma_wait3A_113 : memref<80xi32, #tpu.memory_space<hbm>>) dst(%arg7 : memref<80xi32, #tpu.memory_space<vmem>>)
      tpu.yield
    }) : () -> ()
    "tpu.region"() ({
      %run_scoped3A = tpu.sem_alloc : memref<!tpu.dma_semaphore, #tpu.memory_space<semaphore_mem>>
      %dma_start3A_110 = tpu.memref_slice %arg4[%add3A_90] : memref<320000xi32, #tpu.memory_space<hbm>> -> memref<80xi32, #tpu.memory_space<hbm>>
      %dma_start3A_111 = tpu.memref_slice %arg4[%add3A_90] : memref<320000xi32, #tpu.memory_space<hbm>> -> memref<80xi32, #tpu.memory_space<hbm>>
      tpu.enqueue_dma source(%dma_start3A_111 : memref<80xi32, #tpu.memory_space<hbm>>) target(%arg11 : memref<80xi32, #tpu.memory_space<vmem>>) target_semaphore(%run_scoped3A : memref<!tpu.dma_semaphore, #tpu.memory_space<semaphore_mem>>)
      %dma_wait3A_112 = tpu.memref_slice %arg4[%add3A_90] : memref<320000xi32, #tpu.memory_space<hbm>> -> memref<80xi32, #tpu.memory_space<hbm>>
      %dma_wait3A_113 = tpu.memref_slice %arg4[%add3A_90] : memref<320000xi32, #tpu.memory_space<hbm>> -> memref<80xi32, #tpu.memory_space<hbm>>
      tpu.wait_dma2 semaphore(%run_scoped3A : memref<!tpu.dma_semaphore, #tpu.memory_space<semaphore_mem>>) src(%dma_wait3A_113 : memref<80xi32, #tpu.memory_space<hbm>>) dst(%arg11 : memref<80xi32, #tpu.memory_space<vmem>>)
      tpu.yield
    }) : () -> ()
    %dma_start3A_91 = arith.constant 0 : i32
    %dma_start3A_92 = arith.constant 0 : i32
    %dma_start3A_93 = tpu.memref_slice %arg2[%dma_start3A_91, %dma_start3A_92] : memref<10000x128xf32, #tpu.memory_space<hbm>> -> memref<10000x128xf32, #tpu.memory_space<hbm>>
    tpu.enqueue_indirect_dma source(%dma_start3A_93 : memref<10000x128xf32, #tpu.memory_space<hbm>>) target(%arg15 : memref<80x128xf32, #tpu.memory_space<vmem>>) offsets(%arg7 : memref<80xi32, #tpu.memory_space<vmem>>) semaphore(%arg24 : memref<!tpu.dma_semaphore, #tpu.memory_space<semaphore_mem>>)
    %dma_wait3A_94 = arith.constant 0 : i32
    %dma_wait3A_95 = arith.constant 0 : i32
    %dma_wait3A_96 = tpu.memref_slice %arg2[%dma_wait3A_94, %dma_wait3A_95] : memref<10000x128xf32, #tpu.memory_space<hbm>> -> memref<10000x128xf32, #tpu.memory_space<hbm>>
    tpu.wait_indirect_dma semaphore(%arg24 : memref<!tpu.dma_semaphore, #tpu.memory_space<semaphore_mem>>) src(%dma_wait3A_96 : memref<10000x128xf32, #tpu.memory_space<hbm>>) dst(%arg15 : memref<80x128xf32, #tpu.memory_space<vmem>>)
    "tpu.region"() ({
      %run_scoped3A = tpu.sem_alloc : memref<!tpu.dma_semaphore, #tpu.memory_space<semaphore_mem>>
      %dma_start3A_110 = arith.constant 0 : i32
      %dma_start3A_111 = arith.constant 0 : i32
      %dma_start3A_112 = tpu.memref_slice %arg19[%dma_start3A_110, %dma_start3A_111] : memref<10000x128xf32, #tpu.memory_space<vmem_shared>> -> memref<10000x128xf32, #tpu.memory_space<vmem_shared>>
      tpu.enqueue_indirect_dma source(%arg15 : memref<80x128xf32, #tpu.memory_space<vmem>>) target(%dma_start3A_112 : memref<10000x128xf32, #tpu.memory_space<vmem_shared>>) offsets(%arg11 : memref<80xi32, #tpu.memory_space<vmem>>) semaphore(%run_scoped3A : memref<!tpu.dma_semaphore, #tpu.memory_space<semaphore_mem>>) {add = true}
      %dma_wait3A_113 = arith.constant 0 : i32
      %dma_wait3A_114 = arith.constant 0 : i32
      %dma_wait3A_115 = tpu.memref_slice %arg19[%dma_wait3A_113, %dma_wait3A_114] : memref<10000x128xf32, #tpu.memory_space<vmem_shared>> -> memref<10000x128xf32, #tpu.memory_space<vmem_shared>>
      tpu.wait_indirect_dma semaphore(%run_scoped3A : memref<!tpu.dma_semaphore, #tpu.memory_space<semaphore_mem>>) src(%arg15 : memref<80x128xf32, #tpu.memory_space<vmem>>) dst(%dma_wait3A_115 : memref<10000x128xf32, #tpu.memory_space<vmem_shared>>)
      tpu.yield
    }) : () -> ()
    %barrier3A_97 = arith.constant 0 : index
    tpu.barrier barrier_id(%barrier3A_97)
    %mul3A_98 = arith.constant 632 : i32
    %mul3A_99 = arith.muli %arg1, %mul3A_98 : i32
    %lt3A_100 = arith.constant 15 : i32
    %lt3A_101 = arith.cmpi slt, %arg1, %lt3A_100 : i32
    %convert_element_type3A_102 = arith.extui %lt3A_101 : i1 to i32
    %cond3A_103 = arith.constant 0 : i32
    %cond3A_104 = arith.cmpi ne, %convert_element_type3A_102, %cond3A_103 : i32
    scf.if %cond3A_104 {
      "tpu.region"() ({
        %run_scoped3A = tpu.sem_alloc : memref<!tpu.dma_semaphore, #tpu.memory_space<semaphore_mem>>
        %dma_start3A_110 = arith.constant 0 : i32
        %dma_start3A_111 = tpu.memref_slice %arg6[%arg0, %mul3A_99, %dma_start3A_110] : memref<2x10000x128xf32, #tpu.memory_space<hbm>> -> memref<1x632x128xf32, #tpu.memory_space<hbm>>
        %dma_start3A_112 = tpu.memref_squeeze %dma_start3A_111 : memref<1x632x128xf32, #tpu.memory_space<hbm>> -> memref<632x128xf32, #tpu.memory_space<hbm>>
        %dma_start3A_113 = arith.constant 0 : i32
        %dma_start3A_114 = tpu.memref_slice %arg19[%mul3A_99, %dma_start3A_113] : memref<10000x128xf32, #tpu.memory_space<vmem_shared>> -> memref<632x128xf32, #tpu.memory_space<vmem_shared>>
        tpu.enqueue_dma source(%dma_start3A_114 : memref<632x128xf32, #tpu.memory_space<vmem_shared>>) target(%dma_start3A_112 : memref<632x128xf32, #tpu.memory_space<hbm>>) target_semaphore(%run_scoped3A : memref<!tpu.dma_semaphore, #tpu.memory_space<semaphore_mem>>)
        %dma_wait3A_115 = arith.constant 0 : i32
        %dma_wait3A_116 = tpu.memref_slice %arg6[%arg0, %mul3A_99, %dma_wait3A_115] : memref<2x10000x128xf32, #tpu.memory_space<hbm>> -> memref<1x632x128xf32, #tpu.memory_space<hbm>>
        %dma_wait3A_117 = tpu.memref_squeeze %dma_wait3A_116 : memref<1x632x128xf32, #tpu.memory_space<hbm>> -> memref<632x128xf32, #tpu.memory_space<hbm>>
        %dma_wait3A_118 = arith.constant 0 : i32
        %dma_wait3A_119 = tpu.memref_slice %arg19[%mul3A_99, %dma_wait3A_118] : memref<10000x128xf32, #tpu.memory_space<vmem_shared>> -> memref<632x128xf32, #tpu.memory_space<vmem_shared>>
        tpu.wait_dma2 semaphore(%run_scoped3A : memref<!tpu.dma_semaphore, #tpu.memory_space<semaphore_mem>>) src(%dma_wait3A_119 : memref<632x128xf32, #tpu.memory_space<vmem_shared>>) dst(%dma_wait3A_117 : memref<632x128xf32, #tpu.memory_space<hbm>>)
        tpu.yield
      }) : () -> ()
    } else {
    }
    %eq3A_105 = arith.constant 15 : i32
    %eq3A_106 = arith.cmpi eq, %arg1, %eq3A_105 : i32
    %convert_element_type3A_107 = arith.extui %eq3A_106 : i1 to i32
    %cond3A_108 = arith.constant 0 : i32
    %cond3A_109 = arith.cmpi ne, %convert_element_type3A_107, %cond3A_108 : i32
    scf.if %cond3A_109 {
      "tpu.region"() ({
        %run_scoped3A = tpu.sem_alloc : memref<!tpu.dma_semaphore, #tpu.memory_space<semaphore_mem>>
        %dma_start3A_110 = arith.constant 0 : i32
        %dma_start3A_111 = tpu.memref_slice %arg6[%arg0, %mul3A_99, %dma_start3A_110] : memref<2x10000x128xf32, #tpu.memory_space<hbm>> -> memref<1x520x128xf32, #tpu.memory_space<hbm>>
        %dma_start3A_112 = tpu.memref_squeeze %dma_start3A_111 : memref<1x520x128xf32, #tpu.memory_space<hbm>> -> memref<520x128xf32, #tpu.memory_space<hbm>>
        %dma_start3A_113 = arith.constant 0 : i32
        %dma_start3A_114 = tpu.memref_slice %arg19[%mul3A_99, %dma_start3A_113] : memref<10000x128xf32, #tpu.memory_space<vmem_shared>> -> memref<520x128xf32, #tpu.memory_space<vmem_shared>>
        tpu.enqueue_dma source(%dma_start3A_114 : memref<520x128xf32, #tpu.memory_space<vmem_shared>>) target(%dma_start3A_112 : memref<520x128xf32, #tpu.memory_space<hbm>>) target_semaphore(%run_scoped3A : memref<!tpu.dma_semaphore, #tpu.memory_space<semaphore_mem>>)
        %dma_wait3A_115 = arith.constant 0 : i32
        %dma_wait3A_116 = tpu.memref_slice %arg6[%arg0, %mul3A_99, %dma_wait3A_115] : memref<2x10000x128xf32, #tpu.memory_space<hbm>> -> memref<1x520x128xf32, #tpu.memory_space<hbm>>
        %dma_wait3A_117 = tpu.memref_squeeze %dma_wait3A_116 : memref<1x520x128xf32, #tpu.memory_space<hbm>> -> memref<520x128xf32, #tpu.memory_space<hbm>>
        %dma_wait3A_118 = arith.constant 0 : i32
        %dma_wait3A_119 = tpu.memref_slice %arg19[%mul3A_99, %dma_wait3A_118] : memref<10000x128xf32, #tpu.memory_space<vmem_shared>> -> memref<520x128xf32, #tpu.memory_space<vmem_shared>>
        tpu.wait_dma2 semaphore(%run_scoped3A : memref<!tpu.dma_semaphore, #tpu.memory_space<semaphore_mem>>) src(%dma_wait3A_119 : memref<520x128xf32, #tpu.memory_space<vmem_shared>>) dst(%dma_wait3A_117 : memref<520x128xf32, #tpu.memory_space<hbm>>)
        tpu.yield
      }) : () -> ()
    } else {
    }
    return
  }
}

module attributes {stable_mosaic.version = 14 : i64} {
  func.func @_tc1_body(%arg0: memref<2x10008x128xf32, #tpu.memory_space<vmem>>, %arg1: memref<10000x128xf32, #tpu.memory_space<vmem>>, %arg2: memref<128x128xf32, #tpu.memory_space<vmem>>, %arg3: memref<10000x1xf32, #tpu.memory_space<vmem>>, %arg4: memref<10000x128xf32, #tpu.memory_space<vmem>>) attributes {dimension_semantics = [], scalar_prefetch = 0 : i64, scratch_operands = 0 : i64, tpu.core_type = #tpu.core_type<tc>} {
    %get3A = arith.constant 0 : index
    %get3A_0 = arith.constant 0 : index
    %get3A_1 = arith.constant 0 : index
    %get3A_2 = vector.load %arg0[%get3A, %get3A_0, %get3A_1] : memref<2x10008x128xf32, #tpu.memory_space<vmem>>, vector<1x10000x1xf32>
    %get3A_3 = vector.shape_cast %get3A_2 : vector<1x10000x1xf32> to vector<10000x1xf32>
    %get3A_4 = arith.constant 1 : index
    %get3A_5 = arith.constant 0 : index
    %get3A_6 = arith.constant 0 : index
    %get3A_7 = vector.load %arg0[%get3A_4, %get3A_5, %get3A_6] : memref<2x10008x128xf32, #tpu.memory_space<vmem>>, vector<1x10000x1xf32>
    %get3A_8 = vector.shape_cast %get3A_7 : vector<1x10000x1xf32> to vector<10000x1xf32>
    %add3A = arith.addf %get3A_3, %get3A_8 : vector<10000x1xf32>
    %add3A_9 = arith.constant 1.000000e+00 : f32
    %add3A_10 = vector.broadcast %add3A_9 : f32 to vector<10000x1xf32>
    %add3A_11 = arith.addf %add3A, %add3A_10 : vector<10000x1xf32>
    %rsqrt3A = math.rsqrt %add3A_11 : vector<10000x1xf32>
    %swap3A = arith.constant 0 : index
    %swap3A_12 = arith.constant 0 : index
    %swap3A_13 = vector.load %arg3[%swap3A, %swap3A_12] : memref<10000x1xf32, #tpu.memory_space<vmem>>, vector<10000x1xf32>
    tpu.vector_store %arg3[%swap3A, %swap3A_12], %rsqrt3A {strides = array<i32>} : memref<10000x1xf32, #tpu.memory_space<vmem>>, vector<10000x1xf32>,
    %get3A_14 = arith.constant 0 : index
    %get3A_15 = arith.constant 0 : index
    %get3A_16 = vector.load %arg1[%get3A_14, %get3A_15] : memref<10000x128xf32, #tpu.memory_space<vmem>>, vector<10000x128xf32>
    %get3A_17 = arith.constant 0 : index
    %get3A_18 = arith.constant 0 : index
    %get3A_19 = vector.load %arg2[%get3A_17, %get3A_18] : memref<128x128xf32, #tpu.memory_space<vmem>>, vector<128x128xf32>
    %dot_general3A = arith.constant dense<0.000000e+00> : vector<10000x128xf32>
    %dot_general3A_20 = tpu.matmul %get3A_16, %get3A_19, %dot_general3A {dimension_numbers = #tpu.dot_dimension_numbers<[1], [0], [0], [1], [0, 0, 1, 1], [], []>, transpose_lhs_hint = false} : vector<10000x128xf32>, vector<128x128xf32>, vector<10000x128xf32> -> vector<10000x128xf32>
    %mul3A = vector.broadcast %rsqrt3A : vector<10000x1xf32> to vector<10000x128xf32>
    %mul3A_21 = arith.mulf %dot_general3A_20, %mul3A : vector<10000x128xf32>
    %swap3A_22 = arith.constant 0 : index
    %swap3A_23 = arith.constant 0 : index
    %swap3A_24 = vector.load %arg4[%swap3A_22, %swap3A_23] : memref<10000x128xf32, #tpu.memory_space<vmem>>, vector<10000x128xf32>
    tpu.vector_store %arg4[%swap3A_22, %swap3A_23], %mul3A_21 {strides = array<i32>} : memref<10000x128xf32, #tpu.memory_space<vmem>>, vector<10000x128xf32>,
    return
  }
}

module attributes {stable_mosaic.version = 14 : i64} {
  func.func @_tc2_body(%arg0: memref<2x10000x128xf32, #tpu.memory_space<vmem>>, %arg1: memref<10000x128xf32, #tpu.memory_space<vmem>>, %arg2: memref<10000x1xf32, #tpu.memory_space<vmem>>, %arg3: memref<1x128xf32, #tpu.memory_space<vmem>>, %arg4: memref<128x128xf32, #tpu.memory_space<vmem>>, %arg5: memref<10000x128xf32, #tpu.memory_space<vmem>>) attributes {dimension_semantics = [], scalar_prefetch = 0 : i64, scratch_operands = 0 : i64, tpu.core_type = #tpu.core_type<tc>} {
    %get3A = arith.constant 0 : index
    %get3A_0 = arith.constant 0 : index
    %get3A_1 = vector.load %arg2[%get3A, %get3A_0] : memref<10000x1xf32, #tpu.memory_space<vmem>>, vector<10000x1xf32>
    %get3A_2 = arith.constant 0 : index
    %get3A_3 = arith.constant 0 : index
    %get3A_4 = arith.constant 0 : index
    %get3A_5 = vector.load %arg0[%get3A_2, %get3A_3, %get3A_4] : memref<2x10000x128xf32, #tpu.memory_space<vmem>>, vector<1x10000x128xf32>
    %get3A_6 = vector.shape_cast %get3A_5 : vector<1x10000x128xf32> to vector<10000x128xf32>
    %get3A_7 = arith.constant 1 : index
    %get3A_8 = arith.constant 0 : index
    %get3A_9 = arith.constant 0 : index
    %get3A_10 = vector.load %arg0[%get3A_7, %get3A_8, %get3A_9] : memref<2x10000x128xf32, #tpu.memory_space<vmem>>, vector<1x10000x128xf32>
    %get3A_11 = vector.shape_cast %get3A_10 : vector<1x10000x128xf32> to vector<10000x128xf32>
    %add3A = arith.addf %get3A_6, %get3A_11 : vector<10000x128xf32>
    %get3A_12 = arith.constant 0 : index
    %get3A_13 = arith.constant 0 : index
    %get3A_14 = vector.load %arg1[%get3A_12, %get3A_13] : memref<10000x128xf32, #tpu.memory_space<vmem>>, vector<10000x128xf32>
    %add3A_15 = arith.addf %add3A, %get3A_14 : vector<10000x128xf32>
    %mul3A = vector.broadcast %get3A_1 : vector<10000x1xf32> to vector<10000x128xf32>
    %mul3A_16 = arith.mulf %add3A_15, %mul3A : vector<10000x128xf32>
    %get3A_17 = arith.constant 0 : index
    %get3A_18 = arith.constant 0 : index
    %get3A_19 = vector.load %arg3[%get3A_17, %get3A_18] : memref<1x128xf32, #tpu.memory_space<vmem>>, vector<1x128xf32>
    %add3A_20 = vector.broadcast %get3A_19 : vector<1x128xf32> to vector<10000x128xf32>
    %add3A_21 = arith.addf %mul3A_16, %add3A_20 : vector<10000x128xf32>
    %max3A = arith.constant 0.000000e+00 : f32
    %max3A_22 = vector.broadcast %max3A : f32 to vector<10000x128xf32>
    %max3A_23 = arith.maximumf %add3A_21, %max3A_22 : vector<10000x128xf32>
    %get3A_24 = arith.constant 0 : index
    %get3A_25 = arith.constant 0 : index
    %get3A_26 = vector.load %arg4[%get3A_24, %get3A_25] : memref<128x128xf32, #tpu.memory_space<vmem>>, vector<128x128xf32>
    %dot_general3A = arith.constant dense<0.000000e+00> : vector<10000x128xf32>
    %dot_general3A_27 = tpu.matmul %max3A_23, %get3A_26, %dot_general3A {dimension_numbers = #tpu.dot_dimension_numbers<[1], [0], [0], [1], [0, 0, 1, 1], [], []>, transpose_lhs_hint = false} : vector<10000x128xf32>, vector<128x128xf32>, vector<10000x128xf32> -> vector<10000x128xf32>
    %mul3A_28 = vector.broadcast %get3A_1 : vector<10000x1xf32> to vector<10000x128xf32>
    %mul3A_29 = arith.mulf %dot_general3A_27, %mul3A_28 : vector<10000x128xf32>
    %swap3A = arith.constant 0 : index
    %swap3A_30 = arith.constant 0 : index
    %swap3A_31 = vector.load %arg5[%swap3A, %swap3A_30] : memref<10000x128xf32, #tpu.memory_space<vmem>>, vector<10000x128xf32>
    tpu.vector_store %arg5[%swap3A, %swap3A_30], %mul3A_29 {strides = array<i32>} : memref<10000x128xf32, #tpu.memory_space<vmem>>, vector<10000x128xf32>,
    return
  }
}

module attributes {stable_mosaic.version = 14 : i64} {
  func.func @_tc3_body(%arg0: memref<2x10000x128xf32, #tpu.memory_space<vmem>>, %arg1: memref<10000x128xf32, #tpu.memory_space<vmem>>, %arg2: memref<10000x1xf32, #tpu.memory_space<vmem>>, %arg3: memref<1x128xf32, #tpu.memory_space<vmem>>, %arg4: memref<128x8xf32, #tpu.memory_space<vmem>>, %arg5: memref<1x8xf32, #tpu.memory_space<vmem>>, %arg6: memref<10000x8xf32, #tpu.memory_space<vmem>>) attributes {dimension_semantics = [], scalar_prefetch = 0 : i64, scratch_operands = 0 : i64, tpu.core_type = #tpu.core_type<tc>} {
    %get3A = arith.constant 0 : index
    %get3A_0 = arith.constant 0 : index
    %get3A_1 = arith.constant 0 : index
    %get3A_2 = vector.load %arg0[%get3A, %get3A_0, %get3A_1] : memref<2x10000x128xf32, #tpu.memory_space<vmem>>, vector<1x10000x128xf32>
    %get3A_3 = vector.shape_cast %get3A_2 : vector<1x10000x128xf32> to vector<10000x128xf32>
    %get3A_4 = arith.constant 1 : index
    %get3A_5 = arith.constant 0 : index
    %get3A_6 = arith.constant 0 : index
    %get3A_7 = vector.load %arg0[%get3A_4, %get3A_5, %get3A_6] : memref<2x10000x128xf32, #tpu.memory_space<vmem>>, vector<1x10000x128xf32>
    %get3A_8 = vector.shape_cast %get3A_7 : vector<1x10000x128xf32> to vector<10000x128xf32>
    %add3A = arith.addf %get3A_3, %get3A_8 : vector<10000x128xf32>
    %get3A_9 = arith.constant 0 : index
    %get3A_10 = arith.constant 0 : index
    %get3A_11 = vector.load %arg1[%get3A_9, %get3A_10] : memref<10000x128xf32, #tpu.memory_space<vmem>>, vector<10000x128xf32>
    %add3A_12 = arith.addf %add3A, %get3A_11 : vector<10000x128xf32>
    %get3A_13 = arith.constant 0 : index
    %get3A_14 = arith.constant 0 : index
    %get3A_15 = vector.load %arg2[%get3A_13, %get3A_14] : memref<10000x1xf32, #tpu.memory_space<vmem>>, vector<10000x1xf32>
    %mul3A = vector.broadcast %get3A_15 : vector<10000x1xf32> to vector<10000x128xf32>
    %mul3A_16 = arith.mulf %add3A_12, %mul3A : vector<10000x128xf32>
    %get3A_17 = arith.constant 0 : index
    %get3A_18 = arith.constant 0 : index
    %get3A_19 = vector.load %arg3[%get3A_17, %get3A_18] : memref<1x128xf32, #tpu.memory_space<vmem>>, vector<1x128xf32>
    %add3A_20 = vector.broadcast %get3A_19 : vector<1x128xf32> to vector<10000x128xf32>
    %add3A_21 = arith.addf %mul3A_16, %add3A_20 : vector<10000x128xf32>
    %max3A = arith.constant 0.000000e+00 : f32
    %max3A_22 = vector.broadcast %max3A : f32 to vector<10000x128xf32>
    %max3A_23 = arith.maximumf %add3A_21, %max3A_22 : vector<10000x128xf32>
    %get3A_24 = arith.constant 0 : index
    %get3A_25 = arith.constant 0 : index
    %get3A_26 = vector.load %arg4[%get3A_24, %get3A_25] : memref<128x8xf32, #tpu.memory_space<vmem>>, vector<128x8xf32>
    %dot_general3A = arith.constant dense<0.000000e+00> : vector<10000x8xf32>
    %dot_general3A_27 = tpu.matmul %max3A_23, %get3A_26, %dot_general3A {dimension_numbers = #tpu.dot_dimension_numbers<[1], [0], [0], [1], [0, 0, 1, 1], [], []>, transpose_lhs_hint = false} : vector<10000x128xf32>, vector<128x8xf32>, vector<10000x8xf32> -> vector<10000x8xf32>
    %get3A_28 = arith.constant 0 : index
    %get3A_29 = arith.constant 0 : index
    %get3A_30 = vector.load %arg5[%get3A_28, %get3A_29] : memref<1x8xf32, #tpu.memory_space<vmem>>, vector<1x8xf32>
    %add3A_31 = vector.broadcast %get3A_30 : vector<1x8xf32> to vector<10000x8xf32>
    %add3A_32 = arith.addf %dot_general3A_27, %add3A_31 : vector<10000x8xf32>
    %swap3A = arith.constant 0 : index
    %swap3A_33 = arith.constant 0 : index
    %swap3A_34 = vector.load %arg6[%swap3A, %swap3A_33] : memref<10000x8xf32, #tpu.memory_space<vmem>>, vector<10000x8xf32>
    tpu.vector_store %arg6[%swap3A, %swap3A_33], %add3A_32 {strides = array<i32>} : memref<10000x8xf32, #tpu.memory_space<vmem>>, vector<10000x8xf32>,
    return
  }
}

</mosaic_0001>

<sc_bundles>
// kernel: kernel.11.cloned.1.call-start
scs
__scs_entry_jumppad:
0x0: {  	(pc) =	sbr.rel $0x88, $3  }
0x1: {  	(tag) =	ssettag $0x0;
	lr =	simm.s32 $0x1  }
0x2: {  	[smem:$0x3F99] =	sst lr;
	_ =	strace $0xD0000000  }
0x3: {  	_ = 	snop  }
0x4: {  	_ = 	snop  }
0x5: {  	_ = 	snop  }
0x6: {  	_ = 	snop  }
0x7: {  	_ = 	snop  }
__scs_overlays_trampoline_lowered:
0x8: {  	[smem:$0x3FA8] =	sst s0  }
0x9: {  	[smem:$0x3FA9] =	sst s1  }
0xa: {  	[smem:$0x3FAA] =	sst s2  }
0xb: {  	[smem:$0x3FAB] =	sst s3  }
0xc: {  	[smem:$0x3FAC] =	sst s4  }
0xd: {  	[smem:$0x3FAD] =	sst s5  }
0xe: {  	[smem:$0x3FAE] =	sst s6  }
0xf: {  	[smem:$0x3FAF] =	sst s7  }
0x10: {  	[smem:$0x3FB0] =	sst s8  }
0x11: {  	[smem:$0x3FB1] =	sst s9;
	s0 =	simm.s32 @!p0 $0x0  }
0x12: {  	s1 =	sld [smem:$0x3F97];
	s0 =	simm.s32 @p0 $0x1  }
0x13: {  	[smem:$0x3FB2] =	sst s0;
	s0 =	simm.s32 @!p1 $0x0  }
0x14: {  	s2 =	sld [smem:$0x3F96];
	s0 =	simm.s32 @p1 $0x1  }
0x15: {  	[smem:$0x3FB3] =	sst s0;
	s0 =	simm.s32 @!p2 $0x0  }
0x16: {  	s3 =	sld [smem:$0x3FDB];
	s0 =	simm.s32 @p2 $0x1  }
0x17: {  	s4 =	simm.s32 $0x1BF5;
	[smem:$0x3FB5] =	sst s0  }
0x18: {  	s0 =	sld [smem:$0x3F98];
	_ =	swait.ge [sflag:s4], $0x0  }
0x19: {  	s7 =	sld [smem:$0x3F99]  }
0x1a: {  	s8 =	sadd.s32 $0xFFFFE003, lr  }
0x1b: {  	s9 =	sadd.s32 $0xFFFFFEF7, lr;
	s5 =	simm.s32 $0xFFFFFFFF;
	p2 =	slt.u32 s8, $0xFFFFF086  }
0x1c: {  	p1 =	slt.u32 s9, $0xF7A;
	s5 =	simm.s32 @!p2 $0x0  }
0x1d: {  	s5 =	simm.s32 @p1 $0x1;
	p0 =	seq.s32 s7, s2  }
0x1e: {  	s7 =	smul.u32 @!p0 $0xF7A, s2;
	p2 =	seq.s32 @!p0 s5, $0x0  }
0x1f: {  	s9 =	smul.u32 $0xF7A, s1;
	s8 =	simm.s32 @!p0 $0x1BF5;
	p2 =	por !p2, p0  }
0x20: {  	[sflag:s8] =	ssyncset.s32 @!p0 $0xFFFFF086;
	s6 =	sadd.s32 @!p0 s3, s7;
	s7 =	simm.s32 @!p0 $0x108  }
0x21: {  	s3 =	sadd.s32 s3, s9;
	s6 =	sadd.s32 @!p0 $0x88, s6;
	s7 =	simm.s32 @p2 $0x1082  }
0x22: {  	[simem:s7], [sflag:s8] =	dma.local @!p0 [hbm:s6], $0xF7A  }
0x23: {  	s9 =	sor.u32 $0xD0000000, s2;
	s6 =	simm.s32 $0x108;
	_ =	swait.ge @!p0 [sflag:s8], $0x0  }
0x24: {  	s3 =	sadd.s32 $0x88, s3;
	s6 =	simm.s32 @!p1 $0x1082;
	[sflag:s4] =	ssyncset.s32 $0xFFFFF086  }
0x25: {  	[simem:s6], [sflag:s4] =	dma.local [hbm:s3], $0xF7A  }
0x26: {  	[smem:$0x3F99] =	sst s1;
	(tag) =	ssettag s2;
	_ =	strace s9  }
0x27: {  	s1 =	sld [smem:$0x3FA9]  }
0x28: {  	s2 =	sld [smem:$0x3FAA]  }
0x29: {  	s4 =	sld [smem:$0x3FAC]  }
0x2a: {  	p0 =	seq.s32 s5, $0x0;
	s5 =	sld [smem:$0x3FAD]  }
0x2b: {  	s6 =	sld [smem:$0x3FAE]  }
0x2c: {  	s7 =	sld [smem:$0x3FAF]  }
0x2d: {  	s3 =	simm.s32 $0x108;
	s8 =	sld [smem:$0x3FB0]  }
0x2e: {  	s3 =	simm.s32 @!p0 $0x1082;
	s9 =	sld [smem:$0x3FB1]  }
0x2f: {  	lr =	sadd.s32 s0, s3;
	s0 =	sld [smem:$0x3FA8]  }
0x30: {  	s3 =	sld [smem:$0x3FAB]  }
0x31: {  	[smem:$0x3FB4] =	sst s10  }
0x32: {  	s10 =	sld [smem:$0x3FB2];
	_ =	sdelay $0x3  }
0x33: {  	p0 =	seq.s32 s10, $0x1;
	s10 =	sld [smem:$0x3FB4];
	_ =	sdelay $0x3  }
0x34: {  	[smem:$0x3FB4] =	sst s10  }
0x35: {  	s10 =	sld [smem:$0x3FB3];
	_ =	sdelay $0x3  }
0x36: {  	p1 =	seq.s32 s10, $0x1;
	s10 =	sld [smem:$0x3FB4];
	_ =	sdelay $0x3  }
0x37: {  	[smem:$0x3FB4] =	sst s10  }
0x38: {  	s10 =	sld [smem:$0x3FB5]  }
0x39: {  	_ = 	snop;
	(pc) =	sbr.ind lr, $3  }
0x3a: {  	_ = 	snop  }
0x3b: {  	_ = 	snop  }
0x3c: {  	p2 =	seq.s32 s10, $0x1;
	s10 =	sld [smem:$0x3FB4]  }
0x3d: {  	_ =	shalt  }
0x3e: {  	_ =	shalt  }
0x3f: {  	_ =	shalt  }
0x40: {  	_ =	shalt  }
0x41: {  	_ =	shalt  }
0x42: {  	_ =	shalt  }
0x43: {  	_ =	shalt  }
0x44: {  	_ =	shalt  }
0x45: {  	_ =	shalt  }
0x46: {  	_ =	shalt  }
0x47: {  	_ =	shalt  }
0x48: {  	_ =	shalt  }
0x49: {  	_ =	shalt  }
0x4a: {  	_ =	shalt  }
0x4b: {  	_ =	shalt  }
0x4c: {  	_ =	shalt  }
0x4d: {  	_ =	shalt  }
0x4e: {  	_ =	shalt  }
0x4f: {  	_ =	shalt  }
0x50: {  	_ =	shalt  }
0x51: {  	_ =	shalt  }
0x52: {  	_ =	shalt  }
0x53: {  	_ =	shalt  }
0x54: {  	_ =	shalt  }
0x55: {  	_ =	shalt  }
0x56: {  	_ =	shalt  }
0x57: {  	_ =	shalt  }
0x58: {  	_ =	shalt  }
0x59: {  	_ =	shalt  }
0x5a: {  	_ =	shalt  }
0x5b: {  	_ =	shalt  }
0x5c: {  	_ =	shalt  }
0x5d: {  	_ =	shalt  }
0x5e: {  	_ =	shalt  }
0x5f: {  	_ =	shalt  }
0x60: {  	_ =	shalt  }
0x61: {  	_ =	shalt  }
0x62: {  	_ =	shalt  }
0x63: {  	_ =	shalt  }
0x64: {  	_ =	shalt  }
0x65: {  	_ =	shalt  }
0x66: {  	_ =	shalt  }
0x67: {  	_ =	shalt  }
0x68: {  	_ =	shalt  }
0x69: {  	_ =	shalt  }
0x6a: {  	_ =	shalt  }
0x6b: {  	_ =	shalt  }
0x6c: {  	_ =	shalt  }
0x6d: {  	_ =	shalt  }
0x6e: {  	_ =	shalt  }
0x6f: {  	_ =	shalt  }
0x70: {  	_ =	shalt  }
0x71: {  	_ =	shalt  }
0x72: {  	_ =	shalt  }
0x73: {  	_ =	shalt  }
0x74: {  	_ =	shalt  }
0x75: {  	_ =	shalt  }
0x76: {  	_ =	shalt  }
0x77: {  	_ =	shalt  }
0x78: {  	_ =	shalt  }
0x79: {  	_ =	shalt  }
0x7a: {  	_ =	shalt  }
0x7b: {  	_ =	shalt  }
0x7c: {  	_ =	shalt  }
0x7d: {  	_ =	shalt  }
0x7e: {  	_ =	shalt  }
0x7f: {  	_ =	shalt  }
0x80: {  	_ =	shalt  }
0x81: {  	_ =	shalt  }
0x82: {  	_ =	shalt  }
0x83: {  	_ =	shalt  }
0x84: {  	_ =	shalt  }
0x85: {  	_ =	shalt  }
0x86: {  	_ =	shalt  }
0x87: {  	_ =	shalt  }
.Lfunc_end0:
.L_simem_size_0:
called_computation.1_lowered:
.L_overlay_start_0:
0x88: {  	s2 =	sld [smem:$0x3FD9]  }
0x89: {  	s3 =	sld [smem:$0x3FFE];
	_ =	sdelay $0x1  }
0x8a: {  	s1 =	srdreg.scid  }
0x8b: {  	s0 =	sand.u32 $0x1, s1  }
0x8c: {  	s16 =	sshll.u32 s0, $0xA;
	s2 =	sadd.s32 s3, s2  }
0x8d: {  	s2 =	sadd.s32 s2, s16  }
0x8e: {  	[smem:$0x3FC0] =	sst s2  }
0x8f: {  	_ = 	snop  }
0x90: {  	(tm) =	ssettm $0x1  }
0x91: {  	s17 =	sld [smem:$0x3FFB];
	_ =	sdelay $0x3  }
0x92: {  	_ =	strace s17  }
0x93: {  	s2 =	sld [smem:$0x3FFC];
	_ =	sdelay $0x3  }
0x94: {  	_ =	strace s2  }
0x95: {  	s2 =	sld [smem:$0x3FFD];
	_ =	sdelay $0x3  }
0x96: {  	_ =	strace s2  }
0x97: {  	_ =	strace $0x8FFFFFFF  }
0x98: {  	s18 =	sld [smem:$0x3FDB];
	_ =	sdelay $0x1  }
0x99: {  	s19 =	simm.s32 $_scs_section_size  }
0x9a: {  	s4 =	simm.s32 $_size__tile_overlayer_lowered;
	s5 =	simm.s32 $_tile_overlayer_lowered  }
0x9b: {  	s22 =	simm.s32 $0x1BFF;
	s21 =	sshll.u32 s5, $0x1;
	s2 =	sadd.s32 s19, s18  }
0x9c: {  	s6 =	simm.s32 $0x0;
	s20 =	sshll.u32 s4, $0x1;
	s4 =	sadd.s32 s21, s2  }
0x9d: {  	[timem:s6], [sflag:s22] =	dma.local [hbm:s4], s20  }
0x9e: {  	_ =	swait.ge [sflag:s22], s20  }
0x9f: {  	s3 =	ssub.s32 $0x0, s20;
	[sflag:s22] =	ssyncset.done $0x0  }
0xa0: {  	[sflag:s22] =	ssyncadd.s32 s3;
	_ =	sdelay $0x1  }
0xa1: {  	s23 =	simm.s32 $0x1B8B  }
0xa2: {  	_ =	swait.ge [sflag:s23], $0x1  }
0xa3: {  	[sflag:s23] =	ssyncset.done $0x0  }
0xa4: {  	s25 =	simm.s32 $0x1B8E;
	s24 =	sld [smem:$0x3FFE];
	[sflag:s23] =	ssyncadd.s32 $0xFFFFFFFF  }
0xa5: {  	s26 =	simm.s32 $execute0_lowered;
	[smem:$0x3FD2] =	sst s25  }
0xa6: {  	s4 =	sshll.u32 s26, $0x1;
	_ =	strace $0x80000049;
	[dreg:$0x1] =	wrdreg $0xFFFFFFFF  }
0xa7: {  	s28 =	simm.s32 $_size_execute0_lowered;
	s2 =	sadd.s32 s2, s4;
	[dreg:$0x0] =	wrdreg $0x0  }
0xa8: {  	s4 =	sshll.u32 s28, $0x1;
	[dreg:$0x2] =	wrdreg s2  }
0xa9: {  	[dreg:$0x3] =	wrdreg s4  }
0xaa: {  	[dreg:$0x4] =	wrdreg $0xC0  }
0xab: {  	_ =	task [dreg:s6], $0x5FFFF  }
0xac: {  	[dreg:$0x1] =	wrdreg $0xFFFFFFFF  }
0xad: {  	[dreg:$0x0] =	wrdreg $0x60  }
0xae: {  	[dreg:$0x2] =	wrdreg s24  }
0xaf: {  	[dreg:$0x3] =	wrdreg $0xA4000  }
0xb0: {  	[dreg:$0x4] =	wrdreg $0x9  }
0xb1: {  	_ =	task.clear_ibuf [dreg:s6], $0x5FFFF;
	_ =	strace $0x90000049  }
0xb2: {  	s29 =	simm.s32 $0x9;
	_ =	strace $0x8000004B  }
0xb3: {  	_ =	swait.ge [sflag:s29], $0x1  }
0xb4: {  	[sflag:s29] =	ssyncadd.s32 $0xFFFFFFFF  }
0xb5: {  	_ =	strace $0x9000004B  }
0xb6: {  	_ =	sfence  }
0xb7: {  	s30 =	sld [smem:$0x0];
	_ =	sdelay $0x2  }
0xb8: {  	s31 =	sshll.u32 s1, $0xD;
	s1 =	sshrl.u32 s1, $0x2  }
0xb9: {  	s3 =	sand.u32 $0x4000, s31;
	s1 =	sadd.s32 s1, s30  }
0xba: {  	s0 =	sor.u32 s3, s0;
	s1 =	sshll.u32 s1, $0x11  }
0xbb: {  	s0 =	sor.u32 s1, s0  }
0xbc: {  	s0 =	sadd.s32 $0x8F2B, s0  }
0xbd: {  	[sflag:s0] =	ssyncadd.remote.s32 $0x1  }
0xbe: {  	_ =	sfence.sel $0xFFFF  }
0xbf: {  	[dreg:$0x0] =	wrdreg $0xFFFFFFFF;
	(pc) =	sbr.abs _section_cstart, $3  }
0xc0: {  	[dreg:$0x1] =	wrdreg $0xFFFFFFFF  }
0xc1: {  	_ =	task.clear_ibuf [dreg:s6], $0x2FFFF;
	_ =	strace $0x9FFFFFFF  }
0xc2: {  	(tm) =	ssettm $0x7FFFFFFF  }
0xc3: {  	_ =	shalt  }
tec
execute0_lowered:
.L_overlay_start_1:
0x0: {  	(tag) =	ssettag $0x1  }
0x1: {  	s0 =	rddreg [dreg:$0x0]  }
0x2: {  	s1 =	rddreg [dreg:$0x1]  }
0x3: {  	s2 =	srdreg.scid;
	s3 =	simm.s32 $0x0;
	s11 =	stileid.u32  }
0x4: {  	s31 =	simm.s32 $0x200;
	s30 =	simm.s32 $0x6;
	s29 =	simm.s32 $0x7  }
0x5: {  	s2 =	sand.u32 $0x1, s2;
	[smem:$0x7FF] =	sst s3;
	s6 =	smul.u32 $0x4F000, s11  }
0x6: {  	s12 =	sadd.s32 $0x2400, s0;
	s13 =	sadd.s32 $0xC200, s0;
	s10 =	smul.u32 $0x13C00, s11  }
0x7: {  	s7 =	sadd.s32 $0x20000, s0;
	s14 =	smul.u32 $0x2710, s11;
	p0 =	seq.s32 s11, $0xF  }
0x8: {  	s4 =	sshll.u32 s2, $0x4;
	_ =	strace $0x8000004A;
	[dreg:$0x5] =	wrdreg s7  }
0x9: {  	s19 =	ssub.s32 $0x2, s2;
	s25 =	smul.u32 $0x138800, s2;
	[dreg:$0x4] =	wrdreg s13  }
0xa: {  	s2 =	smul.u32 $0x27100, s2;
	[dreg:$0x3] =	wrdreg s12;
	s5 =	sor.u32 s11, s4  }
0xb: {  	s4 =	sadd.s32 $0x22800, s0;
	s0 =	sadd.s32 $0x49A00, s0;
	s8 =	sshrl.u32 s19, $0x1  }
0xc: {  	s6 =	sshrl.u32 s6, $0x2;
	s11 =	simm.s32 $0x380;
	s5 =	smul.u32 $0x2710, s5  }
0xd: {  	s7 =	ssub.s32 s19, s8;
	s6 =	sadd.s32 s6, s1;
	s16 =	sadd.s32 s10, s25  }
0xe: {  	s8 =	sshrl.u32 s25, $0x3;
	s2 =	sadd.s32 s14, s2;
	s10 =	simm.s32 $0x180  }
0xf: {  	s14 =	simm.s32 $0x400;
	[dreg:$0x6] =	wrdreg s6;
	s17 =	sadd.s32 $0x230, s2  }
0x10: {  	s18 =	smax.u32 s7, $0x1;
	s7 =	simm.s32 $0x8;
	s5 =	sshrl.u32 s5, $0x3  }
0x11: {  	[dreg:$0x13] =	wrdreg s18;
	s19 =	sshrl.u32 s17, $0x3;
	s21 =	sadd.s32 s12, s5  }
0x12: {  	s20 =	sadd.s32 $0xA, s5;
	s22 =	sadd.s32 s13, s5;
	[dreg:$0x7] =	wrdreg s21  }
0x13: {  	s17 =	simm.s32 $0x3;
	[dreg:$0x8] =	wrdreg s22;
	s23 =	sadd.s32 s12, s20  }
0x14: {  	s24 =	sadd.s32 $0x14, s5;
	s6 =	sadd.s32 s13, s20;
	[dreg:$0x9] =	wrdreg s23  }
0x15: {  	s26 =	sadd.s32 $0x1E, s5;
	s9 =	sadd.s32 s12, s24;
	[dreg:$0xa] =	wrdreg s6  }
0x16: {  	s5 =	sadd.s32 $0x4D8, s5;
	s28 =	sadd.s32 s12, s26;
	[dreg:$0xb] =	wrdreg s9  }
0x17: {  	s18 =	simm.s32 $0x5400;
	s15 =	sadd.s32 s12, s5;
	[dreg:$0xd] =	wrdreg s28  }
0x18: {  	s5 =	sadd.s32 s13, s5;
	s20 =	sadd.s32 $0x1E0, s2;
	[dreg:$0xf] =	wrdreg s15  }
0x19: {  	s6 =	sadd.s32 s13, s24;
	s9 =	sadd.s32 s13, s26;
	[dreg:$0x10] =	wrdreg s5  }
0x1a: {  	s5 =	sshrl.u32 s16, $0x3;
	s21 =	sshrl.u32 s20, $0x3;
	s26 =	sadd.s32 $0x140, s2  }
0x1b: {  	s28 =	sadd.s32 $0x128400, s1;
	s15 =	simm.s32 $0x2;
	[dreg:$0xc] =	wrdreg s6  }
0x1c: {  	s16 =	simm.s32 $0x2C00;
	s20 =	simm.s32 $0x7C00;
	[dreg:$0xe] =	wrdreg s9  }
0x1d: {  	s5 =	sadd.s32 s0, s5;
	s0 =	sadd.s32 s0, s8;
	[dreg:$0x1a] =	wrdreg s26  }
0x1e: {  	s6 =	sadd.s32 $0x190, s2;
	s23 =	sadd.s32 s21, s13;
	[dreg:$0x1b] =	wrdreg s28  }
0x1f: {  	s2 =	simm.s32 $0x280;
	s8 =	simm.s32 $0x100;
	[dreg:$0x11] =	wrdreg s5  }
0x20: {  	s9 =	simm.s32 $0x300;
	s0 =	sadd.s32 $0x25080, s0;
	[dreg:$0x16] =	wrdreg s23  }
0x21: {  	s5 =	sadd.s32 s19, s13;
	s22 =	sshrl.u32 s6, $0x3;
	[dreg:$0x12] =	wrdreg s0  }
0x22: {  	s6 =	simm.s32 $0xA;
	s23 =	simm.s32 $0xC;
	[dreg:$0x14] =	wrdreg s5  }
0x23: {  	s0 =	sadd.s32 s19, s12;
	s24 =	sadd.s32 s22, s13;
	s25 =	sadd.s32 s22, s12  }
.Ltmp0:
0x24: {  	s13 =	simm.s32 $0x50;
	[dreg:$0x15] =	wrdreg s0;
	(pc) =	sbr.rel .LBB2_1-.Ltmp0, $4  }
0x25: {  	s19 =	simm.s32 $0x4;
	s5 =	simm.s32 $0x9;
	[dreg:$0x18] =	wrdreg s24  }
0x26: {  	s22 =	simm.s32 $0xB;
	s0 =	sadd.s32 s21, s12;
	[dreg:$0x19] =	wrdreg s25  }
0x27: {  	s12 =	simm.s32 $0x1;
	s24 =	simm.s32 $0x0;
	[dreg:$0x17] =	wrdreg s0  }
0x28: {  	s21 =	simm.s32 $0x5;
	s0 =	simm.s32 $0x80;
	[dreg:$0x1c] =	wrdreg s24  }
.LBB2_3:
0x29: {  	_ =	swait.ge [sflag:s6], $0x2800  }
0x2a: {  	[sflag:s6] =	ssyncset.done $0x0  }
0x2b: {  	[sflag:s6] =	ssyncadd.s32 $0xFFFFD800  }
0x2c: {  	_ =	swait.ge [sflag:s22], $0x2800  }
0x2d: {  	[sflag:s22] =	ssyncset.done $0x0  }
0x2e: {  	[sflag:s22] =	ssyncadd.s32 $0xFFFFD800  }
0x2f: {  	_ =	swait.ge [sflag:s23], $0x2800  }
0x30: {  	[sflag:s23] =	ssyncset.done $0x0  }
0x31: {  	[sflag:s23] =	ssyncadd.s32 $0xFFFFD800  }
.LBB2_5:
0x32: {  	s24 =	rddreg [dreg:$0xf];
	s25 =	simm.s32 $0xD  }
0x33: {  	[tilespmem:s3], [sflag:$0xD] =	stream.linear.gather [hbm4b:s24+s3], $0x50, $0x38;
	[tilespmem:$0x1DC80] =	vst v63  }
0x34: {  	_ =	swait.ge [sflag:s25], $0x50  }
0x35: {  	[sflag:s25] =	ssyncset.done $0x0  }
0x36: {  	s28 =	rddreg [dreg:$0x10];
	[sflag:s25] =	ssyncadd.s32 $0xFFFFFFB0  }
0x37: {  	[tilespmem:s31], [sflag:$0xD] =	stream.linear.gather [hbm4b:s28+s3], $0x50, $0x38;
	[tilespmem:$0x1DC80] =	vst v63  }
0x38: {  	_ =	swait.ge [sflag:s25], $0x50  }
0x39: {  	[sflag:s25] =	ssyncset.done $0x0  }
0x3a: {  	[sflag:s25] =	ssyncadd.s32 $0xFFFFFFB0  }
0x3b: {  	[tilespmem:s14], [sflag:$0x5] =	stream.indirect.gather [hbm4b:s4+s13], $0x80, s3, s13, $0xb8;
	[tilespmem:$0x1DC80] =	vst v63  }
0x3c: {  	_ =	swait.ge [sflag:s21], $0x2800  }
0x3d: {  	[sflag:s21] =	ssyncset.done $0x0  }
0x3e: {  	[sflag:s21] =	ssyncadd.s32 $0xFFFFD800  }
0x3f: {  	[spmem:s1] =	stream.indirect.scatter.add.f32 [tilespmem:s14], [sflag:$0xD], $0x80, s31, s13, $0xb8;
	[tilespmem:$0x1DC80] =	vst v63  }
0x40: {  	_ =	swait.ge [sflag:s25], $0x2800  }
0x41: {  	[sflag:s25] =	ssyncset.done $0x0  }
0x42: {  	[sflag:s25] =	ssyncadd.s32 $0xFFFFD800  }
0x43: {  	[bflag:$0x0] =	sbarrier.arrive $0xFFFF  }
0x44: {  	s25 =	rddreg [dreg:$0x12]  }
0x45: {  	s24 =	simm.s32 @p0 $0x1FCD;
	s26 =	rddreg [dreg:$0x1d]  }
0x46: {  	[hbm:s25], [sflag:s24] =	dma.local @p0 [spmem:s26], $0x2080  }
0x47: {  	s24 =	simm.s32 @p0 $0xD  }
0x48: {  	_ =	swait.ge @p0 [sflag:s24], $0x2080  }
0x49: {  	s25 =	rddreg [dreg:$0x1e]  }
0x4a: {  	[sflag:s24] =	ssyncset.done @p0 $0x0;
	s26 =	rddreg [dreg:$0x1f]  }
0x4b: {  	[sflag:s24] =	ssyncadd.s32 @p0 $0xFFFFDF80;
	s24 =	rddreg [dreg:$0x11]  }
0x4c: {  	[hbm:s24], [sflag:s25] =	dma.local @!p0 [spmem:s26], $0x2780  }
0x4d: {  	s24 =	simm.s32 @!p0 $0xD  }
0x4e: {  	_ =	swait.ge @!p0 [sflag:s24], $0x2780  }
0x4f: {  	s25 =	rddreg [dreg:$0x1c]  }
0x50: {  	s28 =	rddreg [dreg:$0x13];
	s26 =	sadd.s32 $0x1, s25  }
0x51: {  	p1 =	sne.s32 s26, s28  }
.Ltmp1:
0x52: {  	_ = 	snop;
	(pc) =	sbr.rel @!p1 .LBB2_6-.Ltmp1, $3  }
0x53: {  	_ =	sdelay $0x1  }
0x54: {  	[sflag:s24] =	ssyncset.done @!p0 $0x0  }
0x55: {  	[sflag:s24] =	ssyncadd.s32 @!p0 $0xFFFFD880;
	[dreg:$0x1c] =	wrdreg s26  }
.LBB2_1:
0x56: {  	s24 =	rddreg [dreg:$0x1b]  }
0x57: {  	s26 =	rddreg [dreg:$0x5];
	s25 =	sshrl.u32 @p0 s24, $0x3  }
0x58: {  	s24 =	simm.s32 @p0 $0x1FCD;
	[dreg:$0x1d] =	wrdreg s25  }
0x59: {  	[spmem:s25], [sflag:s24] =	dma.local @p0 [hbm:s26], $0x2080  }
0x5a: {  	s24 =	simm.s32 @p0 $0xD  }
0x5b: {  	s25 =	stileid.u32;
	_ =	swait.ge @p0 [sflag:s24], $0x2080  }
0x5c: {  	s25 =	sshll.u32 @!p0 s25, $0x6;
	[sflag:s24] =	ssyncset.done @p0 $0x0  }
0x5d: {  	s25 =	sor.u32 @!p0 $0x1C0D, s25;
	[sflag:s24] =	ssyncadd.s32 @p0 $0xFFFFDF80;
	s24 =	rddreg [dreg:$0x6]  }
0x5e: {  	[dreg:$0x1e] =	wrdreg s25;
	s24 =	sshrl.u32 @!p0 s24, $0x3  }
0x5f: {  	[dreg:$0x1f] =	wrdreg s24  }
0x60: {  	[spmem:s24], [sflag:s25] =	dma.local @!p0 [hbm:s26], $0x2780  }
0x61: {  	s24 =	simm.s32 @!p0 $0xD  }
0x62: {  	_ =	swait.ge @!p0 [sflag:s24], $0x2780  }
0x63: {  	[sflag:s24] =	ssyncset.done @!p0 $0x0  }
0x64: {  	[sflag:s24] =	ssyncadd.s32 @!p0 $0xFFFFD880  }
0x65: {  	[bflag:$0x0] =	sbarrier.arrive $0xFFFF  }
0x66: {  	s26 =	rddreg [dreg:$0x7]  }
0x67: {  	[tilespmem:s3], [sflag:$0x1] =	stream.linear.gather [hbm4b:s26+s3], $0x50, $0x38;
	[tilespmem:$0x1DC80] =	vst v63  }
0x68: {  	s28 =	rddreg [dreg:$0x8]  }
0x69: {  	[tilespmem:s31], [sflag:$0x1] =	stream.linear.gather [hbm4b:s28+s3], $0x50, $0x38;
	[tilespmem:$0x1DC80] =	vst v63  }
0x6a: {  	s25 =	rddreg [dreg:$0x9]  }
0x6b: {  	[tilespmem:s0], [sflag:$0x2] =	stream.linear.gather [hbm4b:s25+s3], $0x50, $0x38;
	[tilespmem:$0x1DC80] =	vst v63  }
0x6c: {  	s26 =	rddreg [dreg:$0xa]  }
0x6d: {  	[tilespmem:s2], [sflag:$0x2] =	stream.linear.gather [hbm4b:s26+s3], $0x50, $0x38;
	[tilespmem:$0x1DC80] =	vst v63  }
0x6e: {  	s28 =	rddreg [dreg:$0xb]  }
0x6f: {  	[tilespmem:s8], [sflag:$0x3] =	stream.linear.gather [hbm4b:s28+s3], $0x50, $0x38;
	[tilespmem:$0x1DC80] =	vst v63  }
0x70: {  	s25 =	rddreg [dreg:$0xc]  }
0x71: {  	[tilespmem:s9], [sflag:$0x3] =	stream.linear.gather [hbm4b:s25+s3], $0x50, $0x38;
	[tilespmem:$0x1DC80] =	vst v63  }
0x72: {  	s26 =	rddreg [dreg:$0xd]  }
0x73: {  	[tilespmem:s10], [sflag:$0x4] =	stream.linear.gather [hbm4b:s26+s3], $0x50, $0x38;
	[tilespmem:$0x1DC80] =	vst v63  }
0x74: {  	s28 =	rddreg [dreg:$0xe]  }
0x75: {  	[tilespmem:s11], [sflag:$0x4] =	stream.linear.gather [hbm4b:s28+s3], $0x50, $0x38;
	[tilespmem:$0x1DC80] =	vst v63  }
0x76: {  	_ =	swait.ge [sflag:s12], $0x50  }
0x77: {  	[sflag:s12] =	ssyncset.done $0x0  }
0x78: {  	[sflag:s12] =	ssyncadd.s32 $0xFFFFFFB0  }
0x79: {  	_ =	swait.ge [sflag:s12], $0x50  }
0x7a: {  	[sflag:s12] =	ssyncset.done $0x0  }
0x7b: {  	[sflag:s12] =	ssyncadd.s32 $0xFFFFFFB0  }
0x7c: {  	[tilespmem:s14], [sflag:$0x5] =	stream.indirect.gather [hbm4b:s4+s13], $0x80, s3, s13, $0xb8;
	[tilespmem:$0x1DC80] =	vst v63  }
0x7d: {  	_ =	swait.ge [sflag:s15], $0x50  }
0x7e: {  	[sflag:s15] =	ssyncset.done $0x0  }
0x7f: {  	[sflag:s15] =	ssyncadd.s32 $0xFFFFFFB0  }
0x80: {  	_ =	swait.ge [sflag:s15], $0x50  }
0x81: {  	[sflag:s15] =	ssyncset.done $0x0  }
0x82: {  	[sflag:s15] =	ssyncadd.s32 $0xFFFFFFB0  }
0x83: {  	[tilespmem:s16], [sflag:$0x6] =	stream.indirect.gather [hbm4b:s4+s13], $0x80, s0, s13, $0xb8;
	[tilespmem:$0x1DC80] =	vst v63  }
0x84: {  	_ =	swait.ge [sflag:s17], $0x50  }
0x85: {  	[sflag:s17] =	ssyncset.done $0x0  }
0x86: {  	[sflag:s17] =	ssyncadd.s32 $0xFFFFFFB0  }
0x87: {  	_ =	swait.ge [sflag:s17], $0x50  }
0x88: {  	[sflag:s17] =	ssyncset.done $0x0  }
0x89: {  	[sflag:s17] =	ssyncadd.s32 $0xFFFFFFB0  }
0x8a: {  	[tilespmem:s18], [sflag:$0x7] =	stream.indirect.gather [hbm4b:s4+s13], $0x80, s8, s13, $0xb8;
	[tilespmem:$0x1DC80] =	vst v63  }
0x8b: {  	_ =	swait.ge [sflag:s19], $0x50  }
0x8c: {  	[sflag:s19] =	ssyncset.done $0x0  }
0x8d: {  	[sflag:s19] =	ssyncadd.s32 $0xFFFFFFB0  }
0x8e: {  	_ =	swait.ge [sflag:s19], $0x50  }
0x8f: {  	[sflag:s19] =	ssyncset.done $0x0  }
0x90: {  	s25 =	simm.s32 $0x0;
	s24 =	rddreg [dreg:$0x1a];
	[sflag:s19] =	ssyncadd.s32 $0xFFFFFFB0  }
0x91: {  	[tilespmem:s20], [sflag:$0x8] =	stream.indirect.gather [hbm4b:s4+s13], $0x80, s10, s13, $0xb8;
	[tilespmem:$0x1DC80] =	vst v63  }
.LBB2_2:
0x92: {  	_ =	swait.ge [sflag:s21], $0x2800  }
0x93: {  	[sflag:s21] =	ssyncset.done $0x0  }
0x94: {  	[sflag:s21] =	ssyncadd.s32 $0xFFFFD800  }
0x95: {  	[spmem:s1] =	stream.indirect.scatter.add.f32 [tilespmem:s14], [sflag:$0x9], $0x80, s31, s13, $0xb8;
	[tilespmem:$0x1DC80] =	vst v63  }
0x96: {  	_ =	swait.ge [sflag:s30], $0x2800  }
0x97: {  	[sflag:s30] =	ssyncset.done $0x0  }
0x98: {  	[sflag:s30] =	ssyncadd.s32 $0xFFFFD800  }
0x99: {  	[spmem:s1] =	stream.indirect.scatter.add.f32 [tilespmem:s16], [sflag:$0xA], $0x80, s2, s13, $0xb8;
	[tilespmem:$0x1DC80] =	vst v63  }
0x9a: {  	_ =	swait.ge [sflag:s29], $0x2800  }
0x9b: {  	[sflag:s29] =	ssyncset.done $0x0  }
0x9c: {  	[sflag:s29] =	ssyncadd.s32 $0xFFFFD800  }
0x9d: {  	[spmem:s1] =	stream.indirect.scatter.add.f32 [tilespmem:s18], [sflag:$0xB], $0x80, s9, s13, $0xb8;
	[tilespmem:$0x1DC80] =	vst v63  }
0x9e: {  	_ =	swait.ge [sflag:s7], $0x2800  }
0x9f: {  	p1 =	sne.s32 s25, $0x4B0;
	[sflag:s7] =	ssyncset.done $0x0  }
.Ltmp2:
0xa0: {  	[sflag:s7] =	ssyncadd.s32 $0xFFFFD800;
	(pc) =	sbr.rel @!p1 .LBB2_3-.Ltmp2, $4  }
0xa1: {  	[spmem:s1] =	stream.indirect.scatter.add.f32 [tilespmem:s20], [sflag:$0xC], $0x80, s11, s13, $0xb8;
	[tilespmem:$0x1DC80] =	vst v63  }
0xa2: {  	_ =	swait.ge [sflag:s5], $0x2800  }
0xa3: {  	[sflag:s5] =	ssyncset.done $0x0  }
0xa4: {  	[sflag:s5] =	ssyncadd.s32 $0xFFFFD800  }
0xa5: {  	s26 =	sshrl.u32 s24, $0x3;
	s28 =	rddreg [dreg:$0x3]  }
0xa6: {  	s28 =	sadd.s32 s28, s26  }
0xa7: {  	[tilespmem:s3], [sflag:$0x1] =	stream.linear.gather [hbm4b:s28+s3], $0x50, $0x38;
	[tilespmem:$0x1DC80] =	vst v63  }
0xa8: {  	s28 =	rddreg [dreg:$0x4]  }
0xa9: {  	s26 =	sadd.s32 s28, s26  }
0xaa: {  	[tilespmem:s31], [sflag:$0x1] =	stream.linear.gather [hbm4b:s26+s3], $0x50, $0x38;
	[tilespmem:$0x1DC80] =	vst v63  }
0xab: {  	_ =	swait.ge [sflag:s12], $0x50  }
0xac: {  	[sflag:s12] =	ssyncset.done $0x0  }
0xad: {  	[sflag:s12] =	ssyncadd.s32 $0xFFFFFFB0  }
0xae: {  	_ =	swait.ge [sflag:s12], $0x50  }
0xaf: {  	[sflag:s12] =	ssyncset.done $0x0  }
0xb0: {  	[sflag:s12] =	ssyncadd.s32 $0xFFFFFFB0  }
0xb1: {  	[tilespmem:s14], [sflag:$0x5] =	stream.indirect.gather [hbm4b:s4+s13], $0x80, s3, s13, $0xb8;
	[tilespmem:$0x1DC80] =	vst v63  }
0xb2: {  	_ =	swait.ge [sflag:s6], $0x2800  }
0xb3: {  	[sflag:s6] =	ssyncset.done $0x0;
	s28 =	rddreg [dreg:$0x19]  }
0xb4: {  	[sflag:s6] =	ssyncadd.s32 $0xFFFFD800;
	s26 =	sadd.s32 s25, s28;
	s28 =	rddreg [dreg:$0x18]  }
0xb5: {  	[tilespmem:s0], [sflag:$0x2] =	stream.linear.gather [hbm4b:s26+s3], $0x50, $0x38;
	[tilespmem:$0x1DC80] =	vst v63  }
0xb6: {  	s26 =	sadd.s32 s25, s28  }
0xb7: {  	[tilespmem:s2], [sflag:$0x2] =	stream.linear.gather [hbm4b:s26+s3], $0x50, $0x38;
	[tilespmem:$0x1DC80] =	vst v63  }
0xb8: {  	_ =	swait.ge [sflag:s15], $0x50  }
0xb9: {  	[sflag:s15] =	ssyncset.done $0x0  }
0xba: {  	[sflag:s15] =	ssyncadd.s32 $0xFFFFFFB0  }
0xbb: {  	_ =	swait.ge [sflag:s15], $0x50  }
0xbc: {  	[sflag:s15] =	ssyncset.done $0x0  }
0xbd: {  	[sflag:s15] =	ssyncadd.s32 $0xFFFFFFB0  }
0xbe: {  	[tilespmem:s16], [sflag:$0x6] =	stream.indirect.gather [hbm4b:s4+s13], $0x80, s0, s13, $0xb8;
	[tilespmem:$0x1DC80] =	vst v63  }
0xbf: {  	_ =	swait.ge [sflag:s22], $0x2800  }
0xc0: {  	[sflag:s22] =	ssyncset.done $0x0;
	s28 =	rddreg [dreg:$0x17]  }
0xc1: {  	[sflag:s22] =	ssyncadd.s32 $0xFFFFD800;
	s26 =	sadd.s32 s25, s28;
	s28 =	rddreg [dreg:$0x16]  }
0xc2: {  	[tilespmem:s8], [sflag:$0x3] =	stream.linear.gather [hbm4b:s26+s3], $0x50, $0x38;
	[tilespmem:$0x1DC80] =	vst v63  }
0xc3: {  	s26 =	sadd.s32 s25, s28  }
0xc4: {  	[tilespmem:s9], [sflag:$0x3] =	stream.linear.gather [hbm4b:s26+s3], $0x50, $0x38;
	[tilespmem:$0x1DC80] =	vst v63  }
0xc5: {  	_ =	swait.ge [sflag:s17], $0x50  }
0xc6: {  	[sflag:s17] =	ssyncset.done $0x0  }
0xc7: {  	[sflag:s17] =	ssyncadd.s32 $0xFFFFFFB0  }
0xc8: {  	_ =	swait.ge [sflag:s17], $0x50  }
0xc9: {  	[sflag:s17] =	ssyncset.done $0x0  }
0xca: {  	[sflag:s17] =	ssyncadd.s32 $0xFFFFFFB0  }
0xcb: {  	[tilespmem:s18], [sflag:$0x7] =	stream.indirect.gather [hbm4b:s4+s13], $0x80, s8, s13, $0xb8;
	[tilespmem:$0x1DC80] =	vst v63  }
0xcc: {  	_ =	swait.ge [sflag:s23], $0x2800  }
0xcd: {  	[sflag:s23] =	ssyncset.done $0x0;
	s28 =	rddreg [dreg:$0x15]  }
0xce: {  	[sflag:s23] =	ssyncadd.s32 $0xFFFFD800;
	s26 =	sadd.s32 s25, s28;
	s28 =	rddreg [dreg:$0x14]  }
0xcf: {  	[tilespmem:s10], [sflag:$0x4] =	stream.linear.gather [hbm4b:s26+s3], $0x50, $0x38;
	[tilespmem:$0x1DC80] =	vst v63  }
0xd0: {  	s26 =	sadd.s32 s25, s28  }
0xd1: {  	[tilespmem:s11], [sflag:$0x4] =	stream.linear.gather [hbm4b:s26+s3], $0x50, $0x38;
	[tilespmem:$0x1DC80] =	vst v63  }
0xd2: {  	s25 =	sadd.s32 $0x28, s25;
	_ =	swait.ge [sflag:s19], $0x50  }
0xd3: {  	p1 =	sne.s32 s25, $0x4D8;
	[sflag:s19] =	ssyncset.done $0x0  }
.Ltmp3:
0xd4: {  	[sflag:s19] =	ssyncadd.s32 $0xFFFFFFB0;
	(pc) =	sbr.rel @p1 .LBB2_2-.Ltmp3, $4  }
.Ltmp4:
0xd5: {  	_ =	swait.ge [sflag:s19], $0x50;
	(pc) =	sbr.rel @!p1 .LBB2_5-.Ltmp4, $4  }
0xd6: {  	[sflag:s19] =	ssyncset.done $0x0  }
0xd7: {  	s24 =	sadd.s32 $0x140, s24;
	[sflag:s19] =	ssyncadd.s32 $0xFFFFFFB0  }
0xd8: {  	[tilespmem:s20], [sflag:$0x8] =	stream.indirect.gather [hbm4b:s4+s13], $0x80, s10, s13, $0xb8;
	[tilespmem:$0x1DC80] =	vst v63  }
0xd9: {  	_ = 	snop  }
.LBB2_6:
0xda: {  	_ =	sfence.sel $0x180000  }
0xdb: {  	[bflag:$0x0] =	sbarrier.arrive $0xFFFF  }
0xdc: {  	_ =	strace $0x9000004A  }
0xdd: {  	s0 =	stileid.u32;
	[bflag:$0x2] =	sbarrier.arrive $0xFFFF  }
0xde: {  	p0 =	sne.s32 s0, $0x0;
	s0 =	rddreg [dreg:$0x2]  }
0xdf: {  	s0 =	sadd.s32 @!p0 $0x100000, s0  }
0xe0: {  	[sflag:s0] =	ssyncadd.tile.s32 @!p0 $0x1;
	_ =	shalt  }
.Lfunc_end2:
_tile_overlayer_lowered:
.L_overlay_start_2:
0xe1: {  	(tag) =	ssettag $0x2  }
0xe2: {  	s0 =	rddreg [dreg:$0x0];
	s2 =	stileid.u32  }
0xe3: {  	s1 =	rddreg [dreg:$0x1];
	p0 =	sne.s32 s2, $0x0  }
0xe4: {  	s3 =	rddreg [dreg:$0x2];
	[bflag:$0x3] =	sbarrier.arrive $0xFFFF;
	s2 =	simm.s32 @!p0 $0x1C0D  }
0xe5: {  	[timem:s3], [sflag:s2] =	dma.local @!p0 [hbm:s0], s1  }
0xe6: {  	s0 =	simm.s32 @!p0 $0xD  }
0xe7: {  	_ =	swait.ge @!p0 [sflag:s0], s1  }
0xe8: {  	s1 =	ssub.s32 @!p0 $0x0, s1;
	[sflag:s0] =	ssyncset.done @!p0 $0x0  }
0xe9: {  	[sflag:s0] =	ssyncadd.s32 @!p0 s1  }
0xea: {  	[bflag:$0x3] =	sbarrier.arrive $0xFFFF  }
0xeb: {  	_ =	shalt  }

// kernel: kernel.14.cloned.1.call-start
scs
__scs_entry_jumppad:
0x0: {  	(pc) =	sbr.rel $0x88, $3  }
0x1: {  	(tag) =	ssettag $0x0;
	lr =	simm.s32 $0x1  }
0x2: {  	[smem:$0x3F99] =	sst lr;
	_ =	strace $0xD0000000  }
0x3: {  	_ = 	snop  }
0x4: {  	_ = 	snop  }
0x5: {  	_ = 	snop  }
0x6: {  	_ = 	snop  }
0x7: {  	_ = 	snop  }
__scs_overlays_trampoline_lowered:
0x8: {  	[smem:$0x3FA8] =	sst s0  }
0x9: {  	[smem:$0x3FA9] =	sst s1  }
0xa: {  	[smem:$0x3FAA] =	sst s2  }
0xb: {  	[smem:$0x3FAB] =	sst s3  }
0xc: {  	[smem:$0x3FAC] =	sst s4  }
0xd: {  	[smem:$0x3FAD] =	sst s5  }
0xe: {  	[smem:$0x3FAE] =	sst s6  }
0xf: {  	[smem:$0x3FAF] =	sst s7  }
0x10: {  	[smem:$0x3FB0] =	sst s8  }
0x11: {  	[smem:$0x3FB1] =	sst s9;
	s0 =	simm.s32 @!p0 $0x0  }
0x12: {  	s1 =	sld [smem:$0x3F97];
	s0 =	simm.s32 @p0 $0x1  }
0x13: {  	[smem:$0x3FB2] =	sst s0;
	s0 =	simm.s32 @!p1 $0x0  }
0x14: {  	s2 =	sld [smem:$0x3F96];
	s0 =	simm.s32 @p1 $0x1  }
0x15: {  	[smem:$0x3FB3] =	sst s0;
	s0 =	simm.s32 @!p2 $0x0  }
0x16: {  	s3 =	sld [smem:$0x3FDB];
	s0 =	simm.s32 @p2 $0x1  }
0x17: {  	s4 =	simm.s32 $0x1BF5;
	[smem:$0x3FB5] =	sst s0  }
0x18: {  	s0 =	sld [smem:$0x3F98];
	_ =	swait.ge [sflag:s4], $0x0  }
0x19: {  	s7 =	sld [smem:$0x3F99]  }
0x1a: {  	s8 =	sadd.s32 $0xFFFFE003, lr  }
0x1b: {  	s9 =	sadd.s32 $0xFFFFFEF7, lr;
	s5 =	simm.s32 $0xFFFFFFFF;
	p2 =	slt.u32 s8, $0xFFFFF086  }
0x1c: {  	p1 =	slt.u32 s9, $0xF7A;
	s5 =	simm.s32 @!p2 $0x0  }
0x1d: {  	s5 =	simm.s32 @p1 $0x1;
	p0 =	seq.s32 s7, s2  }
0x1e: {  	s7 =	smul.u32 @!p0 $0xF7A, s2;
	p2 =	seq.s32 @!p0 s5, $0x0  }
0x1f: {  	s9 =	smul.u32 $0xF7A, s1;
	s8 =	simm.s32 @!p0 $0x1BF5;
	p2 =	por !p2, p0  }
0x20: {  	[sflag:s8] =	ssyncset.s32 @!p0 $0xFFFFF086;
	s6 =	sadd.s32 @!p0 s3, s7;
	s7 =	simm.s32 @!p0 $0x108  }
0x21: {  	s3 =	sadd.s32 s3, s9;
	s6 =	sadd.s32 @!p0 $0x88, s6;
	s7 =	simm.s32 @p2 $0x1082  }
0x22: {  	[simem:s7], [sflag:s8] =	dma.local @!p0 [hbm:s6], $0xF7A  }
0x23: {  	s9 =	sor.u32 $0xD0000000, s2;
	s6 =	simm.s32 $0x108;
	_ =	swait.ge @!p0 [sflag:s8], $0x0  }
0x24: {  	s3 =	sadd.s32 $0x88, s3;
	s6 =	simm.s32 @!p1 $0x1082;
	[sflag:s4] =	ssyncset.s32 $0xFFFFF086  }
0x25: {  	[simem:s6], [sflag:s4] =	dma.local [hbm:s3], $0xF7A  }
0x26: {  	[smem:$0x3F99] =	sst s1;
	(tag) =	ssettag s2;
	_ =	strace s9  }
0x27: {  	s1 =	sld [smem:$0x3FA9]  }
0x28: {  	s2 =	sld [smem:$0x3FAA]  }
0x29: {  	s4 =	sld [smem:$0x3FAC]  }
0x2a: {  	p0 =	seq.s32 s5, $0x0;
	s5 =	sld [smem:$0x3FAD]  }
0x2b: {  	s6 =	sld [smem:$0x3FAE]  }
0x2c: {  	s7 =	sld [smem:$0x3FAF]  }
0x2d: {  	s3 =	simm.s32 $0x108;
	s8 =	sld [smem:$0x3FB0]  }
0x2e: {  	s3 =	simm.s32 @!p0 $0x1082;
	s9 =	sld [smem:$0x3FB1]  }
0x2f: {  	lr =	sadd.s32 s0, s3;
	s0 =	sld [smem:$0x3FA8]  }
0x30: {  	s3 =	sld [smem:$0x3FAB]  }
0x31: {  	[smem:$0x3FB4] =	sst s10  }
0x32: {  	s10 =	sld [smem:$0x3FB2];
	_ =	sdelay $0x3  }
0x33: {  	p0 =	seq.s32 s10, $0x1;
	s10 =	sld [smem:$0x3FB4];
	_ =	sdelay $0x3  }
0x34: {  	[smem:$0x3FB4] =	sst s10  }
0x35: {  	s10 =	sld [smem:$0x3FB3];
	_ =	sdelay $0x3  }
0x36: {  	p1 =	seq.s32 s10, $0x1;
	s10 =	sld [smem:$0x3FB4];
	_ =	sdelay $0x3  }
0x37: {  	[smem:$0x3FB4] =	sst s10  }
0x38: {  	s10 =	sld [smem:$0x3FB5]  }
0x39: {  	_ = 	snop;
	(pc) =	sbr.ind lr, $3  }
0x3a: {  	_ = 	snop  }
0x3b: {  	_ = 	snop  }
0x3c: {  	p2 =	seq.s32 s10, $0x1;
	s10 =	sld [smem:$0x3FB4]  }
0x3d: {  	_ =	shalt  }
0x3e: {  	_ =	shalt  }
0x3f: {  	_ =	shalt  }
0x40: {  	_ =	shalt  }
0x41: {  	_ =	shalt  }
0x42: {  	_ =	shalt  }
0x43: {  	_ =	shalt  }
0x44: {  	_ =	shalt  }
0x45: {  	_ =	shalt  }
0x46: {  	_ =	shalt  }
0x47: {  	_ =	shalt  }
0x48: {  	_ =	shalt  }
0x49: {  	_ =	shalt  }
0x4a: {  	_ =	shalt  }
0x4b: {  	_ =	shalt  }
0x4c: {  	_ =	shalt  }
0x4d: {  	_ =	shalt  }
0x4e: {  	_ =	shalt  }
0x4f: {  	_ =	shalt  }
0x50: {  	_ =	shalt  }
0x51: {  	_ =	shalt  }
0x52: {  	_ =	shalt  }
0x53: {  	_ =	shalt  }
0x54: {  	_ =	shalt  }
0x55: {  	_ =	shalt  }
0x56: {  	_ =	shalt  }
0x57: {  	_ =	shalt  }
0x58: {  	_ =	shalt  }
0x59: {  	_ =	shalt  }
0x5a: {  	_ =	shalt  }
0x5b: {  	_ =	shalt  }
0x5c: {  	_ =	shalt  }
0x5d: {  	_ =	shalt  }
0x5e: {  	_ =	shalt  }
0x5f: {  	_ =	shalt  }
0x60: {  	_ =	shalt  }
0x61: {  	_ =	shalt  }
0x62: {  	_ =	shalt  }
0x63: {  	_ =	shalt  }
0x64: {  	_ =	shalt  }
0x65: {  	_ =	shalt  }
0x66: {  	_ =	shalt  }
0x67: {  	_ =	shalt  }
0x68: {  	_ =	shalt  }
0x69: {  	_ =	shalt  }
0x6a: {  	_ =	shalt  }
0x6b: {  	_ =	shalt  }
0x6c: {  	_ =	shalt  }
0x6d: {  	_ =	shalt  }
0x6e: {  	_ =	shalt  }
0x6f: {  	_ =	shalt  }
0x70: {  	_ =	shalt  }
0x71: {  	_ =	shalt  }
0x72: {  	_ =	shalt  }
0x73: {  	_ =	shalt  }
0x74: {  	_ =	shalt  }
0x75: {  	_ =	shalt  }
0x76: {  	_ =	shalt  }
0x77: {  	_ =	shalt  }
0x78: {  	_ =	shalt  }
0x79: {  	_ =	shalt  }
0x7a: {  	_ =	shalt  }
0x7b: {  	_ =	shalt  }
0x7c: {  	_ =	shalt  }
0x7d: {  	_ =	shalt  }
0x7e: {  	_ =	shalt  }
0x7f: {  	_ =	shalt  }
0x80: {  	_ =	shalt  }
0x81: {  	_ =	shalt  }
0x82: {  	_ =	shalt  }
0x83: {  	_ =	shalt  }
0x84: {  	_ =	shalt  }
0x85: {  	_ =	shalt  }
0x86: {  	_ =	shalt  }
0x87: {  	_ =	shalt  }
.Lfunc_end0:
.L_simem_size_0:
called_computation.2_lowered:
.L_overlay_start_0:
0x88: {  	s2 =	sld [smem:$0x3FD9]  }
0x89: {  	s3 =	sld [smem:$0x3FFE];
	_ =	sdelay $0x1  }
0x8a: {  	s1 =	srdreg.scid  }
0x8b: {  	s0 =	sand.u32 $0x1, s1  }
0x8c: {  	s16 =	sshll.u32 s0, $0xA;
	s2 =	sadd.s32 s3, s2  }
0x8d: {  	s2 =	sadd.s32 s2, s16  }
0x8e: {  	[smem:$0x3FC0] =	sst s2  }
0x8f: {  	_ = 	snop  }
0x90: {  	(tm) =	ssettm $0x1  }
0x91: {  	s17 =	sld [smem:$0x3FFB];
	_ =	sdelay $0x3  }
0x92: {  	_ =	strace s17  }
0x93: {  	s2 =	sld [smem:$0x3FFC];
	_ =	sdelay $0x3  }
0x94: {  	_ =	strace s2  }
0x95: {  	s2 =	sld [smem:$0x3FFD];
	_ =	sdelay $0x3  }
0x96: {  	_ =	strace s2  }
0x97: {  	_ =	strace $0x8FFFFFFF  }
0x98: {  	s18 =	sld [smem:$0x3FDB];
	_ =	sdelay $0x1  }
0x99: {  	s19 =	simm.s32 $_scs_section_size  }
0x9a: {  	s4 =	simm.s32 $_size__tile_overlayer_lowered;
	s5 =	simm.s32 $_tile_overlayer_lowered  }
0x9b: {  	s22 =	simm.s32 $0x1BFF;
	s21 =	sshll.u32 s5, $0x1;
	s2 =	sadd.s32 s19, s18  }
0x9c: {  	s6 =	simm.s32 $0x0;
	s20 =	sshll.u32 s4, $0x1;
	s4 =	sadd.s32 s21, s2  }
0x9d: {  	[timem:s6], [sflag:s22] =	dma.local [hbm:s4], s20  }
0x9e: {  	_ =	swait.ge [sflag:s22], s20  }
0x9f: {  	s3 =	ssub.s32 $0x0, s20;
	[sflag:s22] =	ssyncset.done $0x0  }
0xa0: {  	[sflag:s22] =	ssyncadd.s32 s3;
	_ =	sdelay $0x1  }
0xa1: {  	s23 =	simm.s32 $0x1B8B  }
0xa2: {  	_ =	swait.ge [sflag:s23], $0x1  }
0xa3: {  	[sflag:s23] =	ssyncset.done $0x0  }
0xa4: {  	s25 =	simm.s32 $0x1B8E;
	s24 =	sld [smem:$0x3FFE];
	[sflag:s23] =	ssyncadd.s32 $0xFFFFFFFF  }
0xa5: {  	s26 =	simm.s32 $execute0_lowered;
	[smem:$0x3FD2] =	sst s25  }
0xa6: {  	s4 =	sshll.u32 s26, $0x1;
	_ =	strace $0x8000004C;
	[dreg:$0x1] =	wrdreg $0xFFFFFFFF  }
0xa7: {  	s28 =	simm.s32 $_size_execute0_lowered;
	s2 =	sadd.s32 s2, s4;
	[dreg:$0x0] =	wrdreg $0x0  }
0xa8: {  	s4 =	sshll.u32 s28, $0x1;
	[dreg:$0x2] =	wrdreg s2  }
0xa9: {  	[dreg:$0x3] =	wrdreg s4  }
0xaa: {  	[dreg:$0x4] =	wrdreg $0xC0  }
0xab: {  	_ =	task [dreg:s6], $0x5FFFF  }
0xac: {  	[dreg:$0x1] =	wrdreg $0xFFFFFFFF  }
0xad: {  	[dreg:$0x0] =	wrdreg $0x60  }
0xae: {  	[dreg:$0x2] =	wrdreg s24  }
0xaf: {  	[dreg:$0x3] =	wrdreg $0xA4000  }
0xb0: {  	[dreg:$0x4] =	wrdreg $0x9  }
0xb1: {  	_ =	task.clear_ibuf [dreg:s6], $0x5FFFF;
	_ =	strace $0x9000004C  }
0xb2: {  	s29 =	simm.s32 $0x9;
	_ =	strace $0x8000004E  }
0xb3: {  	_ =	swait.ge [sflag:s29], $0x1  }
0xb4: {  	[sflag:s29] =	ssyncadd.s32 $0xFFFFFFFF  }
0xb5: {  	_ =	strace $0x9000004E  }
0xb6: {  	_ =	sfence  }
0xb7: {  	s30 =	sld [smem:$0x0];
	_ =	sdelay $0x2  }
0xb8: {  	s31 =	sshll.u32 s1, $0xD;
	s1 =	sshrl.u32 s1, $0x2  }
0xb9: {  	s3 =	sand.u32 $0x4000, s31;
	s1 =	sadd.s32 s1, s30  }
0xba: {  	s0 =	sor.u32 s3, s0;
	s1 =	sshll.u32 s1, $0x11  }
0xbb: {  	s0 =	sor.u32 s1, s0  }
0xbc: {  	s0 =	sadd.s32 $0x8F2B, s0  }
0xbd: {  	[sflag:s0] =	ssyncadd.remote.s32 $0x1  }
0xbe: {  	_ =	sfence.sel $0xFFFF  }
0xbf: {  	[dreg:$0x0] =	wrdreg $0xFFFFFFFF;
	(pc) =	sbr.abs _section_cstart, $3  }
0xc0: {  	[dreg:$0x1] =	wrdreg $0xFFFFFFFF  }
0xc1: {  	_ =	task.clear_ibuf [dreg:s6], $0x2FFFF;
	_ =	strace $0x9FFFFFFF  }
0xc2: {  	(tm) =	ssettm $0x7FFFFFFF  }
0xc3: {  	_ =	shalt  }
tec
execute0_lowered:
.L_overlay_start_1:
0x0: {  	(tag) =	ssettag $0x1  }
0x1: {  	s0 =	rddreg [dreg:$0x0]  }
0x2: {  	s1 =	rddreg [dreg:$0x1]  }
0x3: {  	s2 =	srdreg.scid;
	s3 =	simm.s32 $0x0;
	s11 =	stileid.u32  }
0x4: {  	s31 =	simm.s32 $0x200;
	s30 =	simm.s32 $0x6;
	s29 =	simm.s32 $0x7  }
0x5: {  	s2 =	sand.u32 $0x1, s2;
	[smem:$0x7FF] =	sst s3;
	s6 =	smul.u32 $0x4F000, s11  }
0x6: {  	s12 =	sadd.s32 $0x2400, s0;
	s13 =	sadd.s32 $0xC200, s0;
	s10 =	smul.u32 $0x13C00, s11  }
0x7: {  	s7 =	sadd.s32 $0x20000, s0;
	s14 =	smul.u32 $0x2710, s11;
	p0 =	seq.s32 s11, $0xF  }
0x8: {  	s4 =	sshll.u32 s2, $0x4;
	_ =	strace $0x8000004D;
	[dreg:$0x5] =	wrdreg s7  }
0x9: {  	s19 =	ssub.s32 $0x2, s2;
	s25 =	smul.u32 $0x138800, s2;
	[dreg:$0x4] =	wrdreg s13  }
0xa: {  	s2 =	smul.u32 $0x27100, s2;
	[dreg:$0x3] =	wrdreg s12;
	s5 =	sor.u32 s11, s4  }
0xb: {  	s4 =	sadd.s32 $0x22800, s0;
	s0 =	sadd.s32 $0x49A00, s0;
	s8 =	sshrl.u32 s19, $0x1  }
0xc: {  	s6 =	sshrl.u32 s6, $0x2;
	s11 =	simm.s32 $0x380;
	s5 =	smul.u32 $0x2710, s5  }
0xd: {  	s7 =	ssub.s32 s19, s8;
	s6 =	sadd.s32 s6, s1;
	s16 =	sadd.s32 s10, s25  }
0xe: {  	s8 =	sshrl.u32 s25, $0x3;
	s2 =	sadd.s32 s14, s2;
	s10 =	simm.s32 $0x180  }
0xf: {  	s14 =	simm.s32 $0x400;
	[dreg:$0x6] =	wrdreg s6;
	s17 =	sadd.s32 $0x230, s2  }
0x10: {  	s18 =	smax.u32 s7, $0x1;
	s7 =	simm.s32 $0x8;
	s5 =	sshrl.u32 s5, $0x3  }
0x11: {  	[dreg:$0x13] =	wrdreg s18;
	s19 =	sshrl.u32 s17, $0x3;
	s21 =	sadd.s32 s12, s5  }
0x12: {  	s20 =	sadd.s32 $0xA, s5;
	s22 =	sadd.s32 s13, s5;
	[dreg:$0x7] =	wrdreg s21  }
0x13: {  	s17 =	simm.s32 $0x3;
	[dreg:$0x8] =	wrdreg s22;
	s23 =	sadd.s32 s12, s20  }
0x14: {  	s24 =	sadd.s32 $0x14, s5;
	s6 =	sadd.s32 s13, s20;
	[dreg:$0x9] =	wrdreg s23  }
0x15: {  	s26 =	sadd.s32 $0x1E, s5;
	s9 =	sadd.s32 s12, s24;
	[dreg:$0xa] =	wrdreg s6  }
0x16: {  	s5 =	sadd.s32 $0x4D8, s5;
	s28 =	sadd.s32 s12, s26;
	[dreg:$0xb] =	wrdreg s9  }
0x17: {  	s18 =	simm.s32 $0x5400;
	s15 =	sadd.s32 s12, s5;
	[dreg:$0xd] =	wrdreg s28  }
0x18: {  	s5 =	sadd.s32 s13, s5;
	s20 =	sadd.s32 $0x1E0, s2;
	[dreg:$0xf] =	wrdreg s15  }
0x19: {  	s6 =	sadd.s32 s13, s24;
	s9 =	sadd.s32 s13, s26;
	[dreg:$0x10] =	wrdreg s5  }
0x1a: {  	s5 =	sshrl.u32 s16, $0x3;
	s21 =	sshrl.u32 s20, $0x3;
	s26 =	sadd.s32 $0x140, s2  }
0x1b: {  	s28 =	sadd.s32 $0x128400, s1;
	s15 =	simm.s32 $0x2;
	[dreg:$0xc] =	wrdreg s6  }
0x1c: {  	s16 =	simm.s32 $0x2C00;
	s20 =	simm.s32 $0x7C00;
	[dreg:$0xe] =	wrdreg s9  }
0x1d: {  	s5 =	sadd.s32 s0, s5;
	s0 =	sadd.s32 s0, s8;
	[dreg:$0x1a] =	wrdreg s26  }
0x1e: {  	s6 =	sadd.s32 $0x190, s2;
	s23 =	sadd.s32 s21, s13;
	[dreg:$0x1b] =	wrdreg s28  }
0x1f: {  	s2 =	simm.s32 $0x280;
	s8 =	simm.s32 $0x100;
	[dreg:$0x11] =	wrdreg s5  }
0x20: {  	s9 =	simm.s32 $0x300;
	s0 =	sadd.s32 $0x25080, s0;
	[dreg:$0x16] =	wrdreg s23  }
0x21: {  	s5 =	sadd.s32 s19, s13;
	s22 =	sshrl.u32 s6, $0x3;
	[dreg:$0x12] =	wrdreg s0  }
0x22: {  	s6 =	simm.s32 $0xA;
	s23 =	simm.s32 $0xC;
	[dreg:$0x14] =	wrdreg s5  }
0x23: {  	s0 =	sadd.s32 s19, s12;
	s24 =	sadd.s32 s22, s13;
	s25 =	sadd.s32 s22, s12  }
.Ltmp0:
0x24: {  	s13 =	simm.s32 $0x50;
	[dreg:$0x15] =	wrdreg s0;
	(pc) =	sbr.rel .LBB2_1-.Ltmp0, $4  }
0x25: {  	s19 =	simm.s32 $0x4;
	s5 =	simm.s32 $0x9;
	[dreg:$0x18] =	wrdreg s24  }
0x26: {  	s22 =	simm.s32 $0xB;
	s0 =	sadd.s32 s21, s12;
	[dreg:$0x19] =	wrdreg s25  }
0x27: {  	s12 =	simm.s32 $0x1;
	s24 =	simm.s32 $0x0;
	[dreg:$0x17] =	wrdreg s0  }
0x28: {  	s21 =	simm.s32 $0x5;
	s0 =	simm.s32 $0x80;
	[dreg:$0x1c] =	wrdreg s24  }
.LBB2_3:
0x29: {  	_ =	swait.ge [sflag:s6], $0x2800  }
0x2a: {  	[sflag:s6] =	ssyncset.done $0x0  }
0x2b: {  	[sflag:s6] =	ssyncadd.s32 $0xFFFFD800  }
0x2c: {  	_ =	swait.ge [sflag:s22], $0x2800  }
0x2d: {  	[sflag:s22] =	ssyncset.done $0x0  }
0x2e: {  	[sflag:s22] =	ssyncadd.s32 $0xFFFFD800  }
0x2f: {  	_ =	swait.ge [sflag:s23], $0x2800  }
0x30: {  	[sflag:s23] =	ssyncset.done $0x0  }
0x31: {  	[sflag:s23] =	ssyncadd.s32 $0xFFFFD800  }
.LBB2_5:
0x32: {  	s24 =	rddreg [dreg:$0xf];
	s25 =	simm.s32 $0xD  }
0x33: {  	[tilespmem:s3], [sflag:$0xD] =	stream.linear.gather [hbm4b:s24+s3], $0x50, $0x38;
	[tilespmem:$0x1DC80] =	vst v63  }
0x34: {  	_ =	swait.ge [sflag:s25], $0x50  }
0x35: {  	[sflag:s25] =	ssyncset.done $0x0  }
0x36: {  	s28 =	rddreg [dreg:$0x10];
	[sflag:s25] =	ssyncadd.s32 $0xFFFFFFB0  }
0x37: {  	[tilespmem:s31], [sflag:$0xD] =	stream.linear.gather [hbm4b:s28+s3], $0x50, $0x38;
	[tilespmem:$0x1DC80] =	vst v63  }
0x38: {  	_ =	swait.ge [sflag:s25], $0x50  }
0x39: {  	[sflag:s25] =	ssyncset.done $0x0  }
0x3a: {  	[sflag:s25] =	ssyncadd.s32 $0xFFFFFFB0  }
0x3b: {  	[tilespmem:s14], [sflag:$0x5] =	stream.indirect.gather [hbm4b:s4+s13], $0x80, s3, s13, $0xb8;
	[tilespmem:$0x1DC80] =	vst v63  }
0x3c: {  	_ =	swait.ge [sflag:s21], $0x2800  }
0x3d: {  	[sflag:s21] =	ssyncset.done $0x0  }
0x3e: {  	[sflag:s21] =	ssyncadd.s32 $0xFFFFD800  }
0x3f: {  	[spmem:s1] =	stream.indirect.scatter.add.f32 [tilespmem:s14], [sflag:$0xD], $0x80, s31, s13, $0xb8;
	[tilespmem:$0x1DC80] =	vst v63  }
0x40: {  	_ =	swait.ge [sflag:s25], $0x2800  }
0x41: {  	[sflag:s25] =	ssyncset.done $0x0  }
0x42: {  	[sflag:s25] =	ssyncadd.s32 $0xFFFFD800  }
0x43: {  	[bflag:$0x0] =	sbarrier.arrive $0xFFFF  }
0x44: {  	s25 =	rddreg [dreg:$0x12]  }
0x45: {  	s24 =	simm.s32 @p0 $0x1FCD;
	s26 =	rddreg [dreg:$0x1d]  }
0x46: {  	[hbm:s25], [sflag:s24] =	dma.local @p0 [spmem:s26], $0x2080  }
0x47: {  	s24 =	simm.s32 @p0 $0xD  }
0x48: {  	_ =	swait.ge @p0 [sflag:s24], $0x2080  }
0x49: {  	s25 =	rddreg [dreg:$0x1e]  }
0x4a: {  	[sflag:s24] =	ssyncset.done @p0 $0x0;
	s26 =	rddreg [dreg:$0x1f]  }
0x4b: {  	[sflag:s24] =	ssyncadd.s32 @p0 $0xFFFFDF80;
	s24 =	rddreg [dreg:$0x11]  }
0x4c: {  	[hbm:s24], [sflag:s25] =	dma.local @!p0 [spmem:s26], $0x2780  }
0x4d: {  	s24 =	simm.s32 @!p0 $0xD  }
0x4e: {  	_ =	swait.ge @!p0 [sflag:s24], $0x2780  }
0x4f: {  	s25 =	rddreg [dreg:$0x1c]  }
0x50: {  	s28 =	rddreg [dreg:$0x13];
	s26 =	sadd.s32 $0x1, s25  }
0x51: {  	p1 =	sne.s32 s26, s28  }
.Ltmp1:
0x52: {  	_ = 	snop;
	(pc) =	sbr.rel @!p1 .LBB2_6-.Ltmp1, $3  }
0x53: {  	_ =	sdelay $0x1  }
0x54: {  	[sflag:s24] =	ssyncset.done @!p0 $0x0  }
0x55: {  	[sflag:s24] =	ssyncadd.s32 @!p0 $0xFFFFD880;
	[dreg:$0x1c] =	wrdreg s26  }
.LBB2_1:
0x56: {  	s24 =	rddreg [dreg:$0x1b]  }
0x57: {  	s26 =	rddreg [dreg:$0x5];
	s25 =	sshrl.u32 @p0 s24, $0x3  }
0x58: {  	s24 =	simm.s32 @p0 $0x1FCD;
	[dreg:$0x1d] =	wrdreg s25  }
0x59: {  	[spmem:s25], [sflag:s24] =	dma.local @p0 [hbm:s26], $0x2080  }
0x5a: {  	s24 =	simm.s32 @p0 $0xD  }
0x5b: {  	s25 =	stileid.u32;
	_ =	swait.ge @p0 [sflag:s24], $0x2080  }
0x5c: {  	s25 =	sshll.u32 @!p0 s25, $0x6;
	[sflag:s24] =	ssyncset.done @p0 $0x0  }
0x5d: {  	s25 =	sor.u32 @!p0 $0x1C0D, s25;
	[sflag:s24] =	ssyncadd.s32 @p0 $0xFFFFDF80;
	s24 =	rddreg [dreg:$0x6]  }
0x5e: {  	[dreg:$0x1e] =	wrdreg s25;
	s24 =	sshrl.u32 @!p0 s24, $0x3  }
0x5f: {  	[dreg:$0x1f] =	wrdreg s24  }
0x60: {  	[spmem:s24], [sflag:s25] =	dma.local @!p0 [hbm:s26], $0x2780  }
0x61: {  	s24 =	simm.s32 @!p0 $0xD  }
0x62: {  	_ =	swait.ge @!p0 [sflag:s24], $0x2780  }
0x63: {  	[sflag:s24] =	ssyncset.done @!p0 $0x0  }
0x64: {  	[sflag:s24] =	ssyncadd.s32 @!p0 $0xFFFFD880  }
0x65: {  	[bflag:$0x0] =	sbarrier.arrive $0xFFFF  }
0x66: {  	s26 =	rddreg [dreg:$0x7]  }
0x67: {  	[tilespmem:s3], [sflag:$0x1] =	stream.linear.gather [hbm4b:s26+s3], $0x50, $0x38;
	[tilespmem:$0x1DC80] =	vst v63  }
0x68: {  	s28 =	rddreg [dreg:$0x8]  }
0x69: {  	[tilespmem:s31], [sflag:$0x1] =	stream.linear.gather [hbm4b:s28+s3], $0x50, $0x38;
	[tilespmem:$0x1DC80] =	vst v63  }
0x6a: {  	s25 =	rddreg [dreg:$0x9]  }
0x6b: {  	[tilespmem:s0], [sflag:$0x2] =	stream.linear.gather [hbm4b:s25+s3], $0x50, $0x38;
	[tilespmem:$0x1DC80] =	vst v63  }
0x6c: {  	s26 =	rddreg [dreg:$0xa]  }
0x6d: {  	[tilespmem:s2], [sflag:$0x2] =	stream.linear.gather [hbm4b:s26+s3], $0x50, $0x38;
	[tilespmem:$0x1DC80] =	vst v63  }
0x6e: {  	s28 =	rddreg [dreg:$0xb]  }
0x6f: {  	[tilespmem:s8], [sflag:$0x3] =	stream.linear.gather [hbm4b:s28+s3], $0x50, $0x38;
	[tilespmem:$0x1DC80] =	vst v63  }
0x70: {  	s25 =	rddreg [dreg:$0xc]  }
0x71: {  	[tilespmem:s9], [sflag:$0x3] =	stream.linear.gather [hbm4b:s25+s3], $0x50, $0x38;
	[tilespmem:$0x1DC80] =	vst v63  }
0x72: {  	s26 =	rddreg [dreg:$0xd]  }
0x73: {  	[tilespmem:s10], [sflag:$0x4] =	stream.linear.gather [hbm4b:s26+s3], $0x50, $0x38;
	[tilespmem:$0x1DC80] =	vst v63  }
0x74: {  	s28 =	rddreg [dreg:$0xe]  }
0x75: {  	[tilespmem:s11], [sflag:$0x4] =	stream.linear.gather [hbm4b:s28+s3], $0x50, $0x38;
	[tilespmem:$0x1DC80] =	vst v63  }
0x76: {  	_ =	swait.ge [sflag:s12], $0x50  }
0x77: {  	[sflag:s12] =	ssyncset.done $0x0  }
0x78: {  	[sflag:s12] =	ssyncadd.s32 $0xFFFFFFB0  }
0x79: {  	_ =	swait.ge [sflag:s12], $0x50  }
0x7a: {  	[sflag:s12] =	ssyncset.done $0x0  }
0x7b: {  	[sflag:s12] =	ssyncadd.s32 $0xFFFFFFB0  }
0x7c: {  	[tilespmem:s14], [sflag:$0x5] =	stream.indirect.gather [hbm4b:s4+s13], $0x80, s3, s13, $0xb8;
	[tilespmem:$0x1DC80] =	vst v63  }
0x7d: {  	_ =	swait.ge [sflag:s15], $0x50  }
0x7e: {  	[sflag:s15] =	ssyncset.done $0x0  }
0x7f: {  	[sflag:s15] =	ssyncadd.s32 $0xFFFFFFB0  }
0x80: {  	_ =	swait.ge [sflag:s15], $0x50  }
0x81: {  	[sflag:s15] =	ssyncset.done $0x0  }
0x82: {  	[sflag:s15] =	ssyncadd.s32 $0xFFFFFFB0  }
0x83: {  	[tilespmem:s16], [sflag:$0x6] =	stream.indirect.gather [hbm4b:s4+s13], $0x80, s0, s13, $0xb8;
	[tilespmem:$0x1DC80] =	vst v63  }
0x84: {  	_ =	swait.ge [sflag:s17], $0x50  }
0x85: {  	[sflag:s17] =	ssyncset.done $0x0  }
0x86: {  	[sflag:s17] =	ssyncadd.s32 $0xFFFFFFB0  }
0x87: {  	_ =	swait.ge [sflag:s17], $0x50  }
0x88: {  	[sflag:s17] =	ssyncset.done $0x0  }
0x89: {  	[sflag:s17] =	ssyncadd.s32 $0xFFFFFFB0  }
0x8a: {  	[tilespmem:s18], [sflag:$0x7] =	stream.indirect.gather [hbm4b:s4+s13], $0x80, s8, s13, $0xb8;
	[tilespmem:$0x1DC80] =	vst v63  }
0x8b: {  	_ =	swait.ge [sflag:s19], $0x50  }
0x8c: {  	[sflag:s19] =	ssyncset.done $0x0  }
0x8d: {  	[sflag:s19] =	ssyncadd.s32 $0xFFFFFFB0  }
0x8e: {  	_ =	swait.ge [sflag:s19], $0x50  }
0x8f: {  	[sflag:s19] =	ssyncset.done $0x0  }
0x90: {  	s25 =	simm.s32 $0x0;
	s24 =	rddreg [dreg:$0x1a];
	[sflag:s19] =	ssyncadd.s32 $0xFFFFFFB0  }
0x91: {  	[tilespmem:s20], [sflag:$0x8] =	stream.indirect.gather [hbm4b:s4+s13], $0x80, s10, s13, $0xb8;
	[tilespmem:$0x1DC80] =	vst v63  }
.LBB2_2:
0x92: {  	_ =	swait.ge [sflag:s21], $0x2800  }
0x93: {  	[sflag:s21] =	ssyncset.done $0x0  }
0x94: {  	[sflag:s21] =	ssyncadd.s32 $0xFFFFD800  }
0x95: {  	[spmem:s1] =	stream.indirect.scatter.add.f32 [tilespmem:s14], [sflag:$0x9], $0x80, s31, s13, $0xb8;
	[tilespmem:$0x1DC80] =	vst v63  }
0x96: {  	_ =	swait.ge [sflag:s30], $0x2800  }
0x97: {  	[sflag:s30] =	ssyncset.done $0x0  }
0x98: {  	[sflag:s30] =	ssyncadd.s32 $0xFFFFD800  }
0x99: {  	[spmem:s1] =	stream.indirect.scatter.add.f32 [tilespmem:s16], [sflag:$0xA], $0x80, s2, s13, $0xb8;
	[tilespmem:$0x1DC80] =	vst v63  }
0x9a: {  	_ =	swait.ge [sflag:s29], $0x2800  }
0x9b: {  	[sflag:s29] =	ssyncset.done $0x0  }
0x9c: {  	[sflag:s29] =	ssyncadd.s32 $0xFFFFD800  }
0x9d: {  	[spmem:s1] =	stream.indirect.scatter.add.f32 [tilespmem:s18], [sflag:$0xB], $0x80, s9, s13, $0xb8;
	[tilespmem:$0x1DC80] =	vst v63  }
0x9e: {  	_ =	swait.ge [sflag:s7], $0x2800  }
0x9f: {  	p1 =	sne.s32 s25, $0x4B0;
	[sflag:s7] =	ssyncset.done $0x0  }
.Ltmp2:
0xa0: {  	[sflag:s7] =	ssyncadd.s32 $0xFFFFD800;
	(pc) =	sbr.rel @!p1 .LBB2_3-.Ltmp2, $4  }
0xa1: {  	[spmem:s1] =	stream.indirect.scatter.add.f32 [tilespmem:s20], [sflag:$0xC], $0x80, s11, s13, $0xb8;
	[tilespmem:$0x1DC80] =	vst v63  }
0xa2: {  	_ =	swait.ge [sflag:s5], $0x2800  }
0xa3: {  	[sflag:s5] =	ssyncset.done $0x0  }
0xa4: {  	[sflag:s5] =	ssyncadd.s32 $0xFFFFD800  }
0xa5: {  	s26 =	sshrl.u32 s24, $0x3;
	s28 =	rddreg [dreg:$0x3]  }
0xa6: {  	s28 =	sadd.s32 s28, s26  }
0xa7: {  	[tilespmem:s3], [sflag:$0x1] =	stream.linear.gather [hbm4b:s28+s3], $0x50, $0x38;
	[tilespmem:$0x1DC80] =	vst v63  }
0xa8: {  	s28 =	rddreg [dreg:$0x4]  }
0xa9: {  	s26 =	sadd.s32 s28, s26  }
0xaa: {  	[tilespmem:s31], [sflag:$0x1] =	stream.linear.gather [hbm4b:s26+s3], $0x50, $0x38;
	[tilespmem:$0x1DC80] =	vst v63  }
0xab: {  	_ =	swait.ge [sflag:s12], $0x50  }
0xac: {  	[sflag:s12] =	ssyncset.done $0x0  }
0xad: {  	[sflag:s12] =	ssyncadd.s32 $0xFFFFFFB0  }
0xae: {  	_ =	swait.ge [sflag:s12], $0x50  }
0xaf: {  	[sflag:s12] =	ssyncset.done $0x0  }
0xb0: {  	[sflag:s12] =	ssyncadd.s32 $0xFFFFFFB0  }
0xb1: {  	[tilespmem:s14], [sflag:$0x5] =	stream.indirect.gather [hbm4b:s4+s13], $0x80, s3, s13, $0xb8;
	[tilespmem:$0x1DC80] =	vst v63  }
0xb2: {  	_ =	swait.ge [sflag:s6], $0x2800  }
0xb3: {  	[sflag:s6] =	ssyncset.done $0x0;
	s28 =	rddreg [dreg:$0x19]  }
0xb4: {  	[sflag:s6] =	ssyncadd.s32 $0xFFFFD800;
	s26 =	sadd.s32 s25, s28;
	s28 =	rddreg [dreg:$0x18]  }
0xb5: {  	[tilespmem:s0], [sflag:$0x2] =	stream.linear.gather [hbm4b:s26+s3], $0x50, $0x38;
	[tilespmem:$0x1DC80] =	vst v63  }
0xb6: {  	s26 =	sadd.s32 s25, s28  }
0xb7: {  	[tilespmem:s2], [sflag:$0x2] =	stream.linear.gather [hbm4b:s26+s3], $0x50, $0x38;
	[tilespmem:$0x1DC80] =	vst v63  }
0xb8: {  	_ =	swait.ge [sflag:s15], $0x50  }
0xb9: {  	[sflag:s15] =	ssyncset.done $0x0  }
0xba: {  	[sflag:s15] =	ssyncadd.s32 $0xFFFFFFB0  }
0xbb: {  	_ =	swait.ge [sflag:s15], $0x50  }
0xbc: {  	[sflag:s15] =	ssyncset.done $0x0  }
0xbd: {  	[sflag:s15] =	ssyncadd.s32 $0xFFFFFFB0  }
0xbe: {  	[tilespmem:s16], [sflag:$0x6] =	stream.indirect.gather [hbm4b:s4+s13], $0x80, s0, s13, $0xb8;
	[tilespmem:$0x1DC80] =	vst v63  }
0xbf: {  	_ =	swait.ge [sflag:s22], $0x2800  }
0xc0: {  	[sflag:s22] =	ssyncset.done $0x0;
	s28 =	rddreg [dreg:$0x17]  }
0xc1: {  	[sflag:s22] =	ssyncadd.s32 $0xFFFFD800;
	s26 =	sadd.s32 s25, s28;
	s28 =	rddreg [dreg:$0x16]  }
0xc2: {  	[tilespmem:s8], [sflag:$0x3] =	stream.linear.gather [hbm4b:s26+s3], $0x50, $0x38;
	[tilespmem:$0x1DC80] =	vst v63  }
0xc3: {  	s26 =	sadd.s32 s25, s28  }
0xc4: {  	[tilespmem:s9], [sflag:$0x3] =	stream.linear.gather [hbm4b:s26+s3], $0x50, $0x38;
	[tilespmem:$0x1DC80] =	vst v63  }
0xc5: {  	_ =	swait.ge [sflag:s17], $0x50  }
0xc6: {  	[sflag:s17] =	ssyncset.done $0x0  }
0xc7: {  	[sflag:s17] =	ssyncadd.s32 $0xFFFFFFB0  }
0xc8: {  	_ =	swait.ge [sflag:s17], $0x50  }
0xc9: {  	[sflag:s17] =	ssyncset.done $0x0  }
0xca: {  	[sflag:s17] =	ssyncadd.s32 $0xFFFFFFB0  }
0xcb: {  	[tilespmem:s18], [sflag:$0x7] =	stream.indirect.gather [hbm4b:s4+s13], $0x80, s8, s13, $0xb8;
	[tilespmem:$0x1DC80] =	vst v63  }
0xcc: {  	_ =	swait.ge [sflag:s23], $0x2800  }
0xcd: {  	[sflag:s23] =	ssyncset.done $0x0;
	s28 =	rddreg [dreg:$0x15]  }
0xce: {  	[sflag:s23] =	ssyncadd.s32 $0xFFFFD800;
	s26 =	sadd.s32 s25, s28;
	s28 =	rddreg [dreg:$0x14]  }
0xcf: {  	[tilespmem:s10], [sflag:$0x4] =	stream.linear.gather [hbm4b:s26+s3], $0x50, $0x38;
	[tilespmem:$0x1DC80] =	vst v63  }
0xd0: {  	s26 =	sadd.s32 s25, s28  }
0xd1: {  	[tilespmem:s11], [sflag:$0x4] =	stream.linear.gather [hbm4b:s26+s3], $0x50, $0x38;
	[tilespmem:$0x1DC80] =	vst v63  }
0xd2: {  	s25 =	sadd.s32 $0x28, s25;
	_ =	swait.ge [sflag:s19], $0x50  }
0xd3: {  	p1 =	sne.s32 s25, $0x4D8;
	[sflag:s19] =	ssyncset.done $0x0  }
.Ltmp3:
0xd4: {  	[sflag:s19] =	ssyncadd.s32 $0xFFFFFFB0;
	(pc) =	sbr.rel @p1 .LBB2_2-.Ltmp3, $4  }
.Ltmp4:
0xd5: {  	_ =	swait.ge [sflag:s19], $0x50;
	(pc) =	sbr.rel @!p1 .LBB2_5-.Ltmp4, $4  }
0xd6: {  	[sflag:s19] =	ssyncset.done $0x0  }
0xd7: {  	s24 =	sadd.s32 $0x140, s24;
	[sflag:s19] =	ssyncadd.s32 $0xFFFFFFB0  }
0xd8: {  	[tilespmem:s20], [sflag:$0x8] =	stream.indirect.gather [hbm4b:s4+s13], $0x80, s10, s13, $0xb8;
	[tilespmem:$0x1DC80] =	vst v63  }
0xd9: {  	_ = 	snop  }
.LBB2_6:
0xda: {  	_ =	sfence.sel $0x180000  }
0xdb: {  	[bflag:$0x0] =	sbarrier.arrive $0xFFFF  }
0xdc: {  	_ =	strace $0x9000004D  }
0xdd: {  	s0 =	stileid.u32;
	[bflag:$0x2] =	sbarrier.arrive $0xFFFF  }
0xde: {  	p0 =	sne.s32 s0, $0x0;
	s0 =	rddreg [dreg:$0x2]  }
0xdf: {  	s0 =	sadd.s32 @!p0 $0x100000, s0  }
0xe0: {  	[sflag:s0] =	ssyncadd.tile.s32 @!p0 $0x1;
	_ =	shalt  }
.Lfunc_end2:
_tile_overlayer_lowered:
.L_overlay_start_2:
0xe1: {  	(tag) =	ssettag $0x2  }
0xe2: {  	s0 =	rddreg [dreg:$0x0];
	s2 =	stileid.u32  }
0xe3: {  	s1 =	rddreg [dreg:$0x1];
	p0 =	sne.s32 s2, $0x0  }
0xe4: {  	s3 =	rddreg [dreg:$0x2];
	[bflag:$0x3] =	sbarrier.arrive $0xFFFF;
	s2 =	simm.s32 @!p0 $0x1C0D  }
0xe5: {  	[timem:s3], [sflag:s2] =	dma.local @!p0 [hbm:s0], s1  }
0xe6: {  	s0 =	simm.s32 @!p0 $0xD  }
0xe7: {  	_ =	swait.ge @!p0 [sflag:s0], s1  }
0xe8: {  	s1 =	ssub.s32 @!p0 $0x0, s1;
	[sflag:s0] =	ssyncset.done @!p0 $0x0  }
0xe9: {  	[sflag:s0] =	ssyncadd.s32 @!p0 s1  }
0xea: {  	[bflag:$0x3] =	sbarrier.arrive $0xFFFF  }
0xeb: {  	_ =	shalt  }

// kernel: kernel.8.cloned.1.call-start
scs
__scs_entry_jumppad:
0x0: {  	(pc) =	sbr.rel $0x88, $3  }
0x1: {  	(tag) =	ssettag $0x0;
	lr =	simm.s32 $0x1  }
0x2: {  	[smem:$0x3F99] =	sst lr;
	_ =	strace $0xD0000000  }
0x3: {  	_ = 	snop  }
0x4: {  	_ = 	snop  }
0x5: {  	_ = 	snop  }
0x6: {  	_ = 	snop  }
0x7: {  	_ = 	snop  }
__scs_overlays_trampoline_lowered:
0x8: {  	[smem:$0x3FA8] =	sst s0  }
0x9: {  	[smem:$0x3FA9] =	sst s1  }
0xa: {  	[smem:$0x3FAA] =	sst s2  }
0xb: {  	[smem:$0x3FAB] =	sst s3  }
0xc: {  	[smem:$0x3FAC] =	sst s4  }
0xd: {  	[smem:$0x3FAD] =	sst s5  }
0xe: {  	[smem:$0x3FAE] =	sst s6  }
0xf: {  	[smem:$0x3FAF] =	sst s7  }
0x10: {  	[smem:$0x3FB0] =	sst s8  }
0x11: {  	[smem:$0x3FB1] =	sst s9;
	s0 =	simm.s32 @!p0 $0x0  }
0x12: {  	s1 =	sld [smem:$0x3F97];
	s0 =	simm.s32 @p0 $0x1  }
0x13: {  	[smem:$0x3FB2] =	sst s0;
	s0 =	simm.s32 @!p1 $0x0  }
0x14: {  	s2 =	sld [smem:$0x3F96];
	s0 =	simm.s32 @p1 $0x1  }
0x15: {  	[smem:$0x3FB3] =	sst s0;
	s0 =	simm.s32 @!p2 $0x0  }
0x16: {  	s3 =	sld [smem:$0x3FDB];
	s0 =	simm.s32 @p2 $0x1  }
0x17: {  	s4 =	simm.s32 $0x1BF5;
	[smem:$0x3FB5] =	sst s0  }
0x18: {  	s0 =	sld [smem:$0x3F98];
	_ =	swait.ge [sflag:s4], $0x0  }
0x19: {  	s7 =	sld [smem:$0x3F99]  }
0x1a: {  	s8 =	sadd.s32 $0xFFFFE003, lr  }
0x1b: {  	s9 =	sadd.s32 $0xFFFFFEF7, lr;
	s5 =	simm.s32 $0xFFFFFFFF;
	p2 =	slt.u32 s8, $0xFFFFF086  }
0x1c: {  	p1 =	slt.u32 s9, $0xF7A;
	s5 =	simm.s32 @!p2 $0x0  }
0x1d: {  	s5 =	simm.s32 @p1 $0x1;
	p0 =	seq.s32 s7, s2  }
0x1e: {  	s7 =	smul.u32 @!p0 $0xF7A, s2;
	p2 =	seq.s32 @!p0 s5, $0x0  }
0x1f: {  	s9 =	smul.u32 $0xF7A, s1;
	s8 =	simm.s32 @!p0 $0x1BF5;
	p2 =	por !p2, p0  }
0x20: {  	[sflag:s8] =	ssyncset.s32 @!p0 $0xFFFFF086;
	s6 =	sadd.s32 @!p0 s3, s7;
	s7 =	simm.s32 @!p0 $0x108  }
0x21: {  	s3 =	sadd.s32 s3, s9;
	s6 =	sadd.s32 @!p0 $0x88, s6;
	s7 =	simm.s32 @p2 $0x1082  }
0x22: {  	[simem:s7], [sflag:s8] =	dma.local @!p0 [hbm:s6], $0xF7A  }
0x23: {  	s9 =	sor.u32 $0xD0000000, s2;
	s6 =	simm.s32 $0x108;
	_ =	swait.ge @!p0 [sflag:s8], $0x0  }
0x24: {  	s3 =	sadd.s32 $0x88, s3;
	s6 =	simm.s32 @!p1 $0x1082;
	[sflag:s4] =	ssyncset.s32 $0xFFFFF086  }
0x25: {  	[simem:s6], [sflag:s4] =	dma.local [hbm:s3], $0xF7A  }
0x26: {  	[smem:$0x3F99] =	sst s1;
	(tag) =	ssettag s2;
	_ =	strace s9  }
0x27: {  	s1 =	sld [smem:$0x3FA9]  }
0x28: {  	s2 =	sld [smem:$0x3FAA]  }
0x29: {  	s4 =	sld [smem:$0x3FAC]  }
0x2a: {  	p0 =	seq.s32 s5, $0x0;
	s5 =	sld [smem:$0x3FAD]  }
0x2b: {  	s6 =	sld [smem:$0x3FAE]  }
0x2c: {  	s7 =	sld [smem:$0x3FAF]  }
0x2d: {  	s3 =	simm.s32 $0x108;
	s8 =	sld [smem:$0x3FB0]  }
0x2e: {  	s3 =	simm.s32 @!p0 $0x1082;
	s9 =	sld [smem:$0x3FB1]  }
0x2f: {  	lr =	sadd.s32 s0, s3;
	s0 =	sld [smem:$0x3FA8]  }
0x30: {  	s3 =	sld [smem:$0x3FAB]  }
0x31: {  	[smem:$0x3FB4] =	sst s10  }
0x32: {  	s10 =	sld [smem:$0x3FB2];
	_ =	sdelay $0x3  }
0x33: {  	p0 =	seq.s32 s10, $0x1;
	s10 =	sld [smem:$0x3FB4];
	_ =	sdelay $0x3  }
0x34: {  	[smem:$0x3FB4] =	sst s10  }
0x35: {  	s10 =	sld [smem:$0x3FB3];
	_ =	sdelay $0x3  }
0x36: {  	p1 =	seq.s32 s10, $0x1;
	s10 =	sld [smem:$0x3FB4];
	_ =	sdelay $0x3  }
0x37: {  	[smem:$0x3FB4] =	sst s10  }
0x38: {  	s10 =	sld [smem:$0x3FB5]  }
0x39: {  	_ = 	snop;
	(pc) =	sbr.ind lr, $3  }
0x3a: {  	_ = 	snop  }
0x3b: {  	_ = 	snop  }
0x3c: {  	p2 =	seq.s32 s10, $0x1;
	s10 =	sld [smem:$0x3FB4]  }
0x3d: {  	_ =	shalt  }
0x3e: {  	_ =	shalt  }
0x3f: {  	_ =	shalt  }
0x40: {  	_ =	shalt  }
0x41: {  	_ =	shalt  }
0x42: {  	_ =	shalt  }
0x43: {  	_ =	shalt  }
0x44: {  	_ =	shalt  }
0x45: {  	_ =	shalt  }
0x46: {  	_ =	shalt  }
0x47: {  	_ =	shalt  }
0x48: {  	_ =	shalt  }
0x49: {  	_ =	shalt  }
0x4a: {  	_ =	shalt  }
0x4b: {  	_ =	shalt  }
0x4c: {  	_ =	shalt  }
0x4d: {  	_ =	shalt  }
0x4e: {  	_ =	shalt  }
0x4f: {  	_ =	shalt  }
0x50: {  	_ =	shalt  }
0x51: {  	_ =	shalt  }
0x52: {  	_ =	shalt  }
0x53: {  	_ =	shalt  }
0x54: {  	_ =	shalt  }
0x55: {  	_ =	shalt  }
0x56: {  	_ =	shalt  }
0x57: {  	_ =	shalt  }
0x58: {  	_ =	shalt  }
0x59: {  	_ =	shalt  }
0x5a: {  	_ =	shalt  }
0x5b: {  	_ =	shalt  }
0x5c: {  	_ =	shalt  }
0x5d: {  	_ =	shalt  }
0x5e: {  	_ =	shalt  }
0x5f: {  	_ =	shalt  }
0x60: {  	_ =	shalt  }
0x61: {  	_ =	shalt  }
0x62: {  	_ =	shalt  }
0x63: {  	_ =	shalt  }
0x64: {  	_ =	shalt  }
0x65: {  	_ =	shalt  }
0x66: {  	_ =	shalt  }
0x67: {  	_ =	shalt  }
0x68: {  	_ =	shalt  }
0x69: {  	_ =	shalt  }
0x6a: {  	_ =	shalt  }
0x6b: {  	_ =	shalt  }
0x6c: {  	_ =	shalt  }
0x6d: {  	_ =	shalt  }
0x6e: {  	_ =	shalt  }
0x6f: {  	_ =	shalt  }
0x70: {  	_ =	shalt  }
0x71: {  	_ =	shalt  }
0x72: {  	_ =	shalt  }
0x73: {  	_ =	shalt  }
0x74: {  	_ =	shalt  }
0x75: {  	_ =	shalt  }
0x76: {  	_ =	shalt  }
0x77: {  	_ =	shalt  }
0x78: {  	_ =	shalt  }
0x79: {  	_ =	shalt  }
0x7a: {  	_ =	shalt  }
0x7b: {  	_ =	shalt  }
0x7c: {  	_ =	shalt  }
0x7d: {  	_ =	shalt  }
0x7e: {  	_ =	shalt  }
0x7f: {  	_ =	shalt  }
0x80: {  	_ =	shalt  }
0x81: {  	_ =	shalt  }
0x82: {  	_ =	shalt  }
0x83: {  	_ =	shalt  }
0x84: {  	_ =	shalt  }
0x85: {  	_ =	shalt  }
0x86: {  	_ =	shalt  }
0x87: {  	_ =	shalt  }
.Lfunc_end0:
.L_simem_size_0:
called_computation_lowered:
.L_overlay_start_0:
0x88: {  	s2 =	sld [smem:$0x3FD9]  }
0x89: {  	s3 =	sld [smem:$0x3FFE];
	_ =	sdelay $0x1  }
0x8a: {  	s1 =	srdreg.scid  }
0x8b: {  	s0 =	sand.u32 $0x1, s1  }
0x8c: {  	s17 =	sshll.u32 s0, $0xA;
	s2 =	sadd.s32 s3, s2  }
0x8d: {  	s2 =	sadd.s32 s2, s17  }
0x8e: {  	[smem:$0x3FC0] =	sst s2  }
0x8f: {  	_ = 	snop  }
0x90: {  	s2 =	sld [smem:$0x3FD0];
	(tm) =	ssettm $0x1  }
0x91: {  	s18 =	sld [smem:$0x3FFB];
	_ =	sdelay $0x3  }
0x92: {  	_ =	strace s18  }
0x93: {  	s3 =	sld [smem:$0x3FFC];
	_ =	sdelay $0x3  }
0x94: {  	_ =	strace s3  }
0x95: {  	s3 =	sld [smem:$0x3FFD];
	_ =	sdelay $0x3  }
0x96: {  	_ =	strace s3  }
0x97: {  	_ =	strace $0x8FFFFFFF  }
0x98: {  	s19 =	sld [smem:$0x3FDB];
	_ =	sdelay $0x1  }
0x99: {  	s4 =	simm.s32 $_scs_section_size  }
0x9a: {  	s5 =	simm.s32 $_size__tile_overlayer_lowered;
	s6 =	simm.s32 $_tile_overlayer_lowered  }
0x9b: {  	s22 =	simm.s32 $0x1BFF;
	s21 =	sshll.u32 s6, $0x1;
	s3 =	sadd.s32 s4, s19  }
0x9c: {  	s7 =	simm.s32 $0x0;
	s20 =	sshll.u32 s5, $0x1;
	s5 =	sadd.s32 s21, s3  }
0x9d: {  	[timem:s7], [sflag:s22] =	dma.local [hbm:s5], s20  }
0x9e: {  	_ =	swait.ge [sflag:s22], s20  }
0x9f: {  	s4 =	ssub.s32 $0x0, s20;
	[sflag:s22] =	ssyncset.done $0x0  }
0xa0: {  	[sflag:s22] =	ssyncadd.s32 s4;
	_ =	sdelay $0x1  }
0xa1: {  	s23 =	simm.s32 $0x1B8B  }
0xa2: {  	_ =	swait.ge [sflag:s23], $0x1  }
0xa3: {  	[sflag:s23] =	ssyncset.done $0x0  }
0xa4: {  	s25 =	simm.s32 $0x1B8E;
	s24 =	sld [smem:$0x3FFE];
	[sflag:s23] =	ssyncadd.s32 $0xFFFFFFFF  }
0xa5: {  	s26 =	simm.s32 $execute0_lowered;
	[smem:$0x3FD2] =	sst s25  }
0xa6: {  	s5 =	sshll.u32 s26, $0x1;
	_ =	strace $0x80000046;
	[dreg:$0x1] =	wrdreg $0xFFFFFFFF  }
0xa7: {  	s28 =	simm.s32 $_size_execute0_lowered;
	s3 =	sadd.s32 s3, s5;
	[dreg:$0x0] =	wrdreg $0x0  }
0xa8: {  	s5 =	sshll.u32 s28, $0x1;
	[dreg:$0x2] =	wrdreg s3  }
0xa9: {  	[dreg:$0x3] =	wrdreg s5  }
0xaa: {  	[dreg:$0x4] =	wrdreg $0xC0  }
0xab: {  	_ =	task [dreg:s7], $0x5FFFF  }
0xac: {  	[dreg:$0x1] =	wrdreg $0xFFFFFFFF  }
0xad: {  	[dreg:$0x0] =	wrdreg $0x60  }
0xae: {  	[dreg:$0x2] =	wrdreg s24  }
0xaf: {  	[dreg:$0x3] =	wrdreg s2  }
0xb0: {  	[dreg:$0x4] =	wrdreg $0x68000  }
0xb1: {  	[dreg:$0x5] =	wrdreg $0x9  }
0xb2: {  	_ =	task.clear_ibuf [dreg:s7], $0x6FFFF;
	_ =	strace $0x90000046  }
0xb3: {  	s29 =	simm.s32 $0x9;
	_ =	strace $0x80000048  }
0xb4: {  	_ =	swait.ge [sflag:s29], $0x1  }
0xb5: {  	[sflag:s29] =	ssyncadd.s32 $0xFFFFFFFF  }
0xb6: {  	_ =	strace $0x90000048  }
0xb7: {  	_ =	sfence  }
0xb8: {  	s30 =	sld [smem:$0x0];
	_ =	sdelay $0x2  }
0xb9: {  	s31 =	sshll.u32 s1, $0xD;
	s1 =	sshrl.u32 s1, $0x2  }
0xba: {  	s3 =	sand.u32 $0x4000, s31;
	s1 =	sadd.s32 s1, s30  }
0xbb: {  	s0 =	sor.u32 s3, s0;
	s1 =	sshll.u32 s1, $0x11  }
0xbc: {  	s0 =	sor.u32 s1, s0  }
0xbd: {  	s0 =	sadd.s32 $0x8F2B, s0  }
0xbe: {  	[sflag:s0] =	ssyncadd.remote.s32 $0x1  }
0xbf: {  	_ =	sfence.sel $0xFFFF  }
0xc0: {  	[dreg:$0x0] =	wrdreg $0xFFFFFFFF;
	(pc) =	sbr.abs _section_cstart, $3  }
0xc1: {  	[dreg:$0x1] =	wrdreg $0xFFFFFFFF  }
0xc2: {  	_ =	task.clear_ibuf [dreg:s7], $0x2FFFF;
	_ =	strace $0x9FFFFFFF  }
0xc3: {  	(tm) =	ssettm $0x7FFFFFFF  }
tec
execute0_lowered:
.L_overlay_start_1:
0x0: {  	(tag) =	ssettag $0x1  }
0x1: {  	s6 =	rddreg [dreg:$0x0]  }
0x2: {  	s0 =	srdreg.scid;
	s2 =	rddreg [dreg:$0x1]  }
0x3: {  	s3 =	rddreg [dreg:$0x2];
	s4 =	simm.s32 $0x0;
	s16 =	simm.s32 $0x100  }
0x4: {  	s17 =	simm.s32 $0x180;
	s18 =	simm.s32 $0x1;
	s19 =	simm.s32 $0x2  }
0x5: {  	s20 =	simm.s32 $0x3;
	s21 =	simm.s32 $0x4;
	s22 =	simm.s32 $0x0  }
0x6: {  	s7 =	sand.u32 $0x1, s0;
	s0 =	stileid.u32;
	[smem:$0x7FF] =	sst s4  }
0x7: {  	s13 =	sadd.s32 $0x22800, s6;
	s15 =	sadd.s32 $0x128400, s3;
	s9 =	smul.u32 $0x4F000, s0  }
0x8: {  	s1 =	sshll.u32 s7, $0x4;
	s10 =	ssub.s32 $0x2, s7;
	s7 =	smul.u32 $0x138C00, s7  }
0x9: {  	s12 =	smul.u32 $0x13C00, s0;
	p0 =	seq.s32 s0, $0xF;
	s5 =	sor.u32 s0, s1  }
0xa: {  	s1 =	rddreg [dreg:$0x3];
	_ =	strace $0x80000047;
	s11 =	sshrl.u32 s10, $0x1  }
0xb: {  	s5 =	smul.u32 $0x500, s5;
	s9 =	sshrl.u32 s9, $0x2;
	s10 =	ssub.s32 s10, s11  }
0xc: {  	s29 =	sadd.s32 s12, s7;
	s7 =	sshrl.u32 s7, $0x3;
	s11 =	simm.s32 $0x5  }
0xd: {  	s12 =	sshrl.u32 @p0 s15, $0x3;
	s15 =	simm.s32 $0x80;
	s14 =	sadd.s32 s9, s3  }
0xe: {  	s30 =	sshrl.u32 s29, $0x3;
	s31 =	sadd.s32 s13, s7;
	s9 =	smax.u32 s10, $0x1  }
0xf: {  	s10 =	simm.s32 $0x2800;
	s8 =	sadd.s32 s5, s6;
	s5 =	sadd.s32 $0x20000, s6  }
0x10: {  	s7 =	sadd.s32 s13, s30;
	s13 =	sshll.u32 @!p0 s0, $0x6;
	s14 =	sshrl.u32 @!p0 s14, $0x3  }
0x11: {  	s6 =	sadd.s32 $0x16000, s8;
	s8 =	sadd.s32 $0x25080, s31;
	s13 =	sor.u32 @!p0 $0x1C05, s13  }
.LBB2_1:
0x12: {  	[tilespmem:s10], [sflag:$0x5] =	stream.linear.gather [hbm4b:s2+s4], $0x4000, $0x38;
	[tilespmem:$0x1A0C0] =	vst v63  }
0x13: {  	_ =	swait.ge [sflag:s11], $0x4000  }
0x14: {  	[sflag:s11] =	ssyncset.done $0x0  }
0x15: {  	s23 =	simm.s32 @p0 $0x1FC5;
	[sflag:s11] =	ssyncadd.s32 $0xFFFFC000  }
0x16: {  	[spmem:s12], [sflag:s23] =	dma.local @p0 [hbm:s5], $0x2100  }
0x17: {  	s23 =	simm.s32 @p0 $0x5  }
0x18: {  	_ =	swait.ge @p0 [sflag:s23], $0x2100  }
0x19: {  	[sflag:s23] =	ssyncset.done @p0 $0x0  }
0x1a: {  	[sflag:s23] =	ssyncadd.s32 @p0 $0xFFFFDF00;
	s23 =	simm.s32 @!p0 $0x5  }
0x1b: {  	[spmem:s14], [sflag:s13] =	dma.local @!p0 [hbm:s5], $0x2780  }
0x1c: {  	_ =	swait.ge @!p0 [sflag:s23], $0x2780  }
0x1d: {  	[sflag:s23] =	ssyncset.done @!p0 $0x0  }
0x1e: {  	[sflag:s23] =	ssyncadd.s32 @!p0 $0xFFFFD880  }
0x1f: {  	[bflag:$0x0] =	sbarrier.arrive $0xFFFF  }
0x20: {  	[tilespmem:s4], [sflag:$0x5] =	stream.linear.gather [hbm4b:s6+s4], $0x2800, $0x38;
	[tilespmem:$0x1A0C0] =	vst v63  }
0x21: {  	_ =	swait.ge [sflag:s11], $0x2800  }
0x22: {  	[sflag:s11] =	ssyncset.done $0x0  }
0x23: {  	[sflag:s11] =	ssyncadd.s32 $0xFFFFD800  }
0x24: {  	[spmem:s3] =	stream.indirect.scatter.add.f32 [tilespmem:s10], [sflag:$0x1], $0x80, s4, s15, $0xb8;
	[tilespmem:$0x1A0C0] =	vst v63  }
0x25: {  	_ = 	snop  }
0x26: {  	[spmem:s3] =	stream.indirect.scatter.add.f32 [tilespmem:s10], [sflag:$0x2], $0x80, s15, s15, $0xb8;
	[tilespmem:$0x1A0C0] =	vst v63  }
0x27: {  	_ = 	snop  }
0x28: {  	[spmem:s3] =	stream.indirect.scatter.add.f32 [tilespmem:s10], [sflag:$0x3], $0x80, s16, s15, $0xb8;
	[tilespmem:$0x1A0C0] =	vst v63  }
0x29: {  	_ = 	snop  }
0x2a: {  	[spmem:s3] =	stream.indirect.scatter.add.f32 [tilespmem:s10], [sflag:$0x4], $0x80, s17, s15, $0xb8;
	[tilespmem:$0x1A0C0] =	vst v63  }
0x2b: {  	_ =	swait.ge [sflag:s18], $0x4000  }
0x2c: {  	[sflag:s18] =	ssyncset.done $0x0  }
0x2d: {  	s29 =	simm.s32 $0x200;
	[sflag:s18] =	ssyncadd.s32 $0xFFFFC000  }
0x2e: {  	[spmem:s3] =	stream.indirect.scatter.add.f32 [tilespmem:s10], [sflag:$0x1], $0x80, s29, s15, $0xb8;
	[tilespmem:$0x1A0C0] =	vst v63  }
0x2f: {  	_ =	swait.ge [sflag:s19], $0x4000  }
0x30: {  	[sflag:s19] =	ssyncset.done $0x0  }
0x31: {  	s30 =	simm.s32 $0x280;
	[sflag:s19] =	ssyncadd.s32 $0xFFFFC000  }
0x32: {  	[spmem:s3] =	stream.indirect.scatter.add.f32 [tilespmem:s10], [sflag:$0x2], $0x80, s30, s15, $0xb8;
	[tilespmem:$0x1A0C0] =	vst v63  }
0x33: {  	_ =	swait.ge [sflag:s20], $0x4000  }
0x34: {  	[sflag:s20] =	ssyncset.done $0x0  }
0x35: {  	s31 =	simm.s32 $0x300;
	[sflag:s20] =	ssyncadd.s32 $0xFFFFC000  }
0x36: {  	[spmem:s3] =	stream.indirect.scatter.add.f32 [tilespmem:s10], [sflag:$0x3], $0x80, s31, s15, $0xb8;
	[tilespmem:$0x1A0C0] =	vst v63  }
0x37: {  	_ =	swait.ge [sflag:s21], $0x4000  }
0x38: {  	[sflag:s21] =	ssyncset.done $0x0  }
0x39: {  	s24 =	simm.s32 $0x380;
	s23 =	simm.s32 $0xFFFF7000;
	[sflag:s21] =	ssyncadd.s32 $0xFFFFC000  }
.LBB2_2:
0x3a: {  	[spmem:s3] =	stream.indirect.scatter.add.f32 [tilespmem:s10], [sflag:$0x4], $0x80, s24, s15, $0xb8;
	[tilespmem:$0x1A0C0] =	vst v63  }
0x3b: {  	s24 =	smov.u32 s23  }
0x3c: {  	p1 =	sne.s32 s23, $0xFFFFF800;
	s23 =	sadd.s32 $0x800, s23;
	_ =	swait.ge [sflag:s18], $0x4000  }
0x3d: {  	s24 =	sshra.s32 s24, $0x2;
	[sflag:s18] =	ssyncset.done $0x0  }
0x3e: {  	s25 =	sadd.s32 $0x2800, s24;
	[sflag:s18] =	ssyncadd.s32 $0xFFFFC000  }
0x3f: {  	[spmem:s3] =	stream.indirect.scatter.add.f32 [tilespmem:s10], [sflag:$0x1], $0x80, s25, s15, $0xb8;
	[tilespmem:$0x1A0C0] =	vst v63  }
0x40: {  	_ =	swait.ge [sflag:s19], $0x4000  }
0x41: {  	[sflag:s19] =	ssyncset.done $0x0  }
0x42: {  	s25 =	sadd.s32 $0x2880, s24;
	[sflag:s19] =	ssyncadd.s32 $0xFFFFC000  }
0x43: {  	[spmem:s3] =	stream.indirect.scatter.add.f32 [tilespmem:s10], [sflag:$0x2], $0x80, s25, s15, $0xb8;
	[tilespmem:$0x1A0C0] =	vst v63  }
0x44: {  	_ =	swait.ge [sflag:s20], $0x4000  }
0x45: {  	[sflag:s20] =	ssyncset.done $0x0  }
.Ltmp0:
0x46: {  	s25 =	sadd.s32 $0x2900, s24;
	[sflag:s20] =	ssyncadd.s32 $0xFFFFC000;
	(pc) =	sbr.rel @p1 .LBB2_2-.Ltmp0, $4  }
0x47: {  	[spmem:s3] =	stream.indirect.scatter.add.f32 [tilespmem:s10], [sflag:$0x3], $0x80, s25, s15, $0xb8;
	[tilespmem:$0x1A0C0] =	vst v63  }
0x48: {  	_ =	swait.ge [sflag:s21], $0x4000  }
0x49: {  	[sflag:s21] =	ssyncset.done $0x0  }
0x4a: {  	s24 =	sadd.s32 $0x2980, s24;
	[sflag:s21] =	ssyncadd.s32 $0xFFFFC000  }
0x4b: {  	[spmem:s3] =	stream.indirect.scatter.add.f32 [tilespmem:s10], [sflag:$0x4], $0x80, s24, s15, $0xb8;
	[tilespmem:$0x1A0C0] =	vst v63  }
0x4c: {  	_ =	swait.ge [sflag:s18], $0x4000  }
0x4d: {  	[sflag:s18] =	ssyncset.done $0x0  }
0x4e: {  	[sflag:s18] =	ssyncadd.s32 $0xFFFFC000  }
0x4f: {  	_ =	swait.ge [sflag:s19], $0x4000  }
0x50: {  	[sflag:s19] =	ssyncset.done $0x0  }
0x51: {  	[sflag:s19] =	ssyncadd.s32 $0xFFFFC000  }
0x52: {  	_ =	swait.ge [sflag:s20], $0x4000  }
0x53: {  	[sflag:s20] =	ssyncset.done $0x0  }
0x54: {  	[sflag:s20] =	ssyncadd.s32 $0xFFFFC000  }
0x55: {  	_ =	swait.ge [sflag:s21], $0x4000  }
0x56: {  	[sflag:s21] =	ssyncset.done $0x0  }
0x57: {  	[sflag:s21] =	ssyncadd.s32 $0xFFFFC000  }
0x58: {  	s23 =	simm.s32 @p0 $0x1FC5;
	[bflag:$0x0] =	sbarrier.arrive $0xFFFF  }
0x59: {  	[hbm:s8], [sflag:s23] =	dma.local @p0 [spmem:s12], $0x2100  }
0x5a: {  	s23 =	simm.s32 @p0 $0x5  }
0x5b: {  	s22 =	sadd.s32 $0x1, s22;
	_ =	swait.ge @p0 [sflag:s23], $0x2100  }
0x5c: {  	p1 =	sne.s32 s22, s9;
	[sflag:s23] =	ssyncset.done @p0 $0x0  }
.Ltmp1:
0x5d: {  	[sflag:s23] =	ssyncadd.s32 @p0 $0xFFFFDF00;
	s23 =	simm.s32 @!p0 $0x5;
	(pc) =	sbr.rel @p1 .LBB2_1-.Ltmp1, $4  }
0x5e: {  	[hbm:s7], [sflag:s13] =	dma.local @!p0 [spmem:s14], $0x2780  }
0x5f: {  	_ =	swait.ge @!p0 [sflag:s23], $0x2780  }
0x60: {  	[sflag:s23] =	ssyncset.done @!p0 $0x0  }
0x61: {  	[sflag:s23] =	ssyncadd.s32 @!p0 $0xFFFFD880  }
0x62: {  	_ =	sfence.sel $0x180000  }
0x63: {  	[bflag:$0x0] =	sbarrier.arrive $0xFFFF  }
0x64: {  	p0 =	sne.s32 s0, $0x0;
	_ =	strace $0x90000047  }
0x65: {  	s0 =	sadd.s32 @!p0 $0x100000, s1;
	[bflag:$0x2] =	sbarrier.arrive $0xFFFF  }
0x66: {  	[sflag:s0] =	ssyncadd.tile.s32 @!p0 $0x1;
	_ =	shalt  }
.Lfunc_end2:
_tile_overlayer_lowered:
.L_overlay_start_2:
0x67: {  	(tag) =	ssettag $0x2  }
0x68: {  	s0 =	rddreg [dreg:$0x0];
	s2 =	stileid.u32  }
0x69: {  	s1 =	rddreg [dreg:$0x1];
	p0 =	sne.s32 s2, $0x0  }
0x6a: {  	s3 =	rddreg [dreg:$0x2];
	[bflag:$0x3] =	sbarrier.arrive $0xFFFF;
	s2 =	simm.s32 @!p0 $0x1C05  }
0x6b: {  	[timem:s3], [sflag:s2] =	dma.local @!p0 [hbm:s0], s1  }
0x6c: {  	s0 =	simm.s32 @!p0 $0x5  }
0x6d: {  	_ =	swait.ge @!p0 [sflag:s0], s1  }
0x6e: {  	s1 =	ssub.s32 @!p0 $0x0, s1;
	[sflag:s0] =	ssyncset.done @!p0 $0x0  }
0x6f: {  	[sflag:s0] =	ssyncadd.s32 @!p0 s1  }
0x70: {  	[bflag:$0x3] =	sbarrier.arrive $0xFFFF  }
0x71: {  	_ =	shalt  }

</sc_bundles>
